<compile_context>
chip_gen: v7x
topology: tpu7x:2x2x1
jax: 0.10.2.dev20260603
libtpu: 0.0.44.dev20260713+nightly
codegen_flags: <defaults>
</compile_context>

<pallas_src>
import jax
import jax.numpy as jnp
from jax import lax
from jax.experimental import pallas as pl
from jax.experimental.pallas import tpu as pltpu
from jax.experimental.pallas import tpu_sc as plsc

N = 10000
E = 320000
F = 128
G = 100
NCLS = 3
NCORE = 2
NSUB = 16
NW = NCORE * NSUB
EPW = E // NW
B2 = 80
NH = EPW // B2
NPAIR = (NH - 1) // 2
RPS_BIG = 640
RPS_LAST = N - (NSUB - 1) * RPS_BIG


def _segsum_sc(h, zeros, packed_rows):
  mesh = plsc.VectorSubcoreMesh(core_axis_name="c", subcore_axis_name="s",
                                num_cores=NCORE, num_subcores=NSUB)

  def body(h_hbm, z_hbm, pk_hbm, out_hbm, pk_v, isrc, idst, rows_v,
           acc, sem_g):
    c = lax.axis_index("c")
    s = lax.axis_index("s")
    r0 = s * RPS_BIG

    w = c * NSUB + s
    pltpu.sync_copy(pk_hbm.at[w], pk_v)

    def unpack(hb, b):
      for k in range(B2 // 16):
        v = pk_v[hb, pl.ds(16 * k, 16)]
        isrc[b, pl.ds(16 * k, 16)] = lax.bitwise_and(v, jnp.int32(0xFFFF))
        idst[b, pl.ds(16 * k, 16)] = lax.shift_right_logical(v, jnp.int32(16))

    r0h = rows_v.at[pl.ds(0, B2)]
    r1h = rows_v.at[pl.ds(B2, B2)]

    unpack(0, 0)
    pltpu.async_copy(h_hbm.at[isrc.at[0]], r0h, sem_g)

    for nrows, pred in ((RPS_BIG, s < NSUB - 1), (RPS_LAST, s == NSUB - 1)):
      @pl.when(jnp.logical_and(c == 0, pred))
      def _(nrows=nrows):
        pltpu.sync_copy(h_hbm.at[pl.ds(r0, nrows)], acc.at[pl.ds(r0, nrows)])

      @pl.when(jnp.logical_and(c != 0, pred))
      def _(nrows=nrows):
        pltpu.sync_copy(z_hbm.at[pl.ds(r0, nrows)], acc.at[pl.ds(r0, nrows)])

    plsc.subcore_barrier()

    def step(jj, carry):
      h0 = 2 * jj
      unpack(h0 + 1, 1)
      pltpu.make_async_copy(h_hbm.at[isrc.at[0]], r0h, sem_g).wait()
      pltpu.async_copy(h_hbm.at[isrc.at[1]], r1h, sem_g)
      pltpu.sync_copy(r0h, acc.at[idst.at[0]], add=True)
      unpack(h0 + 2, 0)
      pltpu.make_async_copy(h_hbm.at[isrc.at[1]], r1h, sem_g).wait()
      pltpu.async_copy(h_hbm.at[isrc.at[0]], r0h, sem_g)
      pltpu.sync_copy(r1h, acc.at[idst.at[1]], add=True)
      return carry

    lax.fori_loop(0, NPAIR, step, 0)
    pltpu.make_async_copy(h_hbm.at[isrc.at[0]], r0h, sem_g).wait()
    pltpu.sync_copy(r0h, acc.at[idst.at[0]], add=True)

    plsc.subcore_barrier()
    for nrows, pred in ((RPS_BIG, s < NSUB - 1), (RPS_LAST, s == NSUB - 1)):
      @pl.when(pred)
      def _(nrows=nrows):
        pltpu.sync_copy(acc.at[pl.ds(r0, nrows)],
                        out_hbm.at[c, pl.ds(r0, nrows)])

  f = pl.kernel(
      body,
      out_type=jax.ShapeDtypeStruct((NCORE, N, F), jnp.float32),
      mesh=mesh,
      scratch_types=[
          pltpu.VMEM((NH, B2), jnp.int32),
          pltpu.VMEM((2, B2), jnp.int32),
          pltpu.VMEM((2, B2), jnp.int32),
          pltpu.VMEM((2 * B2, F), jnp.float32),
          pltpu.VMEM_SHARED((N, F), jnp.float32),
          pltpu.SemaphoreType.DMA,
      ],
  )
  return f(h, zeros, packed_rows)


def _dot(a, b):
  return lax.dot_general(a, b, (((1,), (0,)), ((), ())),
                         preferred_element_type=jnp.float32)


def _mlp_tc(p, Wa, ba, Wb, bb, scale, shift):
  BR = 1000

  def body(p_ref, wa_ref, ba_ref, wb_ref, bb_ref, g_ref, b_ref, o_ref):
    t = p_ref[0] + p_ref[1]
    t = jnp.maximum(_dot(t, wa_ref[...]) + ba_ref[...], 0.0)
    t = _dot(t, wb_ref[...]) + bb_ref[...]
    t = jnp.maximum(t, 0.0)
    o_ref[...] = t * g_ref[...] + b_ref[...]

  return pl.pallas_call(
      body,
      grid=(N // BR,),
      in_specs=[
          pl.BlockSpec((NCORE, BR, F), lambda i: (0, i, 0)),
          pl.BlockSpec((F, F), lambda i: (0, 0)),
          pl.BlockSpec((1, F), lambda i: (0, 0)),
          pl.BlockSpec((F, F), lambda i: (0, 0)),
          pl.BlockSpec((1, F), lambda i: (0, 0)),
          pl.BlockSpec((1, F), lambda i: (0, 0)),
          pl.BlockSpec((1, F), lambda i: (0, 0)),
      ],
      out_specs=pl.BlockSpec((BR, F), lambda i: (i, 0)),
      out_shape=jax.ShapeDtypeStruct((N, F), jnp.float32),
  )(p, Wa, ba, Wb, bb, scale, shift)


def _mlp_pool_tc(p, Wa, ba, Wb, bb, scale, shift, Wf, bf):
  BR = 1000
  GB = BR // (N // G)

  def body(p_ref, wa_ref, ba_ref, wb_ref, bb_ref, g_ref, b_ref,
           wf_ref, bf_ref, o_ref):
    t = p_ref[0] + p_ref[1]
    t = jnp.maximum(_dot(t, wa_ref[...]) + ba_ref[...], 0.0)
    t = _dot(t, wb_ref[...]) + bb_ref[...]
    t = jnp.maximum(t, 0.0)
    t = t * g_ref[...] + b_ref[...]
    r = lax.broadcasted_iota(jnp.int32, (GB, BR), 0)
    cgrp = lax.broadcasted_iota(jnp.int32, (GB, BR), 1) // (N // G)
    pool = (r == cgrp).astype(jnp.float32)
    tp = _dot(pool, t)
    o_ref[0] = _dot(tp, wf_ref[...]) + bf_ref[...]

  return pl.pallas_call(
      body,
      grid=(N // BR,),
      in_specs=[
          pl.BlockSpec((NCORE, BR, F), lambda i: (0, i, 0)),
          pl.BlockSpec((F, F), lambda i: (0, 0)),
          pl.BlockSpec((1, F), lambda i: (0, 0)),
          pl.BlockSpec((F, F), lambda i: (0, 0)),
          pl.BlockSpec((1, F), lambda i: (0, 0)),
          pl.BlockSpec((1, F), lambda i: (0, 0)),
          pl.BlockSpec((1, F), lambda i: (0, 0)),
          pl.BlockSpec((F, NCLS), lambda i: (0, 0)),
          pl.BlockSpec((1, NCLS), lambda i: (0, 0)),
      ],
      out_specs=pl.BlockSpec((1, GB, NCLS), lambda i: (i, 0, 0)),
      out_shape=jax.ShapeDtypeStruct((N // BR, GB, NCLS), jnp.float32),
  )(p, Wa, ba, Wb, bb, scale, shift, Wf, bf).reshape(G, NCLS)


def kernel(x, edge_index, num_graphs, W1a, b1a, W1b, b1b, g1, be1,
           W2a, b2a, W2b, b2b, g2, be2, W3a, b3a, W3b, b3b, g3, be3, Wf, bf):
  packed = jnp.bitwise_or(edge_index[0],
                          jnp.left_shift(edge_index[1], 16))
  packed_rows = packed.reshape(NW, NH, B2)
  zeros = jnp.zeros((N, F), jnp.float32)
  inv = jnp.float32(1.0) / jnp.sqrt(jnp.float32(1.0 + 1e-5))

  h = x
  for Wa, ba, Wb, bb, g, be in ((W1a, b1a, W1b, b1b, g1, be1),
                                (W2a, b2a, W2b, b2b, g2, be2)):
    p = _segsum_sc(h, zeros, packed_rows)
    h = _mlp_tc(p, Wa, ba.reshape(1, F), Wb, bb.reshape(1, F),
                (g * inv).reshape(1, F), be.reshape(1, F))
  p = _segsum_sc(h, zeros, packed_rows)
  return _mlp_pool_tc(p, W3a, b3a.reshape(1, F), W3b, b3b.reshape(1, F),
                      (g3 * inv).reshape(1, F), be3.reshape(1, F),
                      Wf, bf.reshape(1, NCLS))

# --- scband reference (transcript-rebuilt; emitter-appended) ---
"""Pipeline reference for scband-gin-5497558139682 (READ-ONLY COPY).

The authoritative reference and input builder live on the scoring server;
editing this copy changes nothing except your own understanding.
"""

import jax, jax.numpy as jnp
import numpy as np

N = 10000
E = 320000
IN = 128
HID = 128
NC = 3
G = 100


def setup_inputs(seed: int = 0) -> dict:
    key = jax.random.key(seed)
    ks = jax.random.split(key, 24)
    inp = {}
    inp["x"] = jax.random.normal(ks[0], (N, IN), dtype=jnp.float32)
    inp["edge_index"] = jax.random.randint(ks[1], (2, E), 0, N, dtype=jnp.int32)
    inp["num_graphs"] = G
    def lin(k, fi, fo):
        return jax.random.normal(k, (fi, fo), dtype=jnp.float32) / np.sqrt(fi)
    # GINConv mlp 1: Linear(IN,HID), ReLU, Linear(HID,HID)
    inp["W1a"] = lin(ks[2], IN, HID); inp["b1a"] = jnp.zeros((HID,), jnp.float32)
    inp["W1b"] = lin(ks[3], HID, HID); inp["b1b"] = jnp.zeros((HID,), jnp.float32)
    inp["g1"] = jnp.ones((HID,), jnp.float32); inp["be1"] = jnp.zeros((HID,), jnp.float32)
    # GINConv mlp 2
    inp["W2a"] = lin(ks[4], HID, HID); inp["b2a"] = jnp.zeros((HID,), jnp.float32)
    inp["W2b"] = lin(ks[5], HID, HID); inp["b2b"] = jnp.zeros((HID,), jnp.float32)
    inp["g2"] = jnp.ones((HID,), jnp.float32); inp["be2"] = jnp.zeros((HID,), jnp.float32)
    # GINConv mlp 3
    inp["W3a"] = lin(ks[6], HID, HID); inp["b3a"] = jnp.zeros((HID,), jnp.float32)
    inp["W3b"] = lin(ks[7], HID, HID); inp["b3b"] = jnp.zeros((HID,), jnp.float32)
    inp["g3"] = jnp.ones((HID,), jnp.float32); inp["be3"] = jnp.zeros((HID,), jnp.float32)
    # fc2 (fc1 is defined in __init__ but unused in forward)
    inp["Wf"] = lin(ks[8], HID, NC); inp["bf"] = jnp.zeros((NC,), jnp.float32)
    return inp


def _gin_conv(x, src, dst, Wa, ba, Wb, bb):
    # GINConv with eps=0: mlp((1+eps)*x + sum_{j in N(i)} x_j)
    agg = jax.ops.segment_sum(x[src], dst, num_segments=x.shape[0])
    h = x + agg
    h = jnp.maximum(h @ Wa + ba, 0.0)
    h = h @ Wb + bb
    return h


def _bn_eval(x, g, b):
    # eval-mode BatchNorm1d with fresh running stats (mean=0, var=1), eps=1e-5
    return x / jnp.sqrt(1.0 + 1e-5) * g + b


def reference(x, edge_index, num_graphs, W1a, b1a, W1b, b1b, g1, be1, W2a, b2a, W2b, b2b, g2, be2, W3a, b3a, W3b, b3b, g3, be3, Wf, bf):
    src = edge_index[0]
    dst = edge_index[1]
    h = jnp.maximum(_gin_conv(x, src, dst, W1a, b1a, W1b, b1b), 0.0)
    h = _bn_eval(h, g1, be1)
    h = jnp.maximum(_gin_conv(h, src, dst, W2a, b2a, W2b, b2b), 0.0)
    h = _bn_eval(h, g2, be2)
    h = jnp.maximum(_gin_conv(h, src, dst, W3a, b3a, W3b, b3b), 0.0)
    h = _bn_eval(h, g3, be3)
    h = h.reshape(G, -1, HID).sum(axis=1)
    h = h + jnp.asarray(num_graphs - G, h.dtype) * 0.0
    # dropout p=0.3 is a no-op in eval mode
    out = h @ Wf + bf
    return out

if __name__ == "__main__":
    import jax
    _d = setup_inputs()
    print(jax.jit(kernel)(*tuple(_d.values())))

</pallas_src>

<mosaic_0001>
#map = affine_map<(d0, d1) -> (0, 0)>
#map1 = affine_map<(d0, d1) -> (0, 0, 0)>
module attributes {stable_mosaic.version = 14 : i64} {
  func.func @body(%arg0: i32, %arg1: i32, %arg2: memref<10000x128xf32, #tpu.memory_space<hbm>>, %arg3: memref<10000x128xf32, #tpu.memory_space<hbm>>, %arg4: memref<32x125x80xi32, #tpu.memory_space<hbm>>, %arg5: memref<2x10000x128xf32, #tpu.memory_space<hbm>>, %arg6: memref<125x80xi32, #tpu.memory_space<vmem>>, %arg7: memref<2x80xi32, #tpu.memory_space<vmem>>, %arg8: memref<2x80xi32, #tpu.memory_space<vmem>>, %arg9: memref<160x128xf32, #tpu.memory_space<vmem>>, %arg10: memref<10000x128xf32, #tpu.memory_space<vmem_shared>>, %arg11: memref<!tpu.dma_semaphore, #tpu.memory_space<semaphore_mem>>) attributes {dimension_semantics = [#tpu.dimension_semantics<core_parallel>, #tpu.dimension_semantics<subcore_parallel>], iteration_bounds = array<i64: 2, 16>, scalar_prefetch = 0 : i64, scratch_operands = 6 : i64, tpu.core_type = #tpu.core_type<sc_vector_subcore>, window_params = [{transform_indices = #map}, {transform_indices = #map}, {transform_indices = #map1}, {transform_indices = #map1}]} {
    %mul3A = arith.constant 640 : i32
    %mul3A_0 = arith.muli %arg1, %mul3A : i32
    %mul3A_1 = arith.constant 16 : i32
    %mul3A_2 = arith.muli %arg0, %mul3A_1 : i32
    %add3A = arith.addi %mul3A_2, %arg1 : i32
    "tpu.region"() ({
      %run_scoped3A_171 = tpu.sem_alloc : memref<!tpu.dma_semaphore, #tpu.memory_space<semaphore_mem>>
      %dma_start3A_172 = arith.constant 0 : i32
      %dma_start3A_173 = arith.constant 0 : i32
      %dma_start3A_174 = tpu.memref_slice %arg4[%add3A, %dma_start3A_172, %dma_start3A_173] : memref<32x125x80xi32, #tpu.memory_space<hbm>> -> memref<1x125x80xi32, #tpu.memory_space<hbm>>
      %dma_start3A_175 = tpu.memref_squeeze %dma_start3A_174 : memref<1x125x80xi32, #tpu.memory_space<hbm>> -> memref<125x80xi32, #tpu.memory_space<hbm>>
      %dma_start3A_176 = arith.constant 0 : i32
      %dma_start3A_177 = arith.constant 0 : i32
      %dma_start3A_178 = tpu.memref_slice %arg4[%add3A, %dma_start3A_176, %dma_start3A_177] : memref<32x125x80xi32, #tpu.memory_space<hbm>> -> memref<1x125x80xi32, #tpu.memory_space<hbm>>
      %dma_start3A_179 = tpu.memref_squeeze %dma_start3A_178 : memref<1x125x80xi32, #tpu.memory_space<hbm>> -> memref<125x80xi32, #tpu.memory_space<hbm>>
      tpu.enqueue_dma source(%dma_start3A_179 : memref<125x80xi32, #tpu.memory_space<hbm>>) target(%arg6 : memref<125x80xi32, #tpu.memory_space<vmem>>) target_semaphore(%run_scoped3A_171 : memref<!tpu.dma_semaphore, #tpu.memory_space<semaphore_mem>>)
      %dma_wait3A_180 = arith.constant 0 : i32
      %dma_wait3A_181 = arith.constant 0 : i32
      %dma_wait3A_182 = tpu.memref_slice %arg4[%add3A, %dma_wait3A_180, %dma_wait3A_181] : memref<32x125x80xi32, #tpu.memory_space<hbm>> -> memref<1x125x80xi32, #tpu.memory_space<hbm>>
      %dma_wait3A_183 = tpu.memref_squeeze %dma_wait3A_182 : memref<1x125x80xi32, #tpu.memory_space<hbm>> -> memref<125x80xi32, #tpu.memory_space<hbm>>
      %dma_wait3A_184 = arith.constant 0 : i32
      %dma_wait3A_185 = arith.constant 0 : i32
      %dma_wait3A_186 = tpu.memref_slice %arg4[%add3A, %dma_wait3A_184, %dma_wait3A_185] : memref<32x125x80xi32, #tpu.memory_space<hbm>> -> memref<1x125x80xi32, #tpu.memory_space<hbm>>
      %dma_wait3A_187 = tpu.memref_squeeze %dma_wait3A_186 : memref<1x125x80xi32, #tpu.memory_space<hbm>> -> memref<125x80xi32, #tpu.memory_space<hbm>>
      tpu.wait_dma2 semaphore(%run_scoped3A_171 : memref<!tpu.dma_semaphore, #tpu.memory_space<semaphore_mem>>) src(%dma_wait3A_187 : memref<125x80xi32, #tpu.memory_space<hbm>>) dst(%arg6 : memref<125x80xi32, #tpu.memory_space<vmem>>)
      tpu.yield
    }) : () -> ()
    %get3A = arith.constant 0 : i32
    %get3A_3 = arith.index_cast %get3A : i32 to index
    %get3A_4 = arith.constant 0 : index
    %get3A_5 = tpu.vector_load %arg6[%get3A_3, %get3A_4] {strides = array<i32>} : memref<125x80xi32, #tpu.memory_space<vmem>>, vector<1x16xi32>,
    %get3A_6 = vector.shape_cast %get3A_5 : vector<1x16xi32> to vector<16xi32>
    %and3A = arith.constant 65535 : i32
    %and3A_7 = vector.broadcast %and3A : i32 to vector<16xi32>
    %and3A_8 = arith.andi %get3A_6, %and3A_7 : vector<16xi32>
    %swap3A = arith.constant 0 : i32
    %swap3A_9 = arith.index_cast %swap3A : i32 to index
    %swap3A_10 = arith.constant 0 : index
    %swap3A_11 = tpu.vector_load %arg7[%swap3A_9, %swap3A_10] {strides = array<i32>} : memref<2x80xi32, #tpu.memory_space<vmem>>, vector<1x16xi32>,
    %swap3A_12 = vector.shape_cast %swap3A_11 : vector<1x16xi32> to vector<16xi32>
    %swap3A_13 = vector.shape_cast %and3A_8 : vector<16xi32> to vector<1x16xi32>
    tpu.vector_store %arg7[%swap3A_9, %swap3A_10], %swap3A_13 {strides = array<i32>} : memref<2x80xi32, #tpu.memory_space<vmem>>, vector<1x16xi32>,
    %shift_right_logical3A = arith.constant 16 : i32
    %shift_right_logical3A_14 = vector.broadcast %shift_right_logical3A : i32 to vector<16xi32>
    %shift_right_logical3A_15 = arith.shrui %get3A_6, %shift_right_logical3A_14 : vector<16xi32>
    %swap3A_16 = arith.constant 0 : i32
    %swap3A_17 = arith.index_cast %swap3A_16 : i32 to index
    %swap3A_18 = arith.constant 0 : index
    %swap3A_19 = tpu.vector_load %arg8[%swap3A_17, %swap3A_18] {strides = array<i32>} : memref<2x80xi32, #tpu.memory_space<vmem>>, vector<1x16xi32>,
    %swap3A_20 = vector.shape_cast %swap3A_19 : vector<1x16xi32> to vector<16xi32>
    %swap3A_21 = vector.shape_cast %shift_right_logical3A_15 : vector<16xi32> to vector<1x16xi32>
    tpu.vector_store %arg8[%swap3A_17, %swap3A_18], %swap3A_21 {strides = array<i32>} : memref<2x80xi32, #tpu.memory_space<vmem>>, vector<1x16xi32>,
    %get3A_22 = arith.constant 0 : i32
    %get3A_23 = arith.index_cast %get3A_22 : i32 to index
    %get3A_24 = arith.constant 16 : index
    %get3A_25 = tpu.vector_load %arg6[%get3A_23, %get3A_24] {strides = array<i32>} : memref<125x80xi32, #tpu.memory_space<vmem>>, vector<1x16xi32>,
    %get3A_26 = vector.shape_cast %get3A_25 : vector<1x16xi32> to vector<16xi32>
    %and3A_27 = arith.constant 65535 : i32
    %and3A_28 = vector.broadcast %and3A_27 : i32 to vector<16xi32>
    %and3A_29 = arith.andi %get3A_26, %and3A_28 : vector<16xi32>
    %swap3A_30 = arith.constant 0 : i32
    %swap3A_31 = arith.index_cast %swap3A_30 : i32 to index
    %swap3A_32 = arith.constant 16 : index
    %swap3A_33 = tpu.vector_load %arg7[%swap3A_31, %swap3A_32] {strides = array<i32>} : memref<2x80xi32, #tpu.memory_space<vmem>>, vector<1x16xi32>,
    %swap3A_34 = vector.shape_cast %swap3A_33 : vector<1x16xi32> to vector<16xi32>
    %swap3A_35 = vector.shape_cast %and3A_29 : vector<16xi32> to vector<1x16xi32>
    tpu.vector_store %arg7[%swap3A_31, %swap3A_32], %swap3A_35 {strides = array<i32>} : memref<2x80xi32, #tpu.memory_space<vmem>>, vector<1x16xi32>,
    %shift_right_logical3A_36 = arith.constant 16 : i32
    %shift_right_logical3A_37 = vector.broadcast %shift_right_logical3A_36 : i32 to vector<16xi32>
    %shift_right_logical3A_38 = arith.shrui %get3A_26, %shift_right_logical3A_37 : vector<16xi32>
    %swap3A_39 = arith.constant 0 : i32
    %swap3A_40 = arith.index_cast %swap3A_39 : i32 to index
    %swap3A_41 = arith.constant 16 : index
    %swap3A_42 = tpu.vector_load %arg8[%swap3A_40, %swap3A_41] {strides = array<i32>} : memref<2x80xi32, #tpu.memory_space<vmem>>, vector<1x16xi32>,
    %swap3A_43 = vector.shape_cast %swap3A_42 : vector<1x16xi32> to vector<16xi32>
    %swap3A_44 = vector.shape_cast %shift_right_logical3A_38 : vector<16xi32> to vector<1x16xi32>
    tpu.vector_store %arg8[%swap3A_40, %swap3A_41], %swap3A_44 {strides = array<i32>} : memref<2x80xi32, #tpu.memory_space<vmem>>, vector<1x16xi32>,
    %get3A_45 = arith.constant 0 : i32
    %get3A_46 = arith.index_cast %get3A_45 : i32 to index
    %get3A_47 = arith.constant 32 : index
    %get3A_48 = tpu.vector_load %arg6[%get3A_46, %get3A_47] {strides = array<i32>} : memref<125x80xi32, #tpu.memory_space<vmem>>, vector<1x16xi32>,
    %get3A_49 = vector.shape_cast %get3A_48 : vector<1x16xi32> to vector<16xi32>
    %and3A_50 = arith.constant 65535 : i32
    %and3A_51 = vector.broadcast %and3A_50 : i32 to vector<16xi32>
    %and3A_52 = arith.andi %get3A_49, %and3A_51 : vector<16xi32>
    %swap3A_53 = arith.constant 0 : i32
    %swap3A_54 = arith.index_cast %swap3A_53 : i32 to index
    %swap3A_55 = arith.constant 32 : index
    %swap3A_56 = tpu.vector_load %arg7[%swap3A_54, %swap3A_55] {strides = array<i32>} : memref<2x80xi32, #tpu.memory_space<vmem>>, vector<1x16xi32>,
    %swap3A_57 = vector.shape_cast %swap3A_56 : vector<1x16xi32> to vector<16xi32>
    %swap3A_58 = vector.shape_cast %and3A_52 : vector<16xi32> to vector<1x16xi32>
    tpu.vector_store %arg7[%swap3A_54, %swap3A_55], %swap3A_58 {strides = array<i32>} : memref<2x80xi32, #tpu.memory_space<vmem>>, vector<1x16xi32>,
    %shift_right_logical3A_59 = arith.constant 16 : i32
    %shift_right_logical3A_60 = vector.broadcast %shift_right_logical3A_59 : i32 to vector<16xi32>
    %shift_right_logical3A_61 = arith.shrui %get3A_49, %shift_right_logical3A_60 : vector<16xi32>
    %swap3A_62 = arith.constant 0 : i32
    %swap3A_63 = arith.index_cast %swap3A_62 : i32 to index
    %swap3A_64 = arith.constant 32 : index
    %swap3A_65 = tpu.vector_load %arg8[%swap3A_63, %swap3A_64] {strides = array<i32>} : memref<2x80xi32, #tpu.memory_space<vmem>>, vector<1x16xi32>,
    %swap3A_66 = vector.shape_cast %swap3A_65 : vector<1x16xi32> to vector<16xi32>
    %swap3A_67 = vector.shape_cast %shift_right_logical3A_61 : vector<16xi32> to vector<1x16xi32>
    tpu.vector_store %arg8[%swap3A_63, %swap3A_64], %swap3A_67 {strides = array<i32>} : memref<2x80xi32, #tpu.memory_space<vmem>>, vector<1x16xi32>,
    %get3A_68 = arith.constant 0 : i32
    %get3A_69 = arith.index_cast %get3A_68 : i32 to index
    %get3A_70 = arith.constant 48 : index
    %get3A_71 = tpu.vector_load %arg6[%get3A_69, %get3A_70] {strides = array<i32>} : memref<125x80xi32, #tpu.memory_space<vmem>>, vector<1x16xi32>,
    %get3A_72 = vector.shape_cast %get3A_71 : vector<1x16xi32> to vector<16xi32>
    %and3A_73 = arith.constant 65535 : i32
    %and3A_74 = vector.broadcast %and3A_73 : i32 to vector<16xi32>
    %and3A_75 = arith.andi %get3A_72, %and3A_74 : vector<16xi32>
    %swap3A_76 = arith.constant 0 : i32
    %swap3A_77 = arith.index_cast %swap3A_76 : i32 to index
    %swap3A_78 = arith.constant 48 : index
    %swap3A_79 = tpu.vector_load %arg7[%swap3A_77, %swap3A_78] {strides = array<i32>} : memref<2x80xi32, #tpu.memory_space<vmem>>, vector<1x16xi32>,
    %swap3A_80 = vector.shape_cast %swap3A_79 : vector<1x16xi32> to vector<16xi32>
    %swap3A_81 = vector.shape_cast %and3A_75 : vector<16xi32> to vector<1x16xi32>
    tpu.vector_store %arg7[%swap3A_77, %swap3A_78], %swap3A_81 {strides = array<i32>} : memref<2x80xi32, #tpu.memory_space<vmem>>, vector<1x16xi32>,
    %shift_right_logical3A_82 = arith.constant 16 : i32
    %shift_right_logical3A_83 = vector.broadcast %shift_right_logical3A_82 : i32 to vector<16xi32>
    %shift_right_logical3A_84 = arith.shrui %get3A_72, %shift_right_logical3A_83 : vector<16xi32>
    %swap3A_85 = arith.constant 0 : i32
    %swap3A_86 = arith.index_cast %swap3A_85 : i32 to index
    %swap3A_87 = arith.constant 48 : index
    %swap3A_88 = tpu.vector_load %arg8[%swap3A_86, %swap3A_87] {strides = array<i32>} : memref<2x80xi32, #tpu.memory_space<vmem>>, vector<1x16xi32>,
    %swap3A_89 = vector.shape_cast %swap3A_88 : vector<1x16xi32> to vector<16xi32>
    %swap3A_90 = vector.shape_cast %shift_right_logical3A_84 : vector<16xi32> to vector<1x16xi32>
    tpu.vector_store %arg8[%swap3A_86, %swap3A_87], %swap3A_90 {strides = array<i32>} : memref<2x80xi32, #tpu.memory_space<vmem>>, vector<1x16xi32>,
    %get3A_91 = arith.constant 0 : i32
    %get3A_92 = arith.index_cast %get3A_91 : i32 to index
    %get3A_93 = arith.constant 64 : index
    %get3A_94 = tpu.vector_load %arg6[%get3A_92, %get3A_93] {strides = array<i32>} : memref<125x80xi32, #tpu.memory_space<vmem>>, vector<1x16xi32>,
    %get3A_95 = vector.shape_cast %get3A_94 : vector<1x16xi32> to vector<16xi32>
    %and3A_96 = arith.constant 65535 : i32
    %and3A_97 = vector.broadcast %and3A_96 : i32 to vector<16xi32>
    %and3A_98 = arith.andi %get3A_95, %and3A_97 : vector<16xi32>
    %swap3A_99 = arith.constant 0 : i32
    %swap3A_100 = arith.index_cast %swap3A_99 : i32 to index
    %swap3A_101 = arith.constant 64 : index
    %swap3A_102 = tpu.vector_load %arg7[%swap3A_100, %swap3A_101] {strides = array<i32>} : memref<2x80xi32, #tpu.memory_space<vmem>>, vector<1x16xi32>,
    %swap3A_103 = vector.shape_cast %swap3A_102 : vector<1x16xi32> to vector<16xi32>
    %swap3A_104 = vector.shape_cast %and3A_98 : vector<16xi32> to vector<1x16xi32>
    tpu.vector_store %arg7[%swap3A_100, %swap3A_101], %swap3A_104 {strides = array<i32>} : memref<2x80xi32, #tpu.memory_space<vmem>>, vector<1x16xi32>,
    %shift_right_logical3A_105 = arith.constant 16 : i32
    %shift_right_logical3A_106 = vector.broadcast %shift_right_logical3A_105 : i32 to vector<16xi32>
    %shift_right_logical3A_107 = arith.shrui %get3A_95, %shift_right_logical3A_106 : vector<16xi32>
    %swap3A_108 = arith.constant 0 : i32
    %swap3A_109 = arith.index_cast %swap3A_108 : i32 to index
    %swap3A_110 = arith.constant 64 : index
    %swap3A_111 = tpu.vector_load %arg8[%swap3A_109, %swap3A_110] {strides = array<i32>} : memref<2x80xi32, #tpu.memory_space<vmem>>, vector<1x16xi32>,
    %swap3A_112 = vector.shape_cast %swap3A_111 : vector<1x16xi32> to vector<16xi32>
    %swap3A_113 = vector.shape_cast %shift_right_logical3A_107 : vector<16xi32> to vector<1x16xi32>
    tpu.vector_store %arg8[%swap3A_109, %swap3A_110], %swap3A_113 {strides = array<i32>} : memref<2x80xi32, #tpu.memory_space<vmem>>, vector<1x16xi32>,
    %dma_start3A = arith.constant 0 : i32
    %dma_start3A_114 = arith.constant 0 : i32
    %dma_start3A_115 = arith.constant 0 : i32
    %dma_start3A_116 = tpu.memref_slice %arg9[%dma_start3A_114, %dma_start3A_115] : memref<160x128xf32, #tpu.memory_space<vmem>> -> memref<80x128xf32, #tpu.memory_space<vmem>>
    %dma_start3A_117 = arith.constant 0 : i32
    %dma_start3A_118 = tpu.memref_slice %arg7[%dma_start3A, %dma_start3A_117] : memref<2x80xi32, #tpu.memory_space<vmem>> -> memref<1x80xi32, #tpu.memory_space<vmem>>
    %dma_start3A_119 = tpu.memref_squeeze %dma_start3A_118 : memref<1x80xi32, #tpu.memory_space<vmem>> -> memref<80xi32, #tpu.memory_space<vmem>>
    %dma_start3A_120 = arith.constant 0 : i32
    %dma_start3A_121 = arith.constant 0 : i32
    %dma_start3A_122 = tpu.memref_slice %arg2[%dma_start3A_120, %dma_start3A_121] : memref<10000x128xf32, #tpu.memory_space<hbm>> -> memref<10000x128xf32, #tpu.memory_space<hbm>>
    tpu.enqueue_indirect_dma source(%dma_start3A_122 : memref<10000x128xf32, #tpu.memory_space<hbm>>) target(%dma_start3A_116 : memref<80x128xf32, #tpu.memory_space<vmem>>) offsets(%dma_start3A_119 : memref<80xi32, #tpu.memory_space<vmem>>) semaphore(%arg11 : memref<!tpu.dma_semaphore, #tpu.memory_space<semaphore_mem>>)
    %lt3A = arith.constant 15 : i32
    %lt3A_123 = arith.cmpi slt, %arg1, %lt3A : i32
    %eq3A = arith.constant 15 : i32
    %eq3A_124 = arith.cmpi eq, %arg1, %eq3A : i32
    %eq3A_125 = arith.constant 0 : i32
    %eq3A_126 = arith.cmpi eq, %arg0, %eq3A_125 : i32
    %and3A_127 = arith.andi %eq3A_126, %lt3A_123 : i1
    %convert_element_type3A = arith.extui %and3A_127 : i1 to i32
    %cond3A = arith.constant 0 : i32
    %cond3A_128 = arith.cmpi ne, %convert_element_type3A, %cond3A : i32
    scf.if %cond3A_128 {
      "tpu.region"() ({
        %run_scoped3A_171 = tpu.sem_alloc : memref<!tpu.dma_semaphore, #tpu.memory_space<semaphore_mem>>
        %dma_start3A_172 = arith.constant 0 : i32
        %dma_start3A_173 = tpu.memref_slice %arg10[%mul3A_0, %dma_start3A_172] : memref<10000x128xf32, #tpu.memory_space<vmem_shared>> -> memref<640x128xf32, #tpu.memory_space<vmem_shared>>
        %dma_start3A_174 = arith.constant 0 : i32
        %dma_start3A_175 = tpu.memref_slice %arg2[%mul3A_0, %dma_start3A_174] : memref<10000x128xf32, #tpu.memory_space<hbm>> -> memref<640x128xf32, #tpu.memory_space<hbm>>
        tpu.enqueue_dma source(%dma_start3A_175 : memref<640x128xf32, #tpu.memory_space<hbm>>) target(%dma_start3A_173 : memref<640x128xf32, #tpu.memory_space<vmem_shared>>) target_semaphore(%run_scoped3A_171 : memref<!tpu.dma_semaphore, #tpu.memory_space<semaphore_mem>>)
        %dma_wait3A_176 = arith.constant 0 : i32
        %dma_wait3A_177 = tpu.memref_slice %arg10[%mul3A_0, %dma_wait3A_176] : memref<10000x128xf32, #tpu.memory_space<vmem_shared>> -> memref<640x128xf32, #tpu.memory_space<vmem_shared>>
        %dma_wait3A_178 = arith.constant 0 : i32
        %dma_wait3A_179 = tpu.memref_slice %arg2[%mul3A_0, %dma_wait3A_178] : memref<10000x128xf32, #tpu.memory_space<hbm>> -> memref<640x128xf32, #tpu.memory_space<hbm>>
        tpu.wait_dma2 semaphore(%run_scoped3A_171 : memref<!tpu.dma_semaphore, #tpu.memory_space<semaphore_mem>>) src(%dma_wait3A_179 : memref<640x128xf32, #tpu.memory_space<hbm>>) dst(%dma_wait3A_177 : memref<640x128xf32, #tpu.memory_space<vmem_shared>>)
        tpu.yield
      }) : () -> ()
    } else {
    }
    %ne3A = arith.constant 0 : i32
    %ne3A_129 = arith.cmpi ne, %arg0, %ne3A : i32
    %and3A_130 = arith.andi %ne3A_129, %lt3A_123 : i1
    %convert_element_type3A_131 = arith.extui %and3A_130 : i1 to i32
    %cond3A_132 = arith.constant 0 : i32
    %cond3A_133 = arith.cmpi ne, %convert_element_type3A_131, %cond3A_132 : i32
    scf.if %cond3A_133 {
      "tpu.region"() ({
        %run_scoped3A_171 = tpu.sem_alloc : memref<!tpu.dma_semaphore, #tpu.memory_space<semaphore_mem>>
        %dma_start3A_172 = arith.constant 0 : i32
        %dma_start3A_173 = tpu.memref_slice %arg10[%mul3A_0, %dma_start3A_172] : memref<10000x128xf32, #tpu.memory_space<vmem_shared>> -> memref<640x128xf32, #tpu.memory_space<vmem_shared>>
        %dma_start3A_174 = arith.constant 0 : i32
        %dma_start3A_175 = tpu.memref_slice %arg3[%mul3A_0, %dma_start3A_174] : memref<10000x128xf32, #tpu.memory_space<hbm>> -> memref<640x128xf32, #tpu.memory_space<hbm>>
        tpu.enqueue_dma source(%dma_start3A_175 : memref<640x128xf32, #tpu.memory_space<hbm>>) target(%dma_start3A_173 : memref<640x128xf32, #tpu.memory_space<vmem_shared>>) target_semaphore(%run_scoped3A_171 : memref<!tpu.dma_semaphore, #tpu.memory_space<semaphore_mem>>)
        %dma_wait3A_176 = arith.constant 0 : i32
        %dma_wait3A_177 = tpu.memref_slice %arg10[%mul3A_0, %dma_wait3A_176] : memref<10000x128xf32, #tpu.memory_space<vmem_shared>> -> memref<640x128xf32, #tpu.memory_space<vmem_shared>>
        %dma_wait3A_178 = arith.constant 0 : i32
        %dma_wait3A_179 = tpu.memref_slice %arg3[%mul3A_0, %dma_wait3A_178] : memref<10000x128xf32, #tpu.memory_space<hbm>> -> memref<640x128xf32, #tpu.memory_space<hbm>>
        tpu.wait_dma2 semaphore(%run_scoped3A_171 : memref<!tpu.dma_semaphore, #tpu.memory_space<semaphore_mem>>) src(%dma_wait3A_179 : memref<640x128xf32, #tpu.memory_space<hbm>>) dst(%dma_wait3A_177 : memref<640x128xf32, #tpu.memory_space<vmem_shared>>)
        tpu.yield
      }) : () -> ()
    } else {
    }
    %eq3A_134 = arith.constant 0 : i32
    %eq3A_135 = arith.cmpi eq, %arg0, %eq3A_134 : i32
    %and3A_136 = arith.andi %eq3A_135, %eq3A_124 : i1
    %convert_element_type3A_137 = arith.extui %and3A_136 : i1 to i32
    %cond3A_138 = arith.constant 0 : i32
    %cond3A_139 = arith.cmpi ne, %convert_element_type3A_137, %cond3A_138 : i32
    scf.if %cond3A_139 {
      "tpu.region"() ({
        %run_scoped3A_171 = tpu.sem_alloc : memref<!tpu.dma_semaphore, #tpu.memory_space<semaphore_mem>>
        %dma_start3A_172 = arith.constant 0 : i32
        %dma_start3A_173 = tpu.memref_slice %arg10[%mul3A_0, %dma_start3A_172] : memref<10000x128xf32, #tpu.memory_space<vmem_shared>> -> memref<400x128xf32, #tpu.memory_space<vmem_shared>>
        %dma_start3A_174 = arith.constant 0 : i32
        %dma_start3A_175 = tpu.memref_slice %arg2[%mul3A_0, %dma_start3A_174] : memref<10000x128xf32, #tpu.memory_space<hbm>> -> memref<400x128xf32, #tpu.memory_space<hbm>>
        tpu.enqueue_dma source(%dma_start3A_175 : memref<400x128xf32, #tpu.memory_space<hbm>>) target(%dma_start3A_173 : memref<400x128xf32, #tpu.memory_space<vmem_shared>>) target_semaphore(%run_scoped3A_171 : memref<!tpu.dma_semaphore, #tpu.memory_space<semaphore_mem>>)
        %dma_wait3A_176 = arith.constant 0 : i32
        %dma_wait3A_177 = tpu.memref_slice %arg10[%mul3A_0, %dma_wait3A_176] : memref<10000x128xf32, #tpu.memory_space<vmem_shared>> -> memref<400x128xf32, #tpu.memory_space<vmem_shared>>
        %dma_wait3A_178 = arith.constant 0 : i32
        %dma_wait3A_179 = tpu.memref_slice %arg2[%mul3A_0, %dma_wait3A_178] : memref<10000x128xf32, #tpu.memory_space<hbm>> -> memref<400x128xf32, #tpu.memory_space<hbm>>
        tpu.wait_dma2 semaphore(%run_scoped3A_171 : memref<!tpu.dma_semaphore, #tpu.memory_space<semaphore_mem>>) src(%dma_wait3A_179 : memref<400x128xf32, #tpu.memory_space<hbm>>) dst(%dma_wait3A_177 : memref<400x128xf32, #tpu.memory_space<vmem_shared>>)
        tpu.yield
      }) : () -> ()
    } else {
    }
    %ne3A_140 = arith.constant 0 : i32
    %ne3A_141 = arith.cmpi ne, %arg0, %ne3A_140 : i32
    %and3A_142 = arith.andi %ne3A_141, %eq3A_124 : i1
    %convert_element_type3A_143 = arith.extui %and3A_142 : i1 to i32
    %cond3A_144 = arith.constant 0 : i32
    %cond3A_145 = arith.cmpi ne, %convert_element_type3A_143, %cond3A_144 : i32
    scf.if %cond3A_145 {
      "tpu.region"() ({
        %run_scoped3A_171 = tpu.sem_alloc : memref<!tpu.dma_semaphore, #tpu.memory_space<semaphore_mem>>
        %dma_start3A_172 = arith.constant 0 : i32
        %dma_start3A_173 = tpu.memref_slice %arg10[%mul3A_0, %dma_start3A_172] : memref<10000x128xf32, #tpu.memory_space<vmem_shared>> -> memref<400x128xf32, #tpu.memory_space<vmem_shared>>
        %dma_start3A_174 = arith.constant 0 : i32
        %dma_start3A_175 = tpu.memref_slice %arg3[%mul3A_0, %dma_start3A_174] : memref<10000x128xf32, #tpu.memory_space<hbm>> -> memref<400x128xf32, #tpu.memory_space<hbm>>
        tpu.enqueue_dma source(%dma_start3A_175 : memref<400x128xf32, #tpu.memory_space<hbm>>) target(%dma_start3A_173 : memref<400x128xf32, #tpu.memory_space<vmem_shared>>) target_semaphore(%run_scoped3A_171 : memref<!tpu.dma_semaphore, #tpu.memory_space<semaphore_mem>>)
        %dma_wait3A_176 = arith.constant 0 : i32
        %dma_wait3A_177 = tpu.memref_slice %arg10[%mul3A_0, %dma_wait3A_176] : memref<10000x128xf32, #tpu.memory_space<vmem_shared>> -> memref<400x128xf32, #tpu.memory_space<vmem_shared>>
        %dma_wait3A_178 = arith.constant 0 : i32
        %dma_wait3A_179 = tpu.memref_slice %arg3[%mul3A_0, %dma_wait3A_178] : memref<10000x128xf32, #tpu.memory_space<hbm>> -> memref<400x128xf32, #tpu.memory_space<hbm>>
        tpu.wait_dma2 semaphore(%run_scoped3A_171 : memref<!tpu.dma_semaphore, #tpu.memory_space<semaphore_mem>>) src(%dma_wait3A_179 : memref<400x128xf32, #tpu.memory_space<hbm>>) dst(%dma_wait3A_177 : memref<400x128xf32, #tpu.memory_space<vmem_shared>>)
        tpu.yield
      }) : () -> ()
    } else {
    }
    %barrier3A = arith.constant 0 : index
    tpu.barrier barrier_id(%barrier3A)
    %scan3A = arith.constant 0 : i32
    %scan3A_146 = arith.constant 0 : i32
    %scan3A_147 = arith.constant 62 : i32
    %scan3A_148 = arith.addi %scan3A_146, %scan3A_147 : i32
    %scan3A_149 = arith.constant 1 : i32
    scf.for %scan3A_171 = %scan3A_146 to %scan3A_148 step %scan3A_149  : i32 {
      %mul3A_172 = arith.constant 2 : i32
      %mul3A_173 = arith.muli %mul3A_172, %scan3A_171 : i32
      %add3A_174 = arith.constant 1 : i32
      %add3A_175 = arith.addi %mul3A_173, %add3A_174 : i32
      %get3A_176 = arith.index_cast %add3A_175 : i32 to index
      %get3A_177 = arith.constant 0 : index
      %get3A_178 = tpu.vector_load %arg6[%get3A_176, %get3A_177] {strides = array<i32>} : memref<125x80xi32, #tpu.memory_space<vmem>>, vector<1x16xi32>,
      %get3A_179 = vector.shape_cast %get3A_178 : vector<1x16xi32> to vector<16xi32>
      %and3A_180 = arith.constant 65535 : i32
      %and3A_181 = vector.broadcast %and3A_180 : i32 to vector<16xi32>
      %and3A_182 = arith.andi %get3A_179, %and3A_181 : vector<16xi32>
      %swap3A_183 = arith.constant 1 : i32
      %swap3A_184 = arith.index_cast %swap3A_183 : i32 to index
      %swap3A_185 = arith.constant 0 : index
      %swap3A_186 = tpu.vector_load %arg7[%swap3A_184, %swap3A_185] {strides = array<i32>} : memref<2x80xi32, #tpu.memory_space<vmem>>, vector<1x16xi32>,
      %swap3A_187 = vector.shape_cast %swap3A_186 : vector<1x16xi32> to vector<16xi32>
      %swap3A_188 = vector.shape_cast %and3A_182 : vector<16xi32> to vector<1x16xi32>
      tpu.vector_store %arg7[%swap3A_184, %swap3A_185], %swap3A_188 {strides = array<i32>} : memref<2x80xi32, #tpu.memory_space<vmem>>, vector<1x16xi32>,
      %shift_right_logical3A_189 = arith.constant 16 : i32
      %shift_right_logical3A_190 = vector.broadcast %shift_right_logical3A_189 : i32 to vector<16xi32>
      %shift_right_logical3A_191 = arith.shrui %get3A_179, %shift_right_logical3A_190 : vector<16xi32>
      %swap3A_192 = arith.constant 1 : i32
      %swap3A_193 = arith.index_cast %swap3A_192 : i32 to index
      %swap3A_194 = arith.constant 0 : index
      %swap3A_195 = tpu.vector_load %arg8[%swap3A_193, %swap3A_194] {strides = array<i32>} : memref<2x80xi32, #tpu.memory_space<vmem>>, vector<1x16xi32>,
      %swap3A_196 = vector.shape_cast %swap3A_195 : vector<1x16xi32> to vector<16xi32>
      %swap3A_197 = vector.shape_cast %shift_right_logical3A_191 : vector<16xi32> to vector<1x16xi32>
      tpu.vector_store %arg8[%swap3A_193, %swap3A_194], %swap3A_197 {strides = array<i32>} : memref<2x80xi32, #tpu.memory_space<vmem>>, vector<1x16xi32>,
      %get3A_198 = arith.index_cast %add3A_175 : i32 to index
      %get3A_199 = arith.constant 16 : index
      %get3A_200 = tpu.vector_load %arg6[%get3A_198, %get3A_199] {strides = array<i32>} : memref<125x80xi32, #tpu.memory_space<vmem>>, vector<1x16xi32>,
      %get3A_201 = vector.shape_cast %get3A_200 : vector<1x16xi32> to vector<16xi32>
      %and3A_202 = arith.constant 65535 : i32
      %and3A_203 = vector.broadcast %and3A_202 : i32 to vector<16xi32>
      %and3A_204 = arith.andi %get3A_201, %and3A_203 : vector<16xi32>
      %swap3A_205 = arith.constant 1 : i32
      %swap3A_206 = arith.index_cast %swap3A_205 : i32 to index
      %swap3A_207 = arith.constant 16 : index
      %swap3A_208 = tpu.vector_load %arg7[%swap3A_206, %swap3A_207] {strides = array<i32>} : memref<2x80xi32, #tpu.memory_space<vmem>>, vector<1x16xi32>,
      %swap3A_209 = vector.shape_cast %swap3A_208 : vector<1x16xi32> to vector<16xi32>
      %swap3A_210 = vector.shape_cast %and3A_204 : vector<16xi32> to vector<1x16xi32>
      tpu.vector_store %arg7[%swap3A_206, %swap3A_207], %swap3A_210 {strides = array<i32>} : memref<2x80xi32, #tpu.memory_space<vmem>>, vector<1x16xi32>,
      %shift_right_logical3A_211 = arith.constant 16 : i32
      %shift_right_logical3A_212 = vector.broadcast %shift_right_logical3A_211 : i32 to vector<16xi32>
      %shift_right_logical3A_213 = arith.shrui %get3A_201, %shift_right_logical3A_212 : vector<16xi32>
      %swap3A_214 = arith.constant 1 : i32
      %swap3A_215 = arith.index_cast %swap3A_214 : i32 to index
      %swap3A_216 = arith.constant 16 : index
      %swap3A_217 = tpu.vector_load %arg8[%swap3A_215, %swap3A_216] {strides = array<i32>} : memref<2x80xi32, #tpu.memory_space<vmem>>, vector<1x16xi32>,
      %swap3A_218 = vector.shape_cast %swap3A_217 : vector<1x16xi32> to vector<16xi32>
      %swap3A_219 = vector.shape_cast %shift_right_logical3A_213 : vector<16xi32> to vector<1x16xi32>
      tpu.vector_store %arg8[%swap3A_215, %swap3A_216], %swap3A_219 {strides = array<i32>} : memref<2x80xi32, #tpu.memory_space<vmem>>, vector<1x16xi32>,
      %get3A_220 = arith.index_cast %add3A_175 : i32 to index
      %get3A_221 = arith.constant 32 : index
      %get3A_222 = tpu.vector_load %arg6[%get3A_220, %get3A_221] {strides = array<i32>} : memref<125x80xi32, #tpu.memory_space<vmem>>, vector<1x16xi32>,
      %get3A_223 = vector.shape_cast %get3A_222 : vector<1x16xi32> to vector<16xi32>
      %and3A_224 = arith.constant 65535 : i32
      %and3A_225 = vector.broadcast %and3A_224 : i32 to vector<16xi32>
      %and3A_226 = arith.andi %get3A_223, %and3A_225 : vector<16xi32>
      %swap3A_227 = arith.constant 1 : i32
      %swap3A_228 = arith.index_cast %swap3A_227 : i32 to index
      %swap3A_229 = arith.constant 32 : index
      %swap3A_230 = tpu.vector_load %arg7[%swap3A_228, %swap3A_229] {strides = array<i32>} : memref<2x80xi32, #tpu.memory_space<vmem>>, vector<1x16xi32>,
      %swap3A_231 = vector.shape_cast %swap3A_230 : vector<1x16xi32> to vector<16xi32>
      %swap3A_232 = vector.shape_cast %and3A_226 : vector<16xi32> to vector<1x16xi32>
      tpu.vector_store %arg7[%swap3A_228, %swap3A_229], %swap3A_232 {strides = array<i32>} : memref<2x80xi32, #tpu.memory_space<vmem>>, vector<1x16xi32>,
      %shift_right_logical3A_233 = arith.constant 16 : i32
      %shift_right_logical3A_234 = vector.broadcast %shift_right_logical3A_233 : i32 to vector<16xi32>
      %shift_right_logical3A_235 = arith.shrui %get3A_223, %shift_right_logical3A_234 : vector<16xi32>
      %swap3A_236 = arith.constant 1 : i32
      %swap3A_237 = arith.index_cast %swap3A_236 : i32 to index
      %swap3A_238 = arith.constant 32 : index
      %swap3A_239 = tpu.vector_load %arg8[%swap3A_237, %swap3A_238] {strides = array<i32>} : memref<2x80xi32, #tpu.memory_space<vmem>>, vector<1x16xi32>,
      %swap3A_240 = vector.shape_cast %swap3A_239 : vector<1x16xi32> to vector<16xi32>
      %swap3A_241 = vector.shape_cast %shift_right_logical3A_235 : vector<16xi32> to vector<1x16xi32>
      tpu.vector_store %arg8[%swap3A_237, %swap3A_238], %swap3A_241 {strides = array<i32>} : memref<2x80xi32, #tpu.memory_space<vmem>>, vector<1x16xi32>,
      %get3A_242 = arith.index_cast %add3A_175 : i32 to index
      %get3A_243 = arith.constant 48 : index
      %get3A_244 = tpu.vector_load %arg6[%get3A_242, %get3A_243] {strides = array<i32>} : memref<125x80xi32, #tpu.memory_space<vmem>>, vector<1x16xi32>,
      %get3A_245 = vector.shape_cast %get3A_244 : vector<1x16xi32> to vector<16xi32>
      %and3A_246 = arith.constant 65535 : i32
      %and3A_247 = vector.broadcast %and3A_246 : i32 to vector<16xi32>
      %and3A_248 = arith.andi %get3A_245, %and3A_247 : vector<16xi32>
      %swap3A_249 = arith.constant 1 : i32
      %swap3A_250 = arith.index_cast %swap3A_249 : i32 to index
      %swap3A_251 = arith.constant 48 : index
      %swap3A_252 = tpu.vector_load %arg7[%swap3A_250, %swap3A_251] {strides = array<i32>} : memref<2x80xi32, #tpu.memory_space<vmem>>, vector<1x16xi32>,
      %swap3A_253 = vector.shape_cast %swap3A_252 : vector<1x16xi32> to vector<16xi32>
      %swap3A_254 = vector.shape_cast %and3A_248 : vector<16xi32> to vector<1x16xi32>
      tpu.vector_store %arg7[%swap3A_250, %swap3A_251], %swap3A_254 {strides = array<i32>} : memref<2x80xi32, #tpu.memory_space<vmem>>, vector<1x16xi32>,
      %shift_right_logical3A_255 = arith.constant 16 : i32
      %shift_right_logical3A_256 = vector.broadcast %shift_right_logical3A_255 : i32 to vector<16xi32>
      %shift_right_logical3A_257 = arith.shrui %get3A_245, %shift_right_logical3A_256 : vector<16xi32>
      %swap3A_258 = arith.constant 1 : i32
      %swap3A_259 = arith.index_cast %swap3A_258 : i32 to index
      %swap3A_260 = arith.constant 48 : index
      %swap3A_261 = tpu.vector_load %arg8[%swap3A_259, %swap3A_260] {strides = array<i32>} : memref<2x80xi32, #tpu.memory_space<vmem>>, vector<1x16xi32>,
      %swap3A_262 = vector.shape_cast %swap3A_261 : vector<1x16xi32> to vector<16xi32>
      %swap3A_263 = vector.shape_cast %shift_right_logical3A_257 : vector<16xi32> to vector<1x16xi32>
      tpu.vector_store %arg8[%swap3A_259, %swap3A_260], %swap3A_263 {strides = array<i32>} : memref<2x80xi32, #tpu.memory_space<vmem>>, vector<1x16xi32>,
      %get3A_264 = arith.index_cast %add3A_175 : i32 to index
      %get3A_265 = arith.constant 64 : index
      %get3A_266 = tpu.vector_load %arg6[%get3A_264, %get3A_265] {strides = array<i32>} : memref<125x80xi32, #tpu.memory_space<vmem>>, vector<1x16xi32>,
      %get3A_267 = vector.shape_cast %get3A_266 : vector<1x16xi32> to vector<16xi32>
      %and3A_268 = arith.constant 65535 : i32
      %and3A_269 = vector.broadcast %and3A_268 : i32 to vector<16xi32>
      %and3A_270 = arith.andi %get3A_267, %and3A_269 : vector<16xi32>
      %swap3A_271 = arith.constant 1 : i32
      %swap3A_272 = arith.index_cast %swap3A_271 : i32 to index
      %swap3A_273 = arith.constant 64 : index
      %swap3A_274 = tpu.vector_load %arg7[%swap3A_272, %swap3A_273] {strides = array<i32>} : memref<2x80xi32, #tpu.memory_space<vmem>>, vector<1x16xi32>,
      %swap3A_275 = vector.shape_cast %swap3A_274 : vector<1x16xi32> to vector<16xi32>
      %swap3A_276 = vector.shape_cast %and3A_270 : vector<16xi32> to vector<1x16xi32>
      tpu.vector_store %arg7[%swap3A_272, %swap3A_273], %swap3A_276 {strides = array<i32>} : memref<2x80xi32, #tpu.memory_space<vmem>>, vector<1x16xi32>,
      %shift_right_logical3A_277 = arith.constant 16 : i32
      %shift_right_logical3A_278 = vector.broadcast %shift_right_logical3A_277 : i32 to vector<16xi32>
      %shift_right_logical3A_279 = arith.shrui %get3A_267, %shift_right_logical3A_278 : vector<16xi32>
      %swap3A_280 = arith.constant 1 : i32
      %swap3A_281 = arith.index_cast %swap3A_280 : i32 to index
      %swap3A_282 = arith.constant 64 : index
      %swap3A_283 = tpu.vector_load %arg8[%swap3A_281, %swap3A_282] {strides = array<i32>} : memref<2x80xi32, #tpu.memory_space<vmem>>, vector<1x16xi32>,
      %swap3A_284 = vector.shape_cast %swap3A_283 : vector<1x16xi32> to vector<16xi32>
      %swap3A_285 = vector.shape_cast %shift_right_logical3A_279 : vector<16xi32> to vector<1x16xi32>
      tpu.vector_store %arg8[%swap3A_281, %swap3A_282], %swap3A_285 {strides = array<i32>} : memref<2x80xi32, #tpu.memory_space<vmem>>, vector<1x16xi32>,
      %dma_wait3A_286 = arith.constant 0 : i32
      %dma_wait3A_287 = arith.constant 0 : i32
      %dma_wait3A_288 = arith.constant 0 : i32
      %dma_wait3A_289 = tpu.memref_slice %arg9[%dma_wait3A_287, %dma_wait3A_288] : memref<160x128xf32, #tpu.memory_space<vmem>> -> memref<80x128xf32, #tpu.memory_space<vmem>>
      %dma_wait3A_290 = arith.constant 0 : i32
      %dma_wait3A_291 = tpu.memref_slice %arg7[%dma_wait3A_286, %dma_wait3A_290] : memref<2x80xi32, #tpu.memory_space<vmem>> -> memref<1x80xi32, #tpu.memory_space<vmem>>
      %dma_wait3A_292 = tpu.memref_squeeze %dma_wait3A_291 : memref<1x80xi32, #tpu.memory_space<vmem>> -> memref<80xi32, #tpu.memory_space<vmem>>
      %dma_wait3A_293 = arith.constant 0 : i32
      %dma_wait3A_294 = arith.constant 0 : i32
      %dma_wait3A_295 = tpu.memref_slice %arg2[%dma_wait3A_293, %dma_wait3A_294] : memref<10000x128xf32, #tpu.memory_space<hbm>> -> memref<10000x128xf32, #tpu.memory_space<hbm>>
      tpu.wait_indirect_dma semaphore(%arg11 : memref<!tpu.dma_semaphore, #tpu.memory_space<semaphore_mem>>) src(%dma_wait3A_295 : memref<10000x128xf32, #tpu.memory_space<hbm>>) dst(%dma_wait3A_289 : memref<80x128xf32, #tpu.memory_space<vmem>>)
      %dma_start3A_296 = arith.constant 1 : i32
      %dma_start3A_297 = arith.constant 80 : i32
      %dma_start3A_298 = arith.constant 0 : i32
      %dma_start3A_299 = tpu.memref_slice %arg9[%dma_start3A_297, %dma_start3A_298] : memref<160x128xf32, #tpu.memory_space<vmem>> -> memref<80x128xf32, #tpu.memory_space<vmem>>
      %dma_start3A_300 = arith.constant 0 : i32
      %dma_start3A_301 = tpu.memref_slice %arg7[%dma_start3A_296, %dma_start3A_300] : memref<2x80xi32, #tpu.memory_space<vmem>> -> memref<1x80xi32, #tpu.memory_space<vmem>>
      %dma_start3A_302 = tpu.memref_squeeze %dma_start3A_301 : memref<1x80xi32, #tpu.memory_space<vmem>> -> memref<80xi32, #tpu.memory_space<vmem>>
      %dma_start3A_303 = arith.constant 0 : i32
      %dma_start3A_304 = arith.constant 0 : i32
      %dma_start3A_305 = tpu.memref_slice %arg2[%dma_start3A_303, %dma_start3A_304] : memref<10000x128xf32, #tpu.memory_space<hbm>> -> memref<10000x128xf32, #tpu.memory_space<hbm>>
      tpu.enqueue_indirect_dma source(%dma_start3A_305 : memref<10000x128xf32, #tpu.memory_space<hbm>>) target(%dma_start3A_299 : memref<80x128xf32, #tpu.memory_space<vmem>>) offsets(%dma_start3A_302 : memref<80xi32, #tpu.memory_space<vmem>>) semaphore(%arg11 : memref<!tpu.dma_semaphore, #tpu.memory_space<semaphore_mem>>)
      %run_scoped3A_306 = arith.constant 0 : i32
      "tpu.region"() ({
        %run_scoped3A_440 = tpu.sem_alloc : memref<!tpu.dma_semaphore, #tpu.memory_space<semaphore_mem>>
        %dma_start3A_441 = arith.constant 0 : i32
        %dma_start3A_442 = arith.constant 0 : i32
        %dma_start3A_443 = tpu.memref_slice %arg9[%dma_start3A_441, %dma_start3A_442] : memref<160x128xf32, #tpu.memory_space<vmem>> -> memref<80x128xf32, #tpu.memory_space<vmem>>
        %dma_start3A_444 = arith.constant 0 : i32
        %dma_start3A_445 = tpu.memref_slice %arg8[%run_scoped3A_306, %dma_start3A_444] : memref<2x80xi32, #tpu.memory_space<vmem>> -> memref<1x80xi32, #tpu.memory_space<vmem>>
        %dma_start3A_446 = tpu.memref_squeeze %dma_start3A_445 : memref<1x80xi32, #tpu.memory_space<vmem>> -> memref<80xi32, #tpu.memory_space<vmem>>
        %dma_start3A_447 = arith.constant 0 : i32
        %dma_start3A_448 = arith.constant 0 : i32
        %dma_start3A_449 = tpu.memref_slice %arg10[%dma_start3A_447, %dma_start3A_448] : memref<10000x128xf32, #tpu.memory_space<vmem_shared>> -> memref<10000x128xf32, #tpu.memory_space<vmem_shared>>
        tpu.enqueue_indirect_dma source(%dma_start3A_443 : memref<80x128xf32, #tpu.memory_space<vmem>>) target(%dma_start3A_449 : memref<10000x128xf32, #tpu.memory_space<vmem_shared>>) offsets(%dma_start3A_446 : memref<80xi32, #tpu.memory_space<vmem>>) semaphore(%run_scoped3A_440 : memref<!tpu.dma_semaphore, #tpu.memory_space<semaphore_mem>>) {add = true}
        %dma_wait3A_450 = arith.constant 0 : i32
        %dma_wait3A_451 = arith.constant 0 : i32
        %dma_wait3A_452 = tpu.memref_slice %arg9[%dma_wait3A_450, %dma_wait3A_451] : memref<160x128xf32, #tpu.memory_space<vmem>> -> memref<80x128xf32, #tpu.memory_space<vmem>>
        %dma_wait3A_453 = arith.constant 0 : i32
        %dma_wait3A_454 = tpu.memref_slice %arg8[%run_scoped3A_306, %dma_wait3A_453] : memref<2x80xi32, #tpu.memory_space<vmem>> -> memref<1x80xi32, #tpu.memory_space<vmem>>
        %dma_wait3A_455 = tpu.memref_squeeze %dma_wait3A_454 : memref<1x80xi32, #tpu.memory_space<vmem>> -> memref<80xi32, #tpu.memory_space<vmem>>
        %dma_wait3A_456 = arith.constant 0 : i32
        %dma_wait3A_457 = arith.constant 0 : i32
        %dma_wait3A_458 = tpu.memref_slice %arg10[%dma_wait3A_456, %dma_wait3A_457] : memref<10000x128xf32, #tpu.memory_space<vmem_shared>> -> memref<10000x128xf32, #tpu.memory_space<vmem_shared>>
        tpu.wait_indirect_dma semaphore(%run_scoped3A_440 : memref<!tpu.dma_semaphore, #tpu.memory_space<semaphore_mem>>) src(%dma_wait3A_452 : memref<80x128xf32, #tpu.memory_space<vmem>>) dst(%dma_wait3A_458 : memref<10000x128xf32, #tpu.memory_space<vmem_shared>>)
        tpu.yield
      }) : () -> ()
      %add3A_307 = arith.constant 2 : i32
      %add3A_308 = arith.addi %mul3A_173, %add3A_307 : i32
      %get3A_309 = arith.index_cast %add3A_308 : i32 to index
      %get3A_310 = arith.constant 0 : index
      %get3A_311 = tpu.vector_load %arg6[%get3A_309, %get3A_310] {strides = array<i32>} : memref<125x80xi32, #tpu.memory_space<vmem>>, vector<1x16xi32>,
      %get3A_312 = vector.shape_cast %get3A_311 : vector<1x16xi32> to vector<16xi32>
      %and3A_313 = arith.constant 65535 : i32
      %and3A_314 = vector.broadcast %and3A_313 : i32 to vector<16xi32>
      %and3A_315 = arith.andi %get3A_312, %and3A_314 : vector<16xi32>
      %swap3A_316 = arith.constant 0 : i32
      %swap3A_317 = arith.index_cast %swap3A_316 : i32 to index
      %swap3A_318 = arith.constant 0 : index
      %swap3A_319 = tpu.vector_load %arg7[%swap3A_317, %swap3A_318] {strides = array<i32>} : memref<2x80xi32, #tpu.memory_space<vmem>>, vector<1x16xi32>,
      %swap3A_320 = vector.shape_cast %swap3A_319 : vector<1x16xi32> to vector<16xi32>
      %swap3A_321 = vector.shape_cast %and3A_315 : vector<16xi32> to vector<1x16xi32>
      tpu.vector_store %arg7[%swap3A_317, %swap3A_318], %swap3A_321 {strides = array<i32>} : memref<2x80xi32, #tpu.memory_space<vmem>>, vector<1x16xi32>,
      %shift_right_logical3A_322 = arith.constant 16 : i32
      %shift_right_logical3A_323 = vector.broadcast %shift_right_logical3A_322 : i32 to vector<16xi32>
      %shift_right_logical3A_324 = arith.shrui %get3A_312, %shift_right_logical3A_323 : vector<16xi32>
      %swap3A_325 = arith.constant 0 : i32
      %swap3A_326 = arith.index_cast %swap3A_325 : i32 to index
      %swap3A_327 = arith.constant 0 : index
      %swap3A_328 = tpu.vector_load %arg8[%swap3A_326, %swap3A_327] {strides = array<i32>} : memref<2x80xi32, #tpu.memory_space<vmem>>, vector<1x16xi32>,
      %swap3A_329 = vector.shape_cast %swap3A_328 : vector<1x16xi32> to vector<16xi32>
      %swap3A_330 = vector.shape_cast %shift_right_logical3A_324 : vector<16xi32> to vector<1x16xi32>
      tpu.vector_store %arg8[%swap3A_326, %swap3A_327], %swap3A_330 {strides = array<i32>} : memref<2x80xi32, #tpu.memory_space<vmem>>, vector<1x16xi32>,
      %get3A_331 = arith.index_cast %add3A_308 : i32 to index
      %get3A_332 = arith.constant 16 : index
      %get3A_333 = tpu.vector_load %arg6[%get3A_331, %get3A_332] {strides = array<i32>} : memref<125x80xi32, #tpu.memory_space<vmem>>, vector<1x16xi32>,
      %get3A_334 = vector.shape_cast %get3A_333 : vector<1x16xi32> to vector<16xi32>
      %and3A_335 = arith.constant 65535 : i32
      %and3A_336 = vector.broadcast %and3A_335 : i32 to vector<16xi32>
      %and3A_337 = arith.andi %get3A_334, %and3A_336 : vector<16xi32>
      %swap3A_338 = arith.constant 0 : i32
      %swap3A_339 = arith.index_cast %swap3A_338 : i32 to index
      %swap3A_340 = arith.constant 16 : index
      %swap3A_341 = tpu.vector_load %arg7[%swap3A_339, %swap3A_340] {strides = array<i32>} : memref<2x80xi32, #tpu.memory_space<vmem>>, vector<1x16xi32>,
      %swap3A_342 = vector.shape_cast %swap3A_341 : vector<1x16xi32> to vector<16xi32>
      %swap3A_343 = vector.shape_cast %and3A_337 : vector<16xi32> to vector<1x16xi32>
      tpu.vector_store %arg7[%swap3A_339, %swap3A_340], %swap3A_343 {strides = array<i32>} : memref<2x80xi32, #tpu.memory_space<vmem>>, vector<1x16xi32>,
      %shift_right_logical3A_344 = arith.constant 16 : i32
      %shift_right_logical3A_345 = vector.broadcast %shift_right_logical3A_344 : i32 to vector<16xi32>
      %shift_right_logical3A_346 = arith.shrui %get3A_334, %shift_right_logical3A_345 : vector<16xi32>
      %swap3A_347 = arith.constant 0 : i32
      %swap3A_348 = arith.index_cast %swap3A_347 : i32 to index
      %swap3A_349 = arith.constant 16 : index
      %swap3A_350 = tpu.vector_load %arg8[%swap3A_348, %swap3A_349] {strides = array<i32>} : memref<2x80xi32, #tpu.memory_space<vmem>>, vector<1x16xi32>,
      %swap3A_351 = vector.shape_cast %swap3A_350 : vector<1x16xi32> to vector<16xi32>
      %swap3A_352 = vector.shape_cast %shift_right_logical3A_346 : vector<16xi32> to vector<1x16xi32>
      tpu.vector_store %arg8[%swap3A_348, %swap3A_349], %swap3A_352 {strides = array<i32>} : memref<2x80xi32, #tpu.memory_space<vmem>>, vector<1x16xi32>,
      %get3A_353 = arith.index_cast %add3A_308 : i32 to index
      %get3A_354 = arith.constant 32 : index
      %get3A_355 = tpu.vector_load %arg6[%get3A_353, %get3A_354] {strides = array<i32>} : memref<125x80xi32, #tpu.memory_space<vmem>>, vector<1x16xi32>,
      %get3A_356 = vector.shape_cast %get3A_355 : vector<1x16xi32> to vector<16xi32>
      %and3A_357 = arith.constant 65535 : i32
      %and3A_358 = vector.broadcast %and3A_357 : i32 to vector<16xi32>
      %and3A_359 = arith.andi %get3A_356, %and3A_358 : vector<16xi32>
      %swap3A_360 = arith.constant 0 : i32
      %swap3A_361 = arith.index_cast %swap3A_360 : i32 to index
      %swap3A_362 = arith.constant 32 : index
      %swap3A_363 = tpu.vector_load %arg7[%swap3A_361, %swap3A_362] {strides = array<i32>} : memref<2x80xi32, #tpu.memory_space<vmem>>, vector<1x16xi32>,
      %swap3A_364 = vector.shape_cast %swap3A_363 : vector<1x16xi32> to vector<16xi32>
      %swap3A_365 = vector.shape_cast %and3A_359 : vector<16xi32> to vector<1x16xi32>
      tpu.vector_store %arg7[%swap3A_361, %swap3A_362], %swap3A_365 {strides = array<i32>} : memref<2x80xi32, #tpu.memory_space<vmem>>, vector<1x16xi32>,
      %shift_right_logical3A_366 = arith.constant 16 : i32
      %shift_right_logical3A_367 = vector.broadcast %shift_right_logical3A_366 : i32 to vector<16xi32>
      %shift_right_logical3A_368 = arith.shrui %get3A_356, %shift_right_logical3A_367 : vector<16xi32>
      %swap3A_369 = arith.constant 0 : i32
      %swap3A_370 = arith.index_cast %swap3A_369 : i32 to index
      %swap3A_371 = arith.constant 32 : index
      %swap3A_372 = tpu.vector_load %arg8[%swap3A_370, %swap3A_371] {strides = array<i32>} : memref<2x80xi32, #tpu.memory_space<vmem>>, vector<1x16xi32>,
      %swap3A_373 = vector.shape_cast %swap3A_372 : vector<1x16xi32> to vector<16xi32>
      %swap3A_374 = vector.shape_cast %shift_right_logical3A_368 : vector<16xi32> to vector<1x16xi32>
      tpu.vector_store %arg8[%swap3A_370, %swap3A_371], %swap3A_374 {strides = array<i32>} : memref<2x80xi32, #tpu.memory_space<vmem>>, vector<1x16xi32>,
      %get3A_375 = arith.index_cast %add3A_308 : i32 to index
      %get3A_376 = arith.constant 48 : index
      %get3A_377 = tpu.vector_load %arg6[%get3A_375, %get3A_376] {strides = array<i32>} : memref<125x80xi32, #tpu.memory_space<vmem>>, vector<1x16xi32>,
      %get3A_378 = vector.shape_cast %get3A_377 : vector<1x16xi32> to vector<16xi32>
      %and3A_379 = arith.constant 65535 : i32
      %and3A_380 = vector.broadcast %and3A_379 : i32 to vector<16xi32>
      %and3A_381 = arith.andi %get3A_378, %and3A_380 : vector<16xi32>
      %swap3A_382 = arith.constant 0 : i32
      %swap3A_383 = arith.index_cast %swap3A_382 : i32 to index
      %swap3A_384 = arith.constant 48 : index
      %swap3A_385 = tpu.vector_load %arg7[%swap3A_383, %swap3A_384] {strides = array<i32>} : memref<2x80xi32, #tpu.memory_space<vmem>>, vector<1x16xi32>,
      %swap3A_386 = vector.shape_cast %swap3A_385 : vector<1x16xi32> to vector<16xi32>
      %swap3A_387 = vector.shape_cast %and3A_381 : vector<16xi32> to vector<1x16xi32>
      tpu.vector_store %arg7[%swap3A_383, %swap3A_384], %swap3A_387 {strides = array<i32>} : memref<2x80xi32, #tpu.memory_space<vmem>>, vector<1x16xi32>,
      %shift_right_logical3A_388 = arith.constant 16 : i32
      %shift_right_logical3A_389 = vector.broadcast %shift_right_logical3A_388 : i32 to vector<16xi32>
      %shift_right_logical3A_390 = arith.shrui %get3A_378, %shift_right_logical3A_389 : vector<16xi32>
      %swap3A_391 = arith.constant 0 : i32
      %swap3A_392 = arith.index_cast %swap3A_391 : i32 to index
      %swap3A_393 = arith.constant 48 : index
      %swap3A_394 = tpu.vector_load %arg8[%swap3A_392, %swap3A_393] {strides = array<i32>} : memref<2x80xi32, #tpu.memory_space<vmem>>, vector<1x16xi32>,
      %swap3A_395 = vector.shape_cast %swap3A_394 : vector<1x16xi32> to vector<16xi32>
      %swap3A_396 = vector.shape_cast %shift_right_logical3A_390 : vector<16xi32> to vector<1x16xi32>
      tpu.vector_store %arg8[%swap3A_392, %swap3A_393], %swap3A_396 {strides = array<i32>} : memref<2x80xi32, #tpu.memory_space<vmem>>, vector<1x16xi32>,
      %get3A_397 = arith.index_cast %add3A_308 : i32 to index
      %get3A_398 = arith.constant 64 : index
      %get3A_399 = tpu.vector_load %arg6[%get3A_397, %get3A_398] {strides = array<i32>} : memref<125x80xi32, #tpu.memory_space<vmem>>, vector<1x16xi32>,
      %get3A_400 = vector.shape_cast %get3A_399 : vector<1x16xi32> to vector<16xi32>
      %and3A_401 = arith.constant 65535 : i32
      %and3A_402 = vector.broadcast %and3A_401 : i32 to vector<16xi32>
      %and3A_403 = arith.andi %get3A_400, %and3A_402 : vector<16xi32>
      %swap3A_404 = arith.constant 0 : i32
      %swap3A_405 = arith.index_cast %swap3A_404 : i32 to index
      %swap3A_406 = arith.constant 64 : index
      %swap3A_407 = tpu.vector_load %arg7[%swap3A_405, %swap3A_406] {strides = array<i32>} : memref<2x80xi32, #tpu.memory_space<vmem>>, vector<1x16xi32>,
      %swap3A_408 = vector.shape_cast %swap3A_407 : vector<1x16xi32> to vector<16xi32>
      %swap3A_409 = vector.shape_cast %and3A_403 : vector<16xi32> to vector<1x16xi32>
      tpu.vector_store %arg7[%swap3A_405, %swap3A_406], %swap3A_409 {strides = array<i32>} : memref<2x80xi32, #tpu.memory_space<vmem>>, vector<1x16xi32>,
      %shift_right_logical3A_410 = arith.constant 16 : i32
      %shift_right_logical3A_411 = vector.broadcast %shift_right_logical3A_410 : i32 to vector<16xi32>
      %shift_right_logical3A_412 = arith.shrui %get3A_400, %shift_right_logical3A_411 : vector<16xi32>
      %swap3A_413 = arith.constant 0 : i32
      %swap3A_414 = arith.index_cast %swap3A_413 : i32 to index
      %swap3A_415 = arith.constant 64 : index
      %swap3A_416 = tpu.vector_load %arg8[%swap3A_414, %swap3A_415] {strides = array<i32>} : memref<2x80xi32, #tpu.memory_space<vmem>>, vector<1x16xi32>,
      %swap3A_417 = vector.shape_cast %swap3A_416 : vector<1x16xi32> to vector<16xi32>
      %swap3A_418 = vector.shape_cast %shift_right_logical3A_412 : vector<16xi32> to vector<1x16xi32>
      tpu.vector_store %arg8[%swap3A_414, %swap3A_415], %swap3A_418 {strides = array<i32>} : memref<2x80xi32, #tpu.memory_space<vmem>>, vector<1x16xi32>,
      %dma_wait3A_419 = arith.constant 1 : i32
      %dma_wait3A_420 = arith.constant 80 : i32
      %dma_wait3A_421 = arith.constant 0 : i32
      %dma_wait3A_422 = tpu.memref_slice %arg9[%dma_wait3A_420, %dma_wait3A_421] : memref<160x128xf32, #tpu.memory_space<vmem>> -> memref<80x128xf32, #tpu.memory_space<vmem>>
      %dma_wait3A_423 = arith.constant 0 : i32
      %dma_wait3A_424 = tpu.memref_slice %arg7[%dma_wait3A_419, %dma_wait3A_423] : memref<2x80xi32, #tpu.memory_space<vmem>> -> memref<1x80xi32, #tpu.memory_space<vmem>>
      %dma_wait3A_425 = tpu.memref_squeeze %dma_wait3A_424 : memref<1x80xi32, #tpu.memory_space<vmem>> -> memref<80xi32, #tpu.memory_space<vmem>>
      %dma_wait3A_426 = arith.constant 0 : i32
      %dma_wait3A_427 = arith.constant 0 : i32
      %dma_wait3A_428 = tpu.memref_slice %arg2[%dma_wait3A_426, %dma_wait3A_427] : memref<10000x128xf32, #tpu.memory_space<hbm>> -> memref<10000x128xf32, #tpu.memory_space<hbm>>
      tpu.wait_indirect_dma semaphore(%arg11 : memref<!tpu.dma_semaphore, #tpu.memory_space<semaphore_mem>>) src(%dma_wait3A_428 : memref<10000x128xf32, #tpu.memory_space<hbm>>) dst(%dma_wait3A_422 : memref<80x128xf32, #tpu.memory_space<vmem>>)
      %dma_start3A_429 = arith.constant 0 : i32
      %dma_start3A_430 = arith.constant 0 : i32
      %dma_start3A_431 = arith.constant 0 : i32
      %dma_start3A_432 = tpu.memref_slice %arg9[%dma_start3A_430, %dma_start3A_431] : memref<160x128xf32, #tpu.memory_space<vmem>> -> memref<80x128xf32, #tpu.memory_space<vmem>>
      %dma_start3A_433 = arith.constant 0 : i32
      %dma_start3A_434 = tpu.memref_slice %arg7[%dma_start3A_429, %dma_start3A_433] : memref<2x80xi32, #tpu.memory_space<vmem>> -> memref<1x80xi32, #tpu.memory_space<vmem>>
      %dma_start3A_435 = tpu.memref_squeeze %dma_start3A_434 : memref<1x80xi32, #tpu.memory_space<vmem>> -> memref<80xi32, #tpu.memory_space<vmem>>
      %dma_start3A_436 = arith.constant 0 : i32
      %dma_start3A_437 = arith.constant 0 : i32
      %dma_start3A_438 = tpu.memref_slice %arg2[%dma_start3A_436, %dma_start3A_437] : memref<10000x128xf32, #tpu.memory_space<hbm>> -> memref<10000x128xf32, #tpu.memory_space<hbm>>
      tpu.enqueue_indirect_dma source(%dma_start3A_438 : memref<10000x128xf32, #tpu.memory_space<hbm>>) target(%dma_start3A_432 : memref<80x128xf32, #tpu.memory_space<vmem>>) offsets(%dma_start3A_435 : memref<80xi32, #tpu.memory_space<vmem>>) semaphore(%arg11 : memref<!tpu.dma_semaphore, #tpu.memory_space<semaphore_mem>>)
      %run_scoped3A_439 = arith.constant 1 : i32
      "tpu.region"() ({
        %run_scoped3A_440 = tpu.sem_alloc : memref<!tpu.dma_semaphore, #tpu.memory_space<semaphore_mem>>
        %dma_start3A_441 = arith.constant 80 : i32
        %dma_start3A_442 = arith.constant 0 : i32
        %dma_start3A_443 = tpu.memref_slice %arg9[%dma_start3A_441, %dma_start3A_442] : memref<160x128xf32, #tpu.memory_space<vmem>> -> memref<80x128xf32, #tpu.memory_space<vmem>>
        %dma_start3A_444 = arith.constant 0 : i32
        %dma_start3A_445 = tpu.memref_slice %arg8[%run_scoped3A_439, %dma_start3A_444] : memref<2x80xi32, #tpu.memory_space<vmem>> -> memref<1x80xi32, #tpu.memory_space<vmem>>
        %dma_start3A_446 = tpu.memref_squeeze %dma_start3A_445 : memref<1x80xi32, #tpu.memory_space<vmem>> -> memref<80xi32, #tpu.memory_space<vmem>>
        %dma_start3A_447 = arith.constant 0 : i32
        %dma_start3A_448 = arith.constant 0 : i32
        %dma_start3A_449 = tpu.memref_slice %arg10[%dma_start3A_447, %dma_start3A_448] : memref<10000x128xf32, #tpu.memory_space<vmem_shared>> -> memref<10000x128xf32, #tpu.memory_space<vmem_shared>>
        tpu.enqueue_indirect_dma source(%dma_start3A_443 : memref<80x128xf32, #tpu.memory_space<vmem>>) target(%dma_start3A_449 : memref<10000x128xf32, #tpu.memory_space<vmem_shared>>) offsets(%dma_start3A_446 : memref<80xi32, #tpu.memory_space<vmem>>) semaphore(%run_scoped3A_440 : memref<!tpu.dma_semaphore, #tpu.memory_space<semaphore_mem>>) {add = true}
        %dma_wait3A_450 = arith.constant 80 : i32
        %dma_wait3A_451 = arith.constant 0 : i32
        %dma_wait3A_452 = tpu.memref_slice %arg9[%dma_wait3A_450, %dma_wait3A_451] : memref<160x128xf32, #tpu.memory_space<vmem>> -> memref<80x128xf32, #tpu.memory_space<vmem>>
        %dma_wait3A_453 = arith.constant 0 : i32
        %dma_wait3A_454 = tpu.memref_slice %arg8[%run_scoped3A_439, %dma_wait3A_453] : memref<2x80xi32, #tpu.memory_space<vmem>> -> memref<1x80xi32, #tpu.memory_space<vmem>>
        %dma_wait3A_455 = tpu.memref_squeeze %dma_wait3A_454 : memref<1x80xi32, #tpu.memory_space<vmem>> -> memref<80xi32, #tpu.memory_space<vmem>>
        %dma_wait3A_456 = arith.constant 0 : i32
        %dma_wait3A_457 = arith.constant 0 : i32
        %dma_wait3A_458 = tpu.memref_slice %arg10[%dma_wait3A_456, %dma_wait3A_457] : memref<10000x128xf32, #tpu.memory_space<vmem_shared>> -> memref<10000x128xf32, #tpu.memory_space<vmem_shared>>
        tpu.wait_indirect_dma semaphore(%run_scoped3A_440 : memref<!tpu.dma_semaphore, #tpu.memory_space<semaphore_mem>>) src(%dma_wait3A_452 : memref<80x128xf32, #tpu.memory_space<vmem>>) dst(%dma_wait3A_458 : memref<10000x128xf32, #tpu.memory_space<vmem_shared>>)
        tpu.yield
      }) : () -> ()
    }
    %scan3A_150 = arith.constant 62 : i32
    %dma_wait3A = arith.constant 0 : i32
    %dma_wait3A_151 = arith.constant 0 : i32
    %dma_wait3A_152 = arith.constant 0 : i32
    %dma_wait3A_153 = tpu.memref_slice %arg9[%dma_wait3A_151, %dma_wait3A_152] : memref<160x128xf32, #tpu.memory_space<vmem>> -> memref<80x128xf32, #tpu.memory_space<vmem>>
    %dma_wait3A_154 = arith.constant 0 : i32
    %dma_wait3A_155 = tpu.memref_slice %arg7[%dma_wait3A, %dma_wait3A_154] : memref<2x80xi32, #tpu.memory_space<vmem>> -> memref<1x80xi32, #tpu.memory_space<vmem>>
    %dma_wait3A_156 = tpu.memref_squeeze %dma_wait3A_155 : memref<1x80xi32, #tpu.memory_space<vmem>> -> memref<80xi32, #tpu.memory_space<vmem>>
    %dma_wait3A_157 = arith.constant 0 : i32
    %dma_wait3A_158 = arith.constant 0 : i32
    %dma_wait3A_159 = tpu.memref_slice %arg2[%dma_wait3A_157, %dma_wait3A_158] : memref<10000x128xf32, #tpu.memory_space<hbm>> -> memref<10000x128xf32, #tpu.memory_space<hbm>>
    tpu.wait_indirect_dma semaphore(%arg11 : memref<!tpu.dma_semaphore, #tpu.memory_space<semaphore_mem>>) src(%dma_wait3A_159 : memref<10000x128xf32, #tpu.memory_space<hbm>>) dst(%dma_wait3A_153 : memref<80x128xf32, #tpu.memory_space<vmem>>)
    %run_scoped3A = arith.constant 0 : i32
    "tpu.region"() ({
      %run_scoped3A_171 = tpu.sem_alloc : memref<!tpu.dma_semaphore, #tpu.memory_space<semaphore_mem>>
      %dma_start3A_172 = arith.constant 0 : i32
      %dma_start3A_173 = arith.constant 0 : i32
      %dma_start3A_174 = tpu.memref_slice %arg9[%dma_start3A_172, %dma_start3A_173] : memref<160x128xf32, #tpu.memory_space<vmem>> -> memref<80x128xf32, #tpu.memory_space<vmem>>
      %dma_start3A_175 = arith.constant 0 : i32
      %dma_start3A_176 = tpu.memref_slice %arg8[%run_scoped3A, %dma_start3A_175] : memref<2x80xi32, #tpu.memory_space<vmem>> -> memref<1x80xi32, #tpu.memory_space<vmem>>
      %dma_start3A_177 = tpu.memref_squeeze %dma_start3A_176 : memref<1x80xi32, #tpu.memory_space<vmem>> -> memref<80xi32, #tpu.memory_space<vmem>>
      %dma_start3A_178 = arith.constant 0 : i32
      %dma_start3A_179 = arith.constant 0 : i32
      %dma_start3A_180 = tpu.memref_slice %arg10[%dma_start3A_178, %dma_start3A_179] : memref<10000x128xf32, #tpu.memory_space<vmem_shared>> -> memref<10000x128xf32, #tpu.memory_space<vmem_shared>>
      tpu.enqueue_indirect_dma source(%dma_start3A_174 : memref<80x128xf32, #tpu.memory_space<vmem>>) target(%dma_start3A_180 : memref<10000x128xf32, #tpu.memory_space<vmem_shared>>) offsets(%dma_start3A_177 : memref<80xi32, #tpu.memory_space<vmem>>) semaphore(%run_scoped3A_171 : memref<!tpu.dma_semaphore, #tpu.memory_space<semaphore_mem>>) {add = true}
      %dma_wait3A_181 = arith.constant 0 : i32
      %dma_wait3A_182 = arith.constant 0 : i32
      %dma_wait3A_183 = tpu.memref_slice %arg9[%dma_wait3A_181, %dma_wait3A_182] : memref<160x128xf32, #tpu.memory_space<vmem>> -> memref<80x128xf32, #tpu.memory_space<vmem>>
      %dma_wait3A_184 = arith.constant 0 : i32
      %dma_wait3A_185 = tpu.memref_slice %arg8[%run_scoped3A, %dma_wait3A_184] : memref<2x80xi32, #tpu.memory_space<vmem>> -> memref<1x80xi32, #tpu.memory_space<vmem>>
      %dma_wait3A_186 = tpu.memref_squeeze %dma_wait3A_185 : memref<1x80xi32, #tpu.memory_space<vmem>> -> memref<80xi32, #tpu.memory_space<vmem>>
      %dma_wait3A_187 = arith.constant 0 : i32
      %dma_wait3A_188 = arith.constant 0 : i32
      %dma_wait3A_189 = tpu.memref_slice %arg10[%dma_wait3A_187, %dma_wait3A_188] : memref<10000x128xf32, #tpu.memory_space<vmem_shared>> -> memref<10000x128xf32, #tpu.memory_space<vmem_shared>>
      tpu.wait_indirect_dma semaphore(%run_scoped3A_171 : memref<!tpu.dma_semaphore, #tpu.memory_space<semaphore_mem>>) src(%dma_wait3A_183 : memref<80x128xf32, #tpu.memory_space<vmem>>) dst(%dma_wait3A_189 : memref<10000x128xf32, #tpu.memory_space<vmem_shared>>)
      tpu.yield
    }) : () -> ()
    %barrier3A_160 = arith.constant 0 : index
    tpu.barrier barrier_id(%barrier3A_160)
    %lt3A_161 = arith.constant 15 : i32
    %lt3A_162 = arith.cmpi slt, %arg1, %lt3A_161 : i32
    %eq3A_163 = arith.constant 15 : i32
    %eq3A_164 = arith.cmpi eq, %arg1, %eq3A_163 : i32
    %convert_element_type3A_165 = arith.extui %lt3A_162 : i1 to i32
    %cond3A_166 = arith.constant 0 : i32
    %cond3A_167 = arith.cmpi ne, %convert_element_type3A_165, %cond3A_166 : i32
    scf.if %cond3A_167 {
      "tpu.region"() ({
        %run_scoped3A_171 = tpu.sem_alloc : memref<!tpu.dma_semaphore, #tpu.memory_space<semaphore_mem>>
        %dma_start3A_172 = arith.constant 0 : i32
        %dma_start3A_173 = tpu.memref_slice %arg5[%arg0, %mul3A_0, %dma_start3A_172] : memref<2x10000x128xf32, #tpu.memory_space<hbm>> -> memref<1x640x128xf32, #tpu.memory_space<hbm>>
        %dma_start3A_174 = tpu.memref_squeeze %dma_start3A_173 : memref<1x640x128xf32, #tpu.memory_space<hbm>> -> memref<640x128xf32, #tpu.memory_space<hbm>>
        %dma_start3A_175 = arith.constant 0 : i32
        %dma_start3A_176 = tpu.memref_slice %arg10[%mul3A_0, %dma_start3A_175] : memref<10000x128xf32, #tpu.memory_space<vmem_shared>> -> memref<640x128xf32, #tpu.memory_space<vmem_shared>>
        tpu.enqueue_dma source(%dma_start3A_176 : memref<640x128xf32, #tpu.memory_space<vmem_shared>>) target(%dma_start3A_174 : memref<640x128xf32, #tpu.memory_space<hbm>>) target_semaphore(%run_scoped3A_171 : memref<!tpu.dma_semaphore, #tpu.memory_space<semaphore_mem>>)
        %dma_wait3A_177 = arith.constant 0 : i32
        %dma_wait3A_178 = tpu.memref_slice %arg5[%arg0, %mul3A_0, %dma_wait3A_177] : memref<2x10000x128xf32, #tpu.memory_space<hbm>> -> memref<1x640x128xf32, #tpu.memory_space<hbm>>
        %dma_wait3A_179 = tpu.memref_squeeze %dma_wait3A_178 : memref<1x640x128xf32, #tpu.memory_space<hbm>> -> memref<640x128xf32, #tpu.memory_space<hbm>>
        %dma_wait3A_180 = arith.constant 0 : i32
        %dma_wait3A_181 = tpu.memref_slice %arg10[%mul3A_0, %dma_wait3A_180] : memref<10000x128xf32, #tpu.memory_space<vmem_shared>> -> memref<640x128xf32, #tpu.memory_space<vmem_shared>>
        tpu.wait_dma2 semaphore(%run_scoped3A_171 : memref<!tpu.dma_semaphore, #tpu.memory_space<semaphore_mem>>) src(%dma_wait3A_181 : memref<640x128xf32, #tpu.memory_space<vmem_shared>>) dst(%dma_wait3A_179 : memref<640x128xf32, #tpu.memory_space<hbm>>)
        tpu.yield
      }) : () -> ()
    } else {
    }
    %convert_element_type3A_168 = arith.extui %eq3A_164 : i1 to i32
    %cond3A_169 = arith.constant 0 : i32
    %cond3A_170 = arith.cmpi ne, %convert_element_type3A_168, %cond3A_169 : i32
    scf.if %cond3A_170 {
      "tpu.region"() ({
        %run_scoped3A_171 = tpu.sem_alloc : memref<!tpu.dma_semaphore, #tpu.memory_space<semaphore_mem>>
        %dma_start3A_172 = arith.constant 0 : i32
        %dma_start3A_173 = tpu.memref_slice %arg5[%arg0, %mul3A_0, %dma_start3A_172] : memref<2x10000x128xf32, #tpu.memory_space<hbm>> -> memref<1x400x128xf32, #tpu.memory_space<hbm>>
        %dma_start3A_174 = tpu.memref_squeeze %dma_start3A_173 : memref<1x400x128xf32, #tpu.memory_space<hbm>> -> memref<400x128xf32, #tpu.memory_space<hbm>>
        %dma_start3A_175 = arith.constant 0 : i32
        %dma_start3A_176 = tpu.memref_slice %arg10[%mul3A_0, %dma_start3A_175] : memref<10000x128xf32, #tpu.memory_space<vmem_shared>> -> memref<400x128xf32, #tpu.memory_space<vmem_shared>>
        tpu.enqueue_dma source(%dma_start3A_176 : memref<400x128xf32, #tpu.memory_space<vmem_shared>>) target(%dma_start3A_174 : memref<400x128xf32, #tpu.memory_space<hbm>>) target_semaphore(%run_scoped3A_171 : memref<!tpu.dma_semaphore, #tpu.memory_space<semaphore_mem>>)
        %dma_wait3A_177 = arith.constant 0 : i32
        %dma_wait3A_178 = tpu.memref_slice %arg5[%arg0, %mul3A_0, %dma_wait3A_177] : memref<2x10000x128xf32, #tpu.memory_space<hbm>> -> memref<1x400x128xf32, #tpu.memory_space<hbm>>
        %dma_wait3A_179 = tpu.memref_squeeze %dma_wait3A_178 : memref<1x400x128xf32, #tpu.memory_space<hbm>> -> memref<400x128xf32, #tpu.memory_space<hbm>>
        %dma_wait3A_180 = arith.constant 0 : i32
        %dma_wait3A_181 = tpu.memref_slice %arg10[%mul3A_0, %dma_wait3A_180] : memref<10000x128xf32, #tpu.memory_space<vmem_shared>> -> memref<400x128xf32, #tpu.memory_space<vmem_shared>>
        tpu.wait_dma2 semaphore(%run_scoped3A_171 : memref<!tpu.dma_semaphore, #tpu.memory_space<semaphore_mem>>) src(%dma_wait3A_181 : memref<400x128xf32, #tpu.memory_space<vmem_shared>>) dst(%dma_wait3A_179 : memref<400x128xf32, #tpu.memory_space<hbm>>)
        tpu.yield
      }) : () -> ()
    } else {
    }
    return
  }
}

#map = affine_map<(d0, d1) -> (0, 0)>
#map1 = affine_map<(d0, d1) -> (0, 0, 0)>
module attributes {stable_mosaic.version = 14 : i64} {
  func.func @body(%arg0: i32, %arg1: i32, %arg2: memref<10000x128xf32, #tpu.memory_space<hbm>>, %arg3: memref<10000x128xf32, #tpu.memory_space<hbm>>, %arg4: memref<32x125x80xi32, #tpu.memory_space<hbm>>, %arg5: memref<2x10000x128xf32, #tpu.memory_space<hbm>>, %arg6: memref<125x80xi32, #tpu.memory_space<vmem>>, %arg7: memref<2x80xi32, #tpu.memory_space<vmem>>, %arg8: memref<2x80xi32, #tpu.memory_space<vmem>>, %arg9: memref<160x128xf32, #tpu.memory_space<vmem>>, %arg10: memref<10000x128xf32, #tpu.memory_space<vmem_shared>>, %arg11: memref<!tpu.dma_semaphore, #tpu.memory_space<semaphore_mem>>) attributes {dimension_semantics = [#tpu.dimension_semantics<core_parallel>, #tpu.dimension_semantics<subcore_parallel>], iteration_bounds = array<i64: 2, 16>, scalar_prefetch = 0 : i64, scratch_operands = 6 : i64, tpu.core_type = #tpu.core_type<sc_vector_subcore>, window_params = [{transform_indices = #map}, {transform_indices = #map}, {transform_indices = #map1}, {transform_indices = #map1}]} {
    %mul3A = arith.constant 640 : i32
    %mul3A_0 = arith.muli %arg1, %mul3A : i32
    %mul3A_1 = arith.constant 16 : i32
    %mul3A_2 = arith.muli %arg0, %mul3A_1 : i32
    %add3A = arith.addi %mul3A_2, %arg1 : i32
    "tpu.region"() ({
      %run_scoped3A_171 = tpu.sem_alloc : memref<!tpu.dma_semaphore, #tpu.memory_space<semaphore_mem>>
      %dma_start3A_172 = arith.constant 0 : i32
      %dma_start3A_173 = arith.constant 0 : i32
      %dma_start3A_174 = tpu.memref_slice %arg4[%add3A, %dma_start3A_172, %dma_start3A_173] : memref<32x125x80xi32, #tpu.memory_space<hbm>> -> memref<1x125x80xi32, #tpu.memory_space<hbm>>
      %dma_start3A_175 = tpu.memref_squeeze %dma_start3A_174 : memref<1x125x80xi32, #tpu.memory_space<hbm>> -> memref<125x80xi32, #tpu.memory_space<hbm>>
      %dma_start3A_176 = arith.constant 0 : i32
      %dma_start3A_177 = arith.constant 0 : i32
      %dma_start3A_178 = tpu.memref_slice %arg4[%add3A, %dma_start3A_176, %dma_start3A_177] : memref<32x125x80xi32, #tpu.memory_space<hbm>> -> memref<1x125x80xi32, #tpu.memory_space<hbm>>
      %dma_start3A_179 = tpu.memref_squeeze %dma_start3A_178 : memref<1x125x80xi32, #tpu.memory_space<hbm>> -> memref<125x80xi32, #tpu.memory_space<hbm>>
      tpu.enqueue_dma source(%dma_start3A_179 : memref<125x80xi32, #tpu.memory_space<hbm>>) target(%arg6 : memref<125x80xi32, #tpu.memory_space<vmem>>) target_semaphore(%run_scoped3A_171 : memref<!tpu.dma_semaphore, #tpu.memory_space<semaphore_mem>>)
      %dma_wait3A_180 = arith.constant 0 : i32
      %dma_wait3A_181 = arith.constant 0 : i32
      %dma_wait3A_182 = tpu.memref_slice %arg4[%add3A, %dma_wait3A_180, %dma_wait3A_181] : memref<32x125x80xi32, #tpu.memory_space<hbm>> -> memref<1x125x80xi32, #tpu.memory_space<hbm>>
      %dma_wait3A_183 = tpu.memref_squeeze %dma_wait3A_182 : memref<1x125x80xi32, #tpu.memory_space<hbm>> -> memref<125x80xi32, #tpu.memory_space<hbm>>
      %dma_wait3A_184 = arith.constant 0 : i32
      %dma_wait3A_185 = arith.constant 0 : i32
      %dma_wait3A_186 = tpu.memref_slice %arg4[%add3A, %dma_wait3A_184, %dma_wait3A_185] : memref<32x125x80xi32, #tpu.memory_space<hbm>> -> memref<1x125x80xi32, #tpu.memory_space<hbm>>
      %dma_wait3A_187 = tpu.memref_squeeze %dma_wait3A_186 : memref<1x125x80xi32, #tpu.memory_space<hbm>> -> memref<125x80xi32, #tpu.memory_space<hbm>>
      tpu.wait_dma2 semaphore(%run_scoped3A_171 : memref<!tpu.dma_semaphore, #tpu.memory_space<semaphore_mem>>) src(%dma_wait3A_187 : memref<125x80xi32, #tpu.memory_space<hbm>>) dst(%arg6 : memref<125x80xi32, #tpu.memory_space<vmem>>)
      tpu.yield
    }) : () -> ()
    %get3A = arith.constant 0 : i32
    %get3A_3 = arith.index_cast %get3A : i32 to index
    %get3A_4 = arith.constant 0 : index
    %get3A_5 = tpu.vector_load %arg6[%get3A_3, %get3A_4] {strides = array<i32>} : memref<125x80xi32, #tpu.memory_space<vmem>>, vector<1x16xi32>,
    %get3A_6 = vector.shape_cast %get3A_5 : vector<1x16xi32> to vector<16xi32>
    %and3A = arith.constant 65535 : i32
    %and3A_7 = vector.broadcast %and3A : i32 to vector<16xi32>
    %and3A_8 = arith.andi %get3A_6, %and3A_7 : vector<16xi32>
    %swap3A = arith.constant 0 : i32
    %swap3A_9 = arith.index_cast %swap3A : i32 to index
    %swap3A_10 = arith.constant 0 : index
    %swap3A_11 = tpu.vector_load %arg7[%swap3A_9, %swap3A_10] {strides = array<i32>} : memref<2x80xi32, #tpu.memory_space<vmem>>, vector<1x16xi32>,
    %swap3A_12 = vector.shape_cast %swap3A_11 : vector<1x16xi32> to vector<16xi32>
    %swap3A_13 = vector.shape_cast %and3A_8 : vector<16xi32> to vector<1x16xi32>
    tpu.vector_store %arg7[%swap3A_9, %swap3A_10], %swap3A_13 {strides = array<i32>} : memref<2x80xi32, #tpu.memory_space<vmem>>, vector<1x16xi32>,
    %shift_right_logical3A = arith.constant 16 : i32
    %shift_right_logical3A_14 = vector.broadcast %shift_right_logical3A : i32 to vector<16xi32>
    %shift_right_logical3A_15 = arith.shrui %get3A_6, %shift_right_logical3A_14 : vector<16xi32>
    %swap3A_16 = arith.constant 0 : i32
    %swap3A_17 = arith.index_cast %swap3A_16 : i32 to index
    %swap3A_18 = arith.constant 0 : index
    %swap3A_19 = tpu.vector_load %arg8[%swap3A_17, %swap3A_18] {strides = array<i32>} : memref<2x80xi32, #tpu.memory_space<vmem>>, vector<1x16xi32>,
    %swap3A_20 = vector.shape_cast %swap3A_19 : vector<1x16xi32> to vector<16xi32>
    %swap3A_21 = vector.shape_cast %shift_right_logical3A_15 : vector<16xi32> to vector<1x16xi32>
    tpu.vector_store %arg8[%swap3A_17, %swap3A_18], %swap3A_21 {strides = array<i32>} : memref<2x80xi32, #tpu.memory_space<vmem>>, vector<1x16xi32>,
    %get3A_22 = arith.constant 0 : i32
    %get3A_23 = arith.index_cast %get3A_22 : i32 to index
    %get3A_24 = arith.constant 16 : index
    %get3A_25 = tpu.vector_load %arg6[%get3A_23, %get3A_24] {strides = array<i32>} : memref<125x80xi32, #tpu.memory_space<vmem>>, vector<1x16xi32>,
    %get3A_26 = vector.shape_cast %get3A_25 : vector<1x16xi32> to vector<16xi32>
    %and3A_27 = arith.constant 65535 : i32
    %and3A_28 = vector.broadcast %and3A_27 : i32 to vector<16xi32>
    %and3A_29 = arith.andi %get3A_26, %and3A_28 : vector<16xi32>
    %swap3A_30 = arith.constant 0 : i32
    %swap3A_31 = arith.index_cast %swap3A_30 : i32 to index
    %swap3A_32 = arith.constant 16 : index
    %swap3A_33 = tpu.vector_load %arg7[%swap3A_31, %swap3A_32] {strides = array<i32>} : memref<2x80xi32, #tpu.memory_space<vmem>>, vector<1x16xi32>,
    %swap3A_34 = vector.shape_cast %swap3A_33 : vector<1x16xi32> to vector<16xi32>
    %swap3A_35 = vector.shape_cast %and3A_29 : vector<16xi32> to vector<1x16xi32>
    tpu.vector_store %arg7[%swap3A_31, %swap3A_32], %swap3A_35 {strides = array<i32>} : memref<2x80xi32, #tpu.memory_space<vmem>>, vector<1x16xi32>,
    %shift_right_logical3A_36 = arith.constant 16 : i32
    %shift_right_logical3A_37 = vector.broadcast %shift_right_logical3A_36 : i32 to vector<16xi32>
    %shift_right_logical3A_38 = arith.shrui %get3A_26, %shift_right_logical3A_37 : vector<16xi32>
    %swap3A_39 = arith.constant 0 : i32
    %swap3A_40 = arith.index_cast %swap3A_39 : i32 to index
    %swap3A_41 = arith.constant 16 : index
    %swap3A_42 = tpu.vector_load %arg8[%swap3A_40, %swap3A_41] {strides = array<i32>} : memref<2x80xi32, #tpu.memory_space<vmem>>, vector<1x16xi32>,
    %swap3A_43 = vector.shape_cast %swap3A_42 : vector<1x16xi32> to vector<16xi32>
    %swap3A_44 = vector.shape_cast %shift_right_logical3A_38 : vector<16xi32> to vector<1x16xi32>
    tpu.vector_store %arg8[%swap3A_40, %swap3A_41], %swap3A_44 {strides = array<i32>} : memref<2x80xi32, #tpu.memory_space<vmem>>, vector<1x16xi32>,
    %get3A_45 = arith.constant 0 : i32
    %get3A_46 = arith.index_cast %get3A_45 : i32 to index
    %get3A_47 = arith.constant 32 : index
    %get3A_48 = tpu.vector_load %arg6[%get3A_46, %get3A_47] {strides = array<i32>} : memref<125x80xi32, #tpu.memory_space<vmem>>, vector<1x16xi32>,
    %get3A_49 = vector.shape_cast %get3A_48 : vector<1x16xi32> to vector<16xi32>
    %and3A_50 = arith.constant 65535 : i32
    %and3A_51 = vector.broadcast %and3A_50 : i32 to vector<16xi32>
    %and3A_52 = arith.andi %get3A_49, %and3A_51 : vector<16xi32>
    %swap3A_53 = arith.constant 0 : i32
    %swap3A_54 = arith.index_cast %swap3A_53 : i32 to index
    %swap3A_55 = arith.constant 32 : index
    %swap3A_56 = tpu.vector_load %arg7[%swap3A_54, %swap3A_55] {strides = array<i32>} : memref<2x80xi32, #tpu.memory_space<vmem>>, vector<1x16xi32>,
    %swap3A_57 = vector.shape_cast %swap3A_56 : vector<1x16xi32> to vector<16xi32>
    %swap3A_58 = vector.shape_cast %and3A_52 : vector<16xi32> to vector<1x16xi32>
    tpu.vector_store %arg7[%swap3A_54, %swap3A_55], %swap3A_58 {strides = array<i32>} : memref<2x80xi32, #tpu.memory_space<vmem>>, vector<1x16xi32>,
    %shift_right_logical3A_59 = arith.constant 16 : i32
    %shift_right_logical3A_60 = vector.broadcast %shift_right_logical3A_59 : i32 to vector<16xi32>
    %shift_right_logical3A_61 = arith.shrui %get3A_49, %shift_right_logical3A_60 : vector<16xi32>
    %swap3A_62 = arith.constant 0 : i32
    %swap3A_63 = arith.index_cast %swap3A_62 : i32 to index
    %swap3A_64 = arith.constant 32 : index
    %swap3A_65 = tpu.vector_load %arg8[%swap3A_63, %swap3A_64] {strides = array<i32>} : memref<2x80xi32, #tpu.memory_space<vmem>>, vector<1x16xi32>,
    %swap3A_66 = vector.shape_cast %swap3A_65 : vector<1x16xi32> to vector<16xi32>
    %swap3A_67 = vector.shape_cast %shift_right_logical3A_61 : vector<16xi32> to vector<1x16xi32>
    tpu.vector_store %arg8[%swap3A_63, %swap3A_64], %swap3A_67 {strides = array<i32>} : memref<2x80xi32, #tpu.memory_space<vmem>>, vector<1x16xi32>,
    %get3A_68 = arith.constant 0 : i32
    %get3A_69 = arith.index_cast %get3A_68 : i32 to index
    %get3A_70 = arith.constant 48 : index
    %get3A_71 = tpu.vector_load %arg6[%get3A_69, %get3A_70] {strides = array<i32>} : memref<125x80xi32, #tpu.memory_space<vmem>>, vector<1x16xi32>,
    %get3A_72 = vector.shape_cast %get3A_71 : vector<1x16xi32> to vector<16xi32>
    %and3A_73 = arith.constant 65535 : i32
    %and3A_74 = vector.broadcast %and3A_73 : i32 to vector<16xi32>
    %and3A_75 = arith.andi %get3A_72, %and3A_74 : vector<16xi32>
    %swap3A_76 = arith.constant 0 : i32
    %swap3A_77 = arith.index_cast %swap3A_76 : i32 to index
    %swap3A_78 = arith.constant 48 : index
    %swap3A_79 = tpu.vector_load %arg7[%swap3A_77, %swap3A_78] {strides = array<i32>} : memref<2x80xi32, #tpu.memory_space<vmem>>, vector<1x16xi32>,
    %swap3A_80 = vector.shape_cast %swap3A_79 : vector<1x16xi32> to vector<16xi32>
    %swap3A_81 = vector.shape_cast %and3A_75 : vector<16xi32> to vector<1x16xi32>
    tpu.vector_store %arg7[%swap3A_77, %swap3A_78], %swap3A_81 {strides = array<i32>} : memref<2x80xi32, #tpu.memory_space<vmem>>, vector<1x16xi32>,
    %shift_right_logical3A_82 = arith.constant 16 : i32
    %shift_right_logical3A_83 = vector.broadcast %shift_right_logical3A_82 : i32 to vector<16xi32>
    %shift_right_logical3A_84 = arith.shrui %get3A_72, %shift_right_logical3A_83 : vector<16xi32>
    %swap3A_85 = arith.constant 0 : i32
    %swap3A_86 = arith.index_cast %swap3A_85 : i32 to index
    %swap3A_87 = arith.constant 48 : index
    %swap3A_88 = tpu.vector_load %arg8[%swap3A_86, %swap3A_87] {strides = array<i32>} : memref<2x80xi32, #tpu.memory_space<vmem>>, vector<1x16xi32>,
    %swap3A_89 = vector.shape_cast %swap3A_88 : vector<1x16xi32> to vector<16xi32>
    %swap3A_90 = vector.shape_cast %shift_right_logical3A_84 : vector<16xi32> to vector<1x16xi32>
    tpu.vector_store %arg8[%swap3A_86, %swap3A_87], %swap3A_90 {strides = array<i32>} : memref<2x80xi32, #tpu.memory_space<vmem>>, vector<1x16xi32>,
    %get3A_91 = arith.constant 0 : i32
    %get3A_92 = arith.index_cast %get3A_91 : i32 to index
    %get3A_93 = arith.constant 64 : index
    %get3A_94 = tpu.vector_load %arg6[%get3A_92, %get3A_93] {strides = array<i32>} : memref<125x80xi32, #tpu.memory_space<vmem>>, vector<1x16xi32>,
    %get3A_95 = vector.shape_cast %get3A_94 : vector<1x16xi32> to vector<16xi32>
    %and3A_96 = arith.constant 65535 : i32
    %and3A_97 = vector.broadcast %and3A_96 : i32 to vector<16xi32>
    %and3A_98 = arith.andi %get3A_95, %and3A_97 : vector<16xi32>
    %swap3A_99 = arith.constant 0 : i32
    %swap3A_100 = arith.index_cast %swap3A_99 : i32 to index
    %swap3A_101 = arith.constant 64 : index
    %swap3A_102 = tpu.vector_load %arg7[%swap3A_100, %swap3A_101] {strides = array<i32>} : memref<2x80xi32, #tpu.memory_space<vmem>>, vector<1x16xi32>,
    %swap3A_103 = vector.shape_cast %swap3A_102 : vector<1x16xi32> to vector<16xi32>
    %swap3A_104 = vector.shape_cast %and3A_98 : vector<16xi32> to vector<1x16xi32>
    tpu.vector_store %arg7[%swap3A_100, %swap3A_101], %swap3A_104 {strides = array<i32>} : memref<2x80xi32, #tpu.memory_space<vmem>>, vector<1x16xi32>,
    %shift_right_logical3A_105 = arith.constant 16 : i32
    %shift_right_logical3A_106 = vector.broadcast %shift_right_logical3A_105 : i32 to vector<16xi32>
    %shift_right_logical3A_107 = arith.shrui %get3A_95, %shift_right_logical3A_106 : vector<16xi32>
    %swap3A_108 = arith.constant 0 : i32
    %swap3A_109 = arith.index_cast %swap3A_108 : i32 to index
    %swap3A_110 = arith.constant 64 : index
    %swap3A_111 = tpu.vector_load %arg8[%swap3A_109, %swap3A_110] {strides = array<i32>} : memref<2x80xi32, #tpu.memory_space<vmem>>, vector<1x16xi32>,
    %swap3A_112 = vector.shape_cast %swap3A_111 : vector<1x16xi32> to vector<16xi32>
    %swap3A_113 = vector.shape_cast %shift_right_logical3A_107 : vector<16xi32> to vector<1x16xi32>
    tpu.vector_store %arg8[%swap3A_109, %swap3A_110], %swap3A_113 {strides = array<i32>} : memref<2x80xi32, #tpu.memory_space<vmem>>, vector<1x16xi32>,
    %dma_start3A = arith.constant 0 : i32
    %dma_start3A_114 = arith.constant 0 : i32
    %dma_start3A_115 = arith.constant 0 : i32
    %dma_start3A_116 = tpu.memref_slice %arg9[%dma_start3A_114, %dma_start3A_115] : memref<160x128xf32, #tpu.memory_space<vmem>> -> memref<80x128xf32, #tpu.memory_space<vmem>>
    %dma_start3A_117 = arith.constant 0 : i32
    %dma_start3A_118 = tpu.memref_slice %arg7[%dma_start3A, %dma_start3A_117] : memref<2x80xi32, #tpu.memory_space<vmem>> -> memref<1x80xi32, #tpu.memory_space<vmem>>
    %dma_start3A_119 = tpu.memref_squeeze %dma_start3A_118 : memref<1x80xi32, #tpu.memory_space<vmem>> -> memref<80xi32, #tpu.memory_space<vmem>>
    %dma_start3A_120 = arith.constant 0 : i32
    %dma_start3A_121 = arith.constant 0 : i32
    %dma_start3A_122 = tpu.memref_slice %arg2[%dma_start3A_120, %dma_start3A_121] : memref<10000x128xf32, #tpu.memory_space<hbm>> -> memref<10000x128xf32, #tpu.memory_space<hbm>>
    tpu.enqueue_indirect_dma source(%dma_start3A_122 : memref<10000x128xf32, #tpu.memory_space<hbm>>) target(%dma_start3A_116 : memref<80x128xf32, #tpu.memory_space<vmem>>) offsets(%dma_start3A_119 : memref<80xi32, #tpu.memory_space<vmem>>) semaphore(%arg11 : memref<!tpu.dma_semaphore, #tpu.memory_space<semaphore_mem>>)
    %lt3A = arith.constant 15 : i32
    %lt3A_123 = arith.cmpi slt, %arg1, %lt3A : i32
    %eq3A = arith.constant 15 : i32
    %eq3A_124 = arith.cmpi eq, %arg1, %eq3A : i32
    %eq3A_125 = arith.constant 0 : i32
    %eq3A_126 = arith.cmpi eq, %arg0, %eq3A_125 : i32
    %and3A_127 = arith.andi %eq3A_126, %lt3A_123 : i1
    %convert_element_type3A = arith.extui %and3A_127 : i1 to i32
    %cond3A = arith.constant 0 : i32
    %cond3A_128 = arith.cmpi ne, %convert_element_type3A, %cond3A : i32
    scf.if %cond3A_128 {
      "tpu.region"() ({
        %run_scoped3A_171 = tpu.sem_alloc : memref<!tpu.dma_semaphore, #tpu.memory_space<semaphore_mem>>
        %dma_start3A_172 = arith.constant 0 : i32
        %dma_start3A_173 = tpu.memref_slice %arg10[%mul3A_0, %dma_start3A_172] : memref<10000x128xf32, #tpu.memory_space<vmem_shared>> -> memref<640x128xf32, #tpu.memory_space<vmem_shared>>
        %dma_start3A_174 = arith.constant 0 : i32
        %dma_start3A_175 = tpu.memref_slice %arg2[%mul3A_0, %dma_start3A_174] : memref<10000x128xf32, #tpu.memory_space<hbm>> -> memref<640x128xf32, #tpu.memory_space<hbm>>
        tpu.enqueue_dma source(%dma_start3A_175 : memref<640x128xf32, #tpu.memory_space<hbm>>) target(%dma_start3A_173 : memref<640x128xf32, #tpu.memory_space<vmem_shared>>) target_semaphore(%run_scoped3A_171 : memref<!tpu.dma_semaphore, #tpu.memory_space<semaphore_mem>>)
        %dma_wait3A_176 = arith.constant 0 : i32
        %dma_wait3A_177 = tpu.memref_slice %arg10[%mul3A_0, %dma_wait3A_176] : memref<10000x128xf32, #tpu.memory_space<vmem_shared>> -> memref<640x128xf32, #tpu.memory_space<vmem_shared>>
        %dma_wait3A_178 = arith.constant 0 : i32
        %dma_wait3A_179 = tpu.memref_slice %arg2[%mul3A_0, %dma_wait3A_178] : memref<10000x128xf32, #tpu.memory_space<hbm>> -> memref<640x128xf32, #tpu.memory_space<hbm>>
        tpu.wait_dma2 semaphore(%run_scoped3A_171 : memref<!tpu.dma_semaphore, #tpu.memory_space<semaphore_mem>>) src(%dma_wait3A_179 : memref<640x128xf32, #tpu.memory_space<hbm>>) dst(%dma_wait3A_177 : memref<640x128xf32, #tpu.memory_space<vmem_shared>>)
        tpu.yield
      }) : () -> ()
    } else {
    }
    %ne3A = arith.constant 0 : i32
    %ne3A_129 = arith.cmpi ne, %arg0, %ne3A : i32
    %and3A_130 = arith.andi %ne3A_129, %lt3A_123 : i1
    %convert_element_type3A_131 = arith.extui %and3A_130 : i1 to i32
    %cond3A_132 = arith.constant 0 : i32
    %cond3A_133 = arith.cmpi ne, %convert_element_type3A_131, %cond3A_132 : i32
    scf.if %cond3A_133 {
      "tpu.region"() ({
        %run_scoped3A_171 = tpu.sem_alloc : memref<!tpu.dma_semaphore, #tpu.memory_space<semaphore_mem>>
        %dma_start3A_172 = arith.constant 0 : i32
        %dma_start3A_173 = tpu.memref_slice %arg10[%mul3A_0, %dma_start3A_172] : memref<10000x128xf32, #tpu.memory_space<vmem_shared>> -> memref<640x128xf32, #tpu.memory_space<vmem_shared>>
        %dma_start3A_174 = arith.constant 0 : i32
        %dma_start3A_175 = tpu.memref_slice %arg3[%mul3A_0, %dma_start3A_174] : memref<10000x128xf32, #tpu.memory_space<hbm>> -> memref<640x128xf32, #tpu.memory_space<hbm>>
        tpu.enqueue_dma source(%dma_start3A_175 : memref<640x128xf32, #tpu.memory_space<hbm>>) target(%dma_start3A_173 : memref<640x128xf32, #tpu.memory_space<vmem_shared>>) target_semaphore(%run_scoped3A_171 : memref<!tpu.dma_semaphore, #tpu.memory_space<semaphore_mem>>)
        %dma_wait3A_176 = arith.constant 0 : i32
        %dma_wait3A_177 = tpu.memref_slice %arg10[%mul3A_0, %dma_wait3A_176] : memref<10000x128xf32, #tpu.memory_space<vmem_shared>> -> memref<640x128xf32, #tpu.memory_space<vmem_shared>>
        %dma_wait3A_178 = arith.constant 0 : i32
        %dma_wait3A_179 = tpu.memref_slice %arg3[%mul3A_0, %dma_wait3A_178] : memref<10000x128xf32, #tpu.memory_space<hbm>> -> memref<640x128xf32, #tpu.memory_space<hbm>>
        tpu.wait_dma2 semaphore(%run_scoped3A_171 : memref<!tpu.dma_semaphore, #tpu.memory_space<semaphore_mem>>) src(%dma_wait3A_179 : memref<640x128xf32, #tpu.memory_space<hbm>>) dst(%dma_wait3A_177 : memref<640x128xf32, #tpu.memory_space<vmem_shared>>)
        tpu.yield
      }) : () -> ()
    } else {
    }
    %eq3A_134 = arith.constant 0 : i32
    %eq3A_135 = arith.cmpi eq, %arg0, %eq3A_134 : i32
    %and3A_136 = arith.andi %eq3A_135, %eq3A_124 : i1
    %convert_element_type3A_137 = arith.extui %and3A_136 : i1 to i32
    %cond3A_138 = arith.constant 0 : i32
    %cond3A_139 = arith.cmpi ne, %convert_element_type3A_137, %cond3A_138 : i32
    scf.if %cond3A_139 {
      "tpu.region"() ({
        %run_scoped3A_171 = tpu.sem_alloc : memref<!tpu.dma_semaphore, #tpu.memory_space<semaphore_mem>>
        %dma_start3A_172 = arith.constant 0 : i32
        %dma_start3A_173 = tpu.memref_slice %arg10[%mul3A_0, %dma_start3A_172] : memref<10000x128xf32, #tpu.memory_space<vmem_shared>> -> memref<400x128xf32, #tpu.memory_space<vmem_shared>>
        %dma_start3A_174 = arith.constant 0 : i32
        %dma_start3A_175 = tpu.memref_slice %arg2[%mul3A_0, %dma_start3A_174] : memref<10000x128xf32, #tpu.memory_space<hbm>> -> memref<400x128xf32, #tpu.memory_space<hbm>>
        tpu.enqueue_dma source(%dma_start3A_175 : memref<400x128xf32, #tpu.memory_space<hbm>>) target(%dma_start3A_173 : memref<400x128xf32, #tpu.memory_space<vmem_shared>>) target_semaphore(%run_scoped3A_171 : memref<!tpu.dma_semaphore, #tpu.memory_space<semaphore_mem>>)
        %dma_wait3A_176 = arith.constant 0 : i32
        %dma_wait3A_177 = tpu.memref_slice %arg10[%mul3A_0, %dma_wait3A_176] : memref<10000x128xf32, #tpu.memory_space<vmem_shared>> -> memref<400x128xf32, #tpu.memory_space<vmem_shared>>
        %dma_wait3A_178 = arith.constant 0 : i32
        %dma_wait3A_179 = tpu.memref_slice %arg2[%mul3A_0, %dma_wait3A_178] : memref<10000x128xf32, #tpu.memory_space<hbm>> -> memref<400x128xf32, #tpu.memory_space<hbm>>
        tpu.wait_dma2 semaphore(%run_scoped3A_171 : memref<!tpu.dma_semaphore, #tpu.memory_space<semaphore_mem>>) src(%dma_wait3A_179 : memref<400x128xf32, #tpu.memory_space<hbm>>) dst(%dma_wait3A_177 : memref<400x128xf32, #tpu.memory_space<vmem_shared>>)
        tpu.yield
      }) : () -> ()
    } else {
    }
    %ne3A_140 = arith.constant 0 : i32
    %ne3A_141 = arith.cmpi ne, %arg0, %ne3A_140 : i32
    %and3A_142 = arith.andi %ne3A_141, %eq3A_124 : i1
    %convert_element_type3A_143 = arith.extui %and3A_142 : i1 to i32
    %cond3A_144 = arith.constant 0 : i32
    %cond3A_145 = arith.cmpi ne, %convert_element_type3A_143, %cond3A_144 : i32
    scf.if %cond3A_145 {
      "tpu.region"() ({
        %run_scoped3A_171 = tpu.sem_alloc : memref<!tpu.dma_semaphore, #tpu.memory_space<semaphore_mem>>
        %dma_start3A_172 = arith.constant 0 : i32
        %dma_start3A_173 = tpu.memref_slice %arg10[%mul3A_0, %dma_start3A_172] : memref<10000x128xf32, #tpu.memory_space<vmem_shared>> -> memref<400x128xf32, #tpu.memory_space<vmem_shared>>
        %dma_start3A_174 = arith.constant 0 : i32
        %dma_start3A_175 = tpu.memref_slice %arg3[%mul3A_0, %dma_start3A_174] : memref<10000x128xf32, #tpu.memory_space<hbm>> -> memref<400x128xf32, #tpu.memory_space<hbm>>
        tpu.enqueue_dma source(%dma_start3A_175 : memref<400x128xf32, #tpu.memory_space<hbm>>) target(%dma_start3A_173 : memref<400x128xf32, #tpu.memory_space<vmem_shared>>) target_semaphore(%run_scoped3A_171 : memref<!tpu.dma_semaphore, #tpu.memory_space<semaphore_mem>>)
        %dma_wait3A_176 = arith.constant 0 : i32
        %dma_wait3A_177 = tpu.memref_slice %arg10[%mul3A_0, %dma_wait3A_176] : memref<10000x128xf32, #tpu.memory_space<vmem_shared>> -> memref<400x128xf32, #tpu.memory_space<vmem_shared>>
        %dma_wait3A_178 = arith.constant 0 : i32
        %dma_wait3A_179 = tpu.memref_slice %arg3[%mul3A_0, %dma_wait3A_178] : memref<10000x128xf32, #tpu.memory_space<hbm>> -> memref<400x128xf32, #tpu.memory_space<hbm>>
        tpu.wait_dma2 semaphore(%run_scoped3A_171 : memref<!tpu.dma_semaphore, #tpu.memory_space<semaphore_mem>>) src(%dma_wait3A_179 : memref<400x128xf32, #tpu.memory_space<hbm>>) dst(%dma_wait3A_177 : memref<400x128xf32, #tpu.memory_space<vmem_shared>>)
        tpu.yield
      }) : () -> ()
    } else {
    }
    %barrier3A = arith.constant 0 : index
    tpu.barrier barrier_id(%barrier3A)
    %scan3A = arith.constant 0 : i32
    %scan3A_146 = arith.constant 0 : i32
    %scan3A_147 = arith.constant 62 : i32
    %scan3A_148 = arith.addi %scan3A_146, %scan3A_147 : i32
    %scan3A_149 = arith.constant 1 : i32
    scf.for %scan3A_171 = %scan3A_146 to %scan3A_148 step %scan3A_149  : i32 {
      %mul3A_172 = arith.constant 2 : i32
      %mul3A_173 = arith.muli %mul3A_172, %scan3A_171 : i32
      %add3A_174 = arith.constant 1 : i32
      %add3A_175 = arith.addi %mul3A_173, %add3A_174 : i32
      %get3A_176 = arith.index_cast %add3A_175 : i32 to index
      %get3A_177 = arith.constant 0 : index
      %get3A_178 = tpu.vector_load %arg6[%get3A_176, %get3A_177] {strides = array<i32>} : memref<125x80xi32, #tpu.memory_space<vmem>>, vector<1x16xi32>,
      %get3A_179 = vector.shape_cast %get3A_178 : vector<1x16xi32> to vector<16xi32>
      %and3A_180 = arith.constant 65535 : i32
      %and3A_181 = vector.broadcast %and3A_180 : i32 to vector<16xi32>
      %and3A_182 = arith.andi %get3A_179, %and3A_181 : vector<16xi32>
      %swap3A_183 = arith.constant 1 : i32
      %swap3A_184 = arith.index_cast %swap3A_183 : i32 to index
      %swap3A_185 = arith.constant 0 : index
      %swap3A_186 = tpu.vector_load %arg7[%swap3A_184, %swap3A_185] {strides = array<i32>} : memref<2x80xi32, #tpu.memory_space<vmem>>, vector<1x16xi32>,
      %swap3A_187 = vector.shape_cast %swap3A_186 : vector<1x16xi32> to vector<16xi32>
      %swap3A_188 = vector.shape_cast %and3A_182 : vector<16xi32> to vector<1x16xi32>
      tpu.vector_store %arg7[%swap3A_184, %swap3A_185], %swap3A_188 {strides = array<i32>} : memref<2x80xi32, #tpu.memory_space<vmem>>, vector<1x16xi32>,
      %shift_right_logical3A_189 = arith.constant 16 : i32
      %shift_right_logical3A_190 = vector.broadcast %shift_right_logical3A_189 : i32 to vector<16xi32>
      %shift_right_logical3A_191 = arith.shrui %get3A_179, %shift_right_logical3A_190 : vector<16xi32>
      %swap3A_192 = arith.constant 1 : i32
      %swap3A_193 = arith.index_cast %swap3A_192 : i32 to index
      %swap3A_194 = arith.constant 0 : index
      %swap3A_195 = tpu.vector_load %arg8[%swap3A_193, %swap3A_194] {strides = array<i32>} : memref<2x80xi32, #tpu.memory_space<vmem>>, vector<1x16xi32>,
      %swap3A_196 = vector.shape_cast %swap3A_195 : vector<1x16xi32> to vector<16xi32>
      %swap3A_197 = vector.shape_cast %shift_right_logical3A_191 : vector<16xi32> to vector<1x16xi32>
      tpu.vector_store %arg8[%swap3A_193, %swap3A_194], %swap3A_197 {strides = array<i32>} : memref<2x80xi32, #tpu.memory_space<vmem>>, vector<1x16xi32>,
      %get3A_198 = arith.index_cast %add3A_175 : i32 to index
      %get3A_199 = arith.constant 16 : index
      %get3A_200 = tpu.vector_load %arg6[%get3A_198, %get3A_199] {strides = array<i32>} : memref<125x80xi32, #tpu.memory_space<vmem>>, vector<1x16xi32>,
      %get3A_201 = vector.shape_cast %get3A_200 : vector<1x16xi32> to vector<16xi32>
      %and3A_202 = arith.constant 65535 : i32
      %and3A_203 = vector.broadcast %and3A_202 : i32 to vector<16xi32>
      %and3A_204 = arith.andi %get3A_201, %and3A_203 : vector<16xi32>
      %swap3A_205 = arith.constant 1 : i32
      %swap3A_206 = arith.index_cast %swap3A_205 : i32 to index
      %swap3A_207 = arith.constant 16 : index
      %swap3A_208 = tpu.vector_load %arg7[%swap3A_206, %swap3A_207] {strides = array<i32>} : memref<2x80xi32, #tpu.memory_space<vmem>>, vector<1x16xi32>,
      %swap3A_209 = vector.shape_cast %swap3A_208 : vector<1x16xi32> to vector<16xi32>
      %swap3A_210 = vector.shape_cast %and3A_204 : vector<16xi32> to vector<1x16xi32>
      tpu.vector_store %arg7[%swap3A_206, %swap3A_207], %swap3A_210 {strides = array<i32>} : memref<2x80xi32, #tpu.memory_space<vmem>>, vector<1x16xi32>,
      %shift_right_logical3A_211 = arith.constant 16 : i32
      %shift_right_logical3A_212 = vector.broadcast %shift_right_logical3A_211 : i32 to vector<16xi32>
      %shift_right_logical3A_213 = arith.shrui %get3A_201, %shift_right_logical3A_212 : vector<16xi32>
      %swap3A_214 = arith.constant 1 : i32
      %swap3A_215 = arith.index_cast %swap3A_214 : i32 to index
      %swap3A_216 = arith.constant 16 : index
      %swap3A_217 = tpu.vector_load %arg8[%swap3A_215, %swap3A_216] {strides = array<i32>} : memref<2x80xi32, #tpu.memory_space<vmem>>, vector<1x16xi32>,
      %swap3A_218 = vector.shape_cast %swap3A_217 : vector<1x16xi32> to vector<16xi32>
      %swap3A_219 = vector.shape_cast %shift_right_logical3A_213 : vector<16xi32> to vector<1x16xi32>
      tpu.vector_store %arg8[%swap3A_215, %swap3A_216], %swap3A_219 {strides = array<i32>} : memref<2x80xi32, #tpu.memory_space<vmem>>, vector<1x16xi32>,
      %get3A_220 = arith.index_cast %add3A_175 : i32 to index
      %get3A_221 = arith.constant 32 : index
      %get3A_222 = tpu.vector_load %arg6[%get3A_220, %get3A_221] {strides = array<i32>} : memref<125x80xi32, #tpu.memory_space<vmem>>, vector<1x16xi32>,
      %get3A_223 = vector.shape_cast %get3A_222 : vector<1x16xi32> to vector<16xi32>
      %and3A_224 = arith.constant 65535 : i32
      %and3A_225 = vector.broadcast %and3A_224 : i32 to vector<16xi32>
      %and3A_226 = arith.andi %get3A_223, %and3A_225 : vector<16xi32>
      %swap3A_227 = arith.constant 1 : i32
      %swap3A_228 = arith.index_cast %swap3A_227 : i32 to index
      %swap3A_229 = arith.constant 32 : index
      %swap3A_230 = tpu.vector_load %arg7[%swap3A_228, %swap3A_229] {strides = array<i32>} : memref<2x80xi32, #tpu.memory_space<vmem>>, vector<1x16xi32>,
      %swap3A_231 = vector.shape_cast %swap3A_230 : vector<1x16xi32> to vector<16xi32>
      %swap3A_232 = vector.shape_cast %and3A_226 : vector<16xi32> to vector<1x16xi32>
      tpu.vector_store %arg7[%swap3A_228, %swap3A_229], %swap3A_232 {strides = array<i32>} : memref<2x80xi32, #tpu.memory_space<vmem>>, vector<1x16xi32>,
      %shift_right_logical3A_233 = arith.constant 16 : i32
      %shift_right_logical3A_234 = vector.broadcast %shift_right_logical3A_233 : i32 to vector<16xi32>
      %shift_right_logical3A_235 = arith.shrui %get3A_223, %shift_right_logical3A_234 : vector<16xi32>
      %swap3A_236 = arith.constant 1 : i32
      %swap3A_237 = arith.index_cast %swap3A_236 : i32 to index
      %swap3A_238 = arith.constant 32 : index
      %swap3A_239 = tpu.vector_load %arg8[%swap3A_237, %swap3A_238] {strides = array<i32>} : memref<2x80xi32, #tpu.memory_space<vmem>>, vector<1x16xi32>,
      %swap3A_240 = vector.shape_cast %swap3A_239 : vector<1x16xi32> to vector<16xi32>
      %swap3A_241 = vector.shape_cast %shift_right_logical3A_235 : vector<16xi32> to vector<1x16xi32>
      tpu.vector_store %arg8[%swap3A_237, %swap3A_238], %swap3A_241 {strides = array<i32>} : memref<2x80xi32, #tpu.memory_space<vmem>>, vector<1x16xi32>,
      %get3A_242 = arith.index_cast %add3A_175 : i32 to index
      %get3A_243 = arith.constant 48 : index
      %get3A_244 = tpu.vector_load %arg6[%get3A_242, %get3A_243] {strides = array<i32>} : memref<125x80xi32, #tpu.memory_space<vmem>>, vector<1x16xi32>,
      %get3A_245 = vector.shape_cast %get3A_244 : vector<1x16xi32> to vector<16xi32>
      %and3A_246 = arith.constant 65535 : i32
      %and3A_247 = vector.broadcast %and3A_246 : i32 to vector<16xi32>
      %and3A_248 = arith.andi %get3A_245, %and3A_247 : vector<16xi32>
      %swap3A_249 = arith.constant 1 : i32
      %swap3A_250 = arith.index_cast %swap3A_249 : i32 to index
      %swap3A_251 = arith.constant 48 : index
      %swap3A_252 = tpu.vector_load %arg7[%swap3A_250, %swap3A_251] {strides = array<i32>} : memref<2x80xi32, #tpu.memory_space<vmem>>, vector<1x16xi32>,
      %swap3A_253 = vector.shape_cast %swap3A_252 : vector<1x16xi32> to vector<16xi32>
      %swap3A_254 = vector.shape_cast %and3A_248 : vector<16xi32> to vector<1x16xi32>
      tpu.vector_store %arg7[%swap3A_250, %swap3A_251], %swap3A_254 {strides = array<i32>} : memref<2x80xi32, #tpu.memory_space<vmem>>, vector<1x16xi32>,
      %shift_right_logical3A_255 = arith.constant 16 : i32
      %shift_right_logical3A_256 = vector.broadcast %shift_right_logical3A_255 : i32 to vector<16xi32>
      %shift_right_logical3A_257 = arith.shrui %get3A_245, %shift_right_logical3A_256 : vector<16xi32>
      %swap3A_258 = arith.constant 1 : i32
      %swap3A_259 = arith.index_cast %swap3A_258 : i32 to index
      %swap3A_260 = arith.constant 48 : index
      %swap3A_261 = tpu.vector_load %arg8[%swap3A_259, %swap3A_260] {strides = array<i32>} : memref<2x80xi32, #tpu.memory_space<vmem>>, vector<1x16xi32>,
      %swap3A_262 = vector.shape_cast %swap3A_261 : vector<1x16xi32> to vector<16xi32>
      %swap3A_263 = vector.shape_cast %shift_right_logical3A_257 : vector<16xi32> to vector<1x16xi32>
      tpu.vector_store %arg8[%swap3A_259, %swap3A_260], %swap3A_263 {strides = array<i32>} : memref<2x80xi32, #tpu.memory_space<vmem>>, vector<1x16xi32>,
      %get3A_264 = arith.index_cast %add3A_175 : i32 to index
      %get3A_265 = arith.constant 64 : index
      %get3A_266 = tpu.vector_load %arg6[%get3A_264, %get3A_265] {strides = array<i32>} : memref<125x80xi32, #tpu.memory_space<vmem>>, vector<1x16xi32>,
      %get3A_267 = vector.shape_cast %get3A_266 : vector<1x16xi32> to vector<16xi32>
      %and3A_268 = arith.constant 65535 : i32
      %and3A_269 = vector.broadcast %and3A_268 : i32 to vector<16xi32>
      %and3A_270 = arith.andi %get3A_267, %and3A_269 : vector<16xi32>
      %swap3A_271 = arith.constant 1 : i32
      %swap3A_272 = arith.index_cast %swap3A_271 : i32 to index
      %swap3A_273 = arith.constant 64 : index
      %swap3A_274 = tpu.vector_load %arg7[%swap3A_272, %swap3A_273] {strides = array<i32>} : memref<2x80xi32, #tpu.memory_space<vmem>>, vector<1x16xi32>,
      %swap3A_275 = vector.shape_cast %swap3A_274 : vector<1x16xi32> to vector<16xi32>
      %swap3A_276 = vector.shape_cast %and3A_270 : vector<16xi32> to vector<1x16xi32>
      tpu.vector_store %arg7[%swap3A_272, %swap3A_273], %swap3A_276 {strides = array<i32>} : memref<2x80xi32, #tpu.memory_space<vmem>>, vector<1x16xi32>,
      %shift_right_logical3A_277 = arith.constant 16 : i32
      %shift_right_logical3A_278 = vector.broadcast %shift_right_logical3A_277 : i32 to vector<16xi32>
      %shift_right_logical3A_279 = arith.shrui %get3A_267, %shift_right_logical3A_278 : vector<16xi32>
      %swap3A_280 = arith.constant 1 : i32
      %swap3A_281 = arith.index_cast %swap3A_280 : i32 to index
      %swap3A_282 = arith.constant 64 : index
      %swap3A_283 = tpu.vector_load %arg8[%swap3A_281, %swap3A_282] {strides = array<i32>} : memref<2x80xi32, #tpu.memory_space<vmem>>, vector<1x16xi32>,
      %swap3A_284 = vector.shape_cast %swap3A_283 : vector<1x16xi32> to vector<16xi32>
      %swap3A_285 = vector.shape_cast %shift_right_logical3A_279 : vector<16xi32> to vector<1x16xi32>
      tpu.vector_store %arg8[%swap3A_281, %swap3A_282], %swap3A_285 {strides = array<i32>} : memref<2x80xi32, #tpu.memory_space<vmem>>, vector<1x16xi32>,
      %dma_wait3A_286 = arith.constant 0 : i32
      %dma_wait3A_287 = arith.constant 0 : i32
      %dma_wait3A_288 = arith.constant 0 : i32
      %dma_wait3A_289 = tpu.memref_slice %arg9[%dma_wait3A_287, %dma_wait3A_288] : memref<160x128xf32, #tpu.memory_space<vmem>> -> memref<80x128xf32, #tpu.memory_space<vmem>>
      %dma_wait3A_290 = arith.constant 0 : i32
      %dma_wait3A_291 = tpu.memref_slice %arg7[%dma_wait3A_286, %dma_wait3A_290] : memref<2x80xi32, #tpu.memory_space<vmem>> -> memref<1x80xi32, #tpu.memory_space<vmem>>
      %dma_wait3A_292 = tpu.memref_squeeze %dma_wait3A_291 : memref<1x80xi32, #tpu.memory_space<vmem>> -> memref<80xi32, #tpu.memory_space<vmem>>
      %dma_wait3A_293 = arith.constant 0 : i32
      %dma_wait3A_294 = arith.constant 0 : i32
      %dma_wait3A_295 = tpu.memref_slice %arg2[%dma_wait3A_293, %dma_wait3A_294] : memref<10000x128xf32, #tpu.memory_space<hbm>> -> memref<10000x128xf32, #tpu.memory_space<hbm>>
      tpu.wait_indirect_dma semaphore(%arg11 : memref<!tpu.dma_semaphore, #tpu.memory_space<semaphore_mem>>) src(%dma_wait3A_295 : memref<10000x128xf32, #tpu.memory_space<hbm>>) dst(%dma_wait3A_289 : memref<80x128xf32, #tpu.memory_space<vmem>>)
      %dma_start3A_296 = arith.constant 1 : i32
      %dma_start3A_297 = arith.constant 80 : i32
      %dma_start3A_298 = arith.constant 0 : i32
      %dma_start3A_299 = tpu.memref_slice %arg9[%dma_start3A_297, %dma_start3A_298] : memref<160x128xf32, #tpu.memory_space<vmem>> -> memref<80x128xf32, #tpu.memory_space<vmem>>
      %dma_start3A_300 = arith.constant 0 : i32
      %dma_start3A_301 = tpu.memref_slice %arg7[%dma_start3A_296, %dma_start3A_300] : memref<2x80xi32, #tpu.memory_space<vmem>> -> memref<1x80xi32, #tpu.memory_space<vmem>>
      %dma_start3A_302 = tpu.memref_squeeze %dma_start3A_301 : memref<1x80xi32, #tpu.memory_space<vmem>> -> memref<80xi32, #tpu.memory_space<vmem>>
      %dma_start3A_303 = arith.constant 0 : i32
      %dma_start3A_304 = arith.constant 0 : i32
      %dma_start3A_305 = tpu.memref_slice %arg2[%dma_start3A_303, %dma_start3A_304] : memref<10000x128xf32, #tpu.memory_space<hbm>> -> memref<10000x128xf32, #tpu.memory_space<hbm>>
      tpu.enqueue_indirect_dma source(%dma_start3A_305 : memref<10000x128xf32, #tpu.memory_space<hbm>>) target(%dma_start3A_299 : memref<80x128xf32, #tpu.memory_space<vmem>>) offsets(%dma_start3A_302 : memref<80xi32, #tpu.memory_space<vmem>>) semaphore(%arg11 : memref<!tpu.dma_semaphore, #tpu.memory_space<semaphore_mem>>)
      %run_scoped3A_306 = arith.constant 0 : i32
      "tpu.region"() ({
        %run_scoped3A_440 = tpu.sem_alloc : memref<!tpu.dma_semaphore, #tpu.memory_space<semaphore_mem>>
        %dma_start3A_441 = arith.constant 0 : i32
        %dma_start3A_442 = arith.constant 0 : i32
        %dma_start3A_443 = tpu.memref_slice %arg9[%dma_start3A_441, %dma_start3A_442] : memref<160x128xf32, #tpu.memory_space<vmem>> -> memref<80x128xf32, #tpu.memory_space<vmem>>
        %dma_start3A_444 = arith.constant 0 : i32
        %dma_start3A_445 = tpu.memref_slice %arg8[%run_scoped3A_306, %dma_start3A_444] : memref<2x80xi32, #tpu.memory_space<vmem>> -> memref<1x80xi32, #tpu.memory_space<vmem>>
        %dma_start3A_446 = tpu.memref_squeeze %dma_start3A_445 : memref<1x80xi32, #tpu.memory_space<vmem>> -> memref<80xi32, #tpu.memory_space<vmem>>
        %dma_start3A_447 = arith.constant 0 : i32
        %dma_start3A_448 = arith.constant 0 : i32
        %dma_start3A_449 = tpu.memref_slice %arg10[%dma_start3A_447, %dma_start3A_448] : memref<10000x128xf32, #tpu.memory_space<vmem_shared>> -> memref<10000x128xf32, #tpu.memory_space<vmem_shared>>
        tpu.enqueue_indirect_dma source(%dma_start3A_443 : memref<80x128xf32, #tpu.memory_space<vmem>>) target(%dma_start3A_449 : memref<10000x128xf32, #tpu.memory_space<vmem_shared>>) offsets(%dma_start3A_446 : memref<80xi32, #tpu.memory_space<vmem>>) semaphore(%run_scoped3A_440 : memref<!tpu.dma_semaphore, #tpu.memory_space<semaphore_mem>>) {add = true}
        %dma_wait3A_450 = arith.constant 0 : i32
        %dma_wait3A_451 = arith.constant 0 : i32
        %dma_wait3A_452 = tpu.memref_slice %arg9[%dma_wait3A_450, %dma_wait3A_451] : memref<160x128xf32, #tpu.memory_space<vmem>> -> memref<80x128xf32, #tpu.memory_space<vmem>>
        %dma_wait3A_453 = arith.constant 0 : i32
        %dma_wait3A_454 = tpu.memref_slice %arg8[%run_scoped3A_306, %dma_wait3A_453] : memref<2x80xi32, #tpu.memory_space<vmem>> -> memref<1x80xi32, #tpu.memory_space<vmem>>
        %dma_wait3A_455 = tpu.memref_squeeze %dma_wait3A_454 : memref<1x80xi32, #tpu.memory_space<vmem>> -> memref<80xi32, #tpu.memory_space<vmem>>
        %dma_wait3A_456 = arith.constant 0 : i32
        %dma_wait3A_457 = arith.constant 0 : i32
        %dma_wait3A_458 = tpu.memref_slice %arg10[%dma_wait3A_456, %dma_wait3A_457] : memref<10000x128xf32, #tpu.memory_space<vmem_shared>> -> memref<10000x128xf32, #tpu.memory_space<vmem_shared>>
        tpu.wait_indirect_dma semaphore(%run_scoped3A_440 : memref<!tpu.dma_semaphore, #tpu.memory_space<semaphore_mem>>) src(%dma_wait3A_452 : memref<80x128xf32, #tpu.memory_space<vmem>>) dst(%dma_wait3A_458 : memref<10000x128xf32, #tpu.memory_space<vmem_shared>>)
        tpu.yield
      }) : () -> ()
      %add3A_307 = arith.constant 2 : i32
      %add3A_308 = arith.addi %mul3A_173, %add3A_307 : i32
      %get3A_309 = arith.index_cast %add3A_308 : i32 to index
      %get3A_310 = arith.constant 0 : index
      %get3A_311 = tpu.vector_load %arg6[%get3A_309, %get3A_310] {strides = array<i32>} : memref<125x80xi32, #tpu.memory_space<vmem>>, vector<1x16xi32>,
      %get3A_312 = vector.shape_cast %get3A_311 : vector<1x16xi32> to vector<16xi32>
      %and3A_313 = arith.constant 65535 : i32
      %and3A_314 = vector.broadcast %and3A_313 : i32 to vector<16xi32>
      %and3A_315 = arith.andi %get3A_312, %and3A_314 : vector<16xi32>
      %swap3A_316 = arith.constant 0 : i32
      %swap3A_317 = arith.index_cast %swap3A_316 : i32 to index
      %swap3A_318 = arith.constant 0 : index
      %swap3A_319 = tpu.vector_load %arg7[%swap3A_317, %swap3A_318] {strides = array<i32>} : memref<2x80xi32, #tpu.memory_space<vmem>>, vector<1x16xi32>,
      %swap3A_320 = vector.shape_cast %swap3A_319 : vector<1x16xi32> to vector<16xi32>
      %swap3A_321 = vector.shape_cast %and3A_315 : vector<16xi32> to vector<1x16xi32>
      tpu.vector_store %arg7[%swap3A_317, %swap3A_318], %swap3A_321 {strides = array<i32>} : memref<2x80xi32, #tpu.memory_space<vmem>>, vector<1x16xi32>,
      %shift_right_logical3A_322 = arith.constant 16 : i32
      %shift_right_logical3A_323 = vector.broadcast %shift_right_logical3A_322 : i32 to vector<16xi32>
      %shift_right_logical3A_324 = arith.shrui %get3A_312, %shift_right_logical3A_323 : vector<16xi32>
      %swap3A_325 = arith.constant 0 : i32
      %swap3A_326 = arith.index_cast %swap3A_325 : i32 to index
      %swap3A_327 = arith.constant 0 : index
      %swap3A_328 = tpu.vector_load %arg8[%swap3A_326, %swap3A_327] {strides = array<i32>} : memref<2x80xi32, #tpu.memory_space<vmem>>, vector<1x16xi32>,
      %swap3A_329 = vector.shape_cast %swap3A_328 : vector<1x16xi32> to vector<16xi32>
      %swap3A_330 = vector.shape_cast %shift_right_logical3A_324 : vector<16xi32> to vector<1x16xi32>
      tpu.vector_store %arg8[%swap3A_326, %swap3A_327], %swap3A_330 {strides = array<i32>} : memref<2x80xi32, #tpu.memory_space<vmem>>, vector<1x16xi32>,
      %get3A_331 = arith.index_cast %add3A_308 : i32 to index
      %get3A_332 = arith.constant 16 : index
      %get3A_333 = tpu.vector_load %arg6[%get3A_331, %get3A_332] {strides = array<i32>} : memref<125x80xi32, #tpu.memory_space<vmem>>, vector<1x16xi32>,
      %get3A_334 = vector.shape_cast %get3A_333 : vector<1x16xi32> to vector<16xi32>
      %and3A_335 = arith.constant 65535 : i32
      %and3A_336 = vector.broadcast %and3A_335 : i32 to vector<16xi32>
      %and3A_337 = arith.andi %get3A_334, %and3A_336 : vector<16xi32>
      %swap3A_338 = arith.constant 0 : i32
      %swap3A_339 = arith.index_cast %swap3A_338 : i32 to index
      %swap3A_340 = arith.constant 16 : index
      %swap3A_341 = tpu.vector_load %arg7[%swap3A_339, %swap3A_340] {strides = array<i32>} : memref<2x80xi32, #tpu.memory_space<vmem>>, vector<1x16xi32>,
      %swap3A_342 = vector.shape_cast %swap3A_341 : vector<1x16xi32> to vector<16xi32>
      %swap3A_343 = vector.shape_cast %and3A_337 : vector<16xi32> to vector<1x16xi32>
      tpu.vector_store %arg7[%swap3A_339, %swap3A_340], %swap3A_343 {strides = array<i32>} : memref<2x80xi32, #tpu.memory_space<vmem>>, vector<1x16xi32>,
      %shift_right_logical3A_344 = arith.constant 16 : i32
      %shift_right_logical3A_345 = vector.broadcast %shift_right_logical3A_344 : i32 to vector<16xi32>
      %shift_right_logical3A_346 = arith.shrui %get3A_334, %shift_right_logical3A_345 : vector<16xi32>
      %swap3A_347 = arith.constant 0 : i32
      %swap3A_348 = arith.index_cast %swap3A_347 : i32 to index
      %swap3A_349 = arith.constant 16 : index
      %swap3A_350 = tpu.vector_load %arg8[%swap3A_348, %swap3A_349] {strides = array<i32>} : memref<2x80xi32, #tpu.memory_space<vmem>>, vector<1x16xi32>,
      %swap3A_351 = vector.shape_cast %swap3A_350 : vector<1x16xi32> to vector<16xi32>
      %swap3A_352 = vector.shape_cast %shift_right_logical3A_346 : vector<16xi32> to vector<1x16xi32>
      tpu.vector_store %arg8[%swap3A_348, %swap3A_349], %swap3A_352 {strides = array<i32>} : memref<2x80xi32, #tpu.memory_space<vmem>>, vector<1x16xi32>,
      %get3A_353 = arith.index_cast %add3A_308 : i32 to index
      %get3A_354 = arith.constant 32 : index
      %get3A_355 = tpu.vector_load %arg6[%get3A_353, %get3A_354] {strides = array<i32>} : memref<125x80xi32, #tpu.memory_space<vmem>>, vector<1x16xi32>,
      %get3A_356 = vector.shape_cast %get3A_355 : vector<1x16xi32> to vector<16xi32>
      %and3A_357 = arith.constant 65535 : i32
      %and3A_358 = vector.broadcast %and3A_357 : i32 to vector<16xi32>
      %and3A_359 = arith.andi %get3A_356, %and3A_358 : vector<16xi32>
      %swap3A_360 = arith.constant 0 : i32
      %swap3A_361 = arith.index_cast %swap3A_360 : i32 to index
      %swap3A_362 = arith.constant 32 : index
      %swap3A_363 = tpu.vector_load %arg7[%swap3A_361, %swap3A_362] {strides = array<i32>} : memref<2x80xi32, #tpu.memory_space<vmem>>, vector<1x16xi32>,
      %swap3A_364 = vector.shape_cast %swap3A_363 : vector<1x16xi32> to vector<16xi32>
      %swap3A_365 = vector.shape_cast %and3A_359 : vector<16xi32> to vector<1x16xi32>
      tpu.vector_store %arg7[%swap3A_361, %swap3A_362], %swap3A_365 {strides = array<i32>} : memref<2x80xi32, #tpu.memory_space<vmem>>, vector<1x16xi32>,
      %shift_right_logical3A_366 = arith.constant 16 : i32
      %shift_right_logical3A_367 = vector.broadcast %shift_right_logical3A_366 : i32 to vector<16xi32>
      %shift_right_logical3A_368 = arith.shrui %get3A_356, %shift_right_logical3A_367 : vector<16xi32>
      %swap3A_369 = arith.constant 0 : i32
      %swap3A_370 = arith.index_cast %swap3A_369 : i32 to index
      %swap3A_371 = arith.constant 32 : index
      %swap3A_372 = tpu.vector_load %arg8[%swap3A_370, %swap3A_371] {strides = array<i32>} : memref<2x80xi32, #tpu.memory_space<vmem>>, vector<1x16xi32>,
      %swap3A_373 = vector.shape_cast %swap3A_372 : vector<1x16xi32> to vector<16xi32>
      %swap3A_374 = vector.shape_cast %shift_right_logical3A_368 : vector<16xi32> to vector<1x16xi32>
      tpu.vector_store %arg8[%swap3A_370, %swap3A_371], %swap3A_374 {strides = array<i32>} : memref<2x80xi32, #tpu.memory_space<vmem>>, vector<1x16xi32>,
      %get3A_375 = arith.index_cast %add3A_308 : i32 to index
      %get3A_376 = arith.constant 48 : index
      %get3A_377 = tpu.vector_load %arg6[%get3A_375, %get3A_376] {strides = array<i32>} : memref<125x80xi32, #tpu.memory_space<vmem>>, vector<1x16xi32>,
      %get3A_378 = vector.shape_cast %get3A_377 : vector<1x16xi32> to vector<16xi32>
      %and3A_379 = arith.constant 65535 : i32
      %and3A_380 = vector.broadcast %and3A_379 : i32 to vector<16xi32>
      %and3A_381 = arith.andi %get3A_378, %and3A_380 : vector<16xi32>
      %swap3A_382 = arith.constant 0 : i32
      %swap3A_383 = arith.index_cast %swap3A_382 : i32 to index
      %swap3A_384 = arith.constant 48 : index
      %swap3A_385 = tpu.vector_load %arg7[%swap3A_383, %swap3A_384] {strides = array<i32>} : memref<2x80xi32, #tpu.memory_space<vmem>>, vector<1x16xi32>,
      %swap3A_386 = vector.shape_cast %swap3A_385 : vector<1x16xi32> to vector<16xi32>
      %swap3A_387 = vector.shape_cast %and3A_381 : vector<16xi32> to vector<1x16xi32>
      tpu.vector_store %arg7[%swap3A_383, %swap3A_384], %swap3A_387 {strides = array<i32>} : memref<2x80xi32, #tpu.memory_space<vmem>>, vector<1x16xi32>,
      %shift_right_logical3A_388 = arith.constant 16 : i32
      %shift_right_logical3A_389 = vector.broadcast %shift_right_logical3A_388 : i32 to vector<16xi32>
      %shift_right_logical3A_390 = arith.shrui %get3A_378, %shift_right_logical3A_389 : vector<16xi32>
      %swap3A_391 = arith.constant 0 : i32
      %swap3A_392 = arith.index_cast %swap3A_391 : i32 to index
      %swap3A_393 = arith.constant 48 : index
      %swap3A_394 = tpu.vector_load %arg8[%swap3A_392, %swap3A_393] {strides = array<i32>} : memref<2x80xi32, #tpu.memory_space<vmem>>, vector<1x16xi32>,
      %swap3A_395 = vector.shape_cast %swap3A_394 : vector<1x16xi32> to vector<16xi32>
      %swap3A_396 = vector.shape_cast %shift_right_logical3A_390 : vector<16xi32> to vector<1x16xi32>
      tpu.vector_store %arg8[%swap3A_392, %swap3A_393], %swap3A_396 {strides = array<i32>} : memref<2x80xi32, #tpu.memory_space<vmem>>, vector<1x16xi32>,
      %get3A_397 = arith.index_cast %add3A_308 : i32 to index
      %get3A_398 = arith.constant 64 : index
      %get3A_399 = tpu.vector_load %arg6[%get3A_397, %get3A_398] {strides = array<i32>} : memref<125x80xi32, #tpu.memory_space<vmem>>, vector<1x16xi32>,
      %get3A_400 = vector.shape_cast %get3A_399 : vector<1x16xi32> to vector<16xi32>
      %and3A_401 = arith.constant 65535 : i32
      %and3A_402 = vector.broadcast %and3A_401 : i32 to vector<16xi32>
      %and3A_403 = arith.andi %get3A_400, %and3A_402 : vector<16xi32>
      %swap3A_404 = arith.constant 0 : i32
      %swap3A_405 = arith.index_cast %swap3A_404 : i32 to index
      %swap3A_406 = arith.constant 64 : index
      %swap3A_407 = tpu.vector_load %arg7[%swap3A_405, %swap3A_406] {strides = array<i32>} : memref<2x80xi32, #tpu.memory_space<vmem>>, vector<1x16xi32>,
      %swap3A_408 = vector.shape_cast %swap3A_407 : vector<1x16xi32> to vector<16xi32>
      %swap3A_409 = vector.shape_cast %and3A_403 : vector<16xi32> to vector<1x16xi32>
      tpu.vector_store %arg7[%swap3A_405, %swap3A_406], %swap3A_409 {strides = array<i32>} : memref<2x80xi32, #tpu.memory_space<vmem>>, vector<1x16xi32>,
      %shift_right_logical3A_410 = arith.constant 16 : i32
      %shift_right_logical3A_411 = vector.broadcast %shift_right_logical3A_410 : i32 to vector<16xi32>
      %shift_right_logical3A_412 = arith.shrui %get3A_400, %shift_right_logical3A_411 : vector<16xi32>
      %swap3A_413 = arith.constant 0 : i32
      %swap3A_414 = arith.index_cast %swap3A_413 : i32 to index
      %swap3A_415 = arith.constant 64 : index
      %swap3A_416 = tpu.vector_load %arg8[%swap3A_414, %swap3A_415] {strides = array<i32>} : memref<2x80xi32, #tpu.memory_space<vmem>>, vector<1x16xi32>,
      %swap3A_417 = vector.shape_cast %swap3A_416 : vector<1x16xi32> to vector<16xi32>
      %swap3A_418 = vector.shape_cast %shift_right_logical3A_412 : vector<16xi32> to vector<1x16xi32>
      tpu.vector_store %arg8[%swap3A_414, %swap3A_415], %swap3A_418 {strides = array<i32>} : memref<2x80xi32, #tpu.memory_space<vmem>>, vector<1x16xi32>,
      %dma_wait3A_419 = arith.constant 1 : i32
      %dma_wait3A_420 = arith.constant 80 : i32
      %dma_wait3A_421 = arith.constant 0 : i32
      %dma_wait3A_422 = tpu.memref_slice %arg9[%dma_wait3A_420, %dma_wait3A_421] : memref<160x128xf32, #tpu.memory_space<vmem>> -> memref<80x128xf32, #tpu.memory_space<vmem>>
      %dma_wait3A_423 = arith.constant 0 : i32
      %dma_wait3A_424 = tpu.memref_slice %arg7[%dma_wait3A_419, %dma_wait3A_423] : memref<2x80xi32, #tpu.memory_space<vmem>> -> memref<1x80xi32, #tpu.memory_space<vmem>>
      %dma_wait3A_425 = tpu.memref_squeeze %dma_wait3A_424 : memref<1x80xi32, #tpu.memory_space<vmem>> -> memref<80xi32, #tpu.memory_space<vmem>>
      %dma_wait3A_426 = arith.constant 0 : i32
      %dma_wait3A_427 = arith.constant 0 : i32
      %dma_wait3A_428 = tpu.memref_slice %arg2[%dma_wait3A_426, %dma_wait3A_427] : memref<10000x128xf32, #tpu.memory_space<hbm>> -> memref<10000x128xf32, #tpu.memory_space<hbm>>
      tpu.wait_indirect_dma semaphore(%arg11 : memref<!tpu.dma_semaphore, #tpu.memory_space<semaphore_mem>>) src(%dma_wait3A_428 : memref<10000x128xf32, #tpu.memory_space<hbm>>) dst(%dma_wait3A_422 : memref<80x128xf32, #tpu.memory_space<vmem>>)
      %dma_start3A_429 = arith.constant 0 : i32
      %dma_start3A_430 = arith.constant 0 : i32
      %dma_start3A_431 = arith.constant 0 : i32
      %dma_start3A_432 = tpu.memref_slice %arg9[%dma_start3A_430, %dma_start3A_431] : memref<160x128xf32, #tpu.memory_space<vmem>> -> memref<80x128xf32, #tpu.memory_space<vmem>>
      %dma_start3A_433 = arith.constant 0 : i32
      %dma_start3A_434 = tpu.memref_slice %arg7[%dma_start3A_429, %dma_start3A_433] : memref<2x80xi32, #tpu.memory_space<vmem>> -> memref<1x80xi32, #tpu.memory_space<vmem>>
      %dma_start3A_435 = tpu.memref_squeeze %dma_start3A_434 : memref<1x80xi32, #tpu.memory_space<vmem>> -> memref<80xi32, #tpu.memory_space<vmem>>
      %dma_start3A_436 = arith.constant 0 : i32
      %dma_start3A_437 = arith.constant 0 : i32
      %dma_start3A_438 = tpu.memref_slice %arg2[%dma_start3A_436, %dma_start3A_437] : memref<10000x128xf32, #tpu.memory_space<hbm>> -> memref<10000x128xf32, #tpu.memory_space<hbm>>
      tpu.enqueue_indirect_dma source(%dma_start3A_438 : memref<10000x128xf32, #tpu.memory_space<hbm>>) target(%dma_start3A_432 : memref<80x128xf32, #tpu.memory_space<vmem>>) offsets(%dma_start3A_435 : memref<80xi32, #tpu.memory_space<vmem>>) semaphore(%arg11 : memref<!tpu.dma_semaphore, #tpu.memory_space<semaphore_mem>>)
      %run_scoped3A_439 = arith.constant 1 : i32
      "tpu.region"() ({
        %run_scoped3A_440 = tpu.sem_alloc : memref<!tpu.dma_semaphore, #tpu.memory_space<semaphore_mem>>
        %dma_start3A_441 = arith.constant 80 : i32
        %dma_start3A_442 = arith.constant 0 : i32
        %dma_start3A_443 = tpu.memref_slice %arg9[%dma_start3A_441, %dma_start3A_442] : memref<160x128xf32, #tpu.memory_space<vmem>> -> memref<80x128xf32, #tpu.memory_space<vmem>>
        %dma_start3A_444 = arith.constant 0 : i32
        %dma_start3A_445 = tpu.memref_slice %arg8[%run_scoped3A_439, %dma_start3A_444] : memref<2x80xi32, #tpu.memory_space<vmem>> -> memref<1x80xi32, #tpu.memory_space<vmem>>
        %dma_start3A_446 = tpu.memref_squeeze %dma_start3A_445 : memref<1x80xi32, #tpu.memory_space<vmem>> -> memref<80xi32, #tpu.memory_space<vmem>>
        %dma_start3A_447 = arith.constant 0 : i32
        %dma_start3A_448 = arith.constant 0 : i32
        %dma_start3A_449 = tpu.memref_slice %arg10[%dma_start3A_447, %dma_start3A_448] : memref<10000x128xf32, #tpu.memory_space<vmem_shared>> -> memref<10000x128xf32, #tpu.memory_space<vmem_shared>>
        tpu.enqueue_indirect_dma source(%dma_start3A_443 : memref<80x128xf32, #tpu.memory_space<vmem>>) target(%dma_start3A_449 : memref<10000x128xf32, #tpu.memory_space<vmem_shared>>) offsets(%dma_start3A_446 : memref<80xi32, #tpu.memory_space<vmem>>) semaphore(%run_scoped3A_440 : memref<!tpu.dma_semaphore, #tpu.memory_space<semaphore_mem>>) {add = true}
        %dma_wait3A_450 = arith.constant 80 : i32
        %dma_wait3A_451 = arith.constant 0 : i32
        %dma_wait3A_452 = tpu.memref_slice %arg9[%dma_wait3A_450, %dma_wait3A_451] : memref<160x128xf32, #tpu.memory_space<vmem>> -> memref<80x128xf32, #tpu.memory_space<vmem>>
        %dma_wait3A_453 = arith.constant 0 : i32
        %dma_wait3A_454 = tpu.memref_slice %arg8[%run_scoped3A_439, %dma_wait3A_453] : memref<2x80xi32, #tpu.memory_space<vmem>> -> memref<1x80xi32, #tpu.memory_space<vmem>>
        %dma_wait3A_455 = tpu.memref_squeeze %dma_wait3A_454 : memref<1x80xi32, #tpu.memory_space<vmem>> -> memref<80xi32, #tpu.memory_space<vmem>>
        %dma_wait3A_456 = arith.constant 0 : i32
        %dma_wait3A_457 = arith.constant 0 : i32
        %dma_wait3A_458 = tpu.memref_slice %arg10[%dma_wait3A_456, %dma_wait3A_457] : memref<10000x128xf32, #tpu.memory_space<vmem_shared>> -> memref<10000x128xf32, #tpu.memory_space<vmem_shared>>
        tpu.wait_indirect_dma semaphore(%run_scoped3A_440 : memref<!tpu.dma_semaphore, #tpu.memory_space<semaphore_mem>>) src(%dma_wait3A_452 : memref<80x128xf32, #tpu.memory_space<vmem>>) dst(%dma_wait3A_458 : memref<10000x128xf32, #tpu.memory_space<vmem_shared>>)
        tpu.yield
      }) : () -> ()
    }
    %scan3A_150 = arith.constant 62 : i32
    %dma_wait3A = arith.constant 0 : i32
    %dma_wait3A_151 = arith.constant 0 : i32
    %dma_wait3A_152 = arith.constant 0 : i32
    %dma_wait3A_153 = tpu.memref_slice %arg9[%dma_wait3A_151, %dma_wait3A_152] : memref<160x128xf32, #tpu.memory_space<vmem>> -> memref<80x128xf32, #tpu.memory_space<vmem>>
    %dma_wait3A_154 = arith.constant 0 : i32
    %dma_wait3A_155 = tpu.memref_slice %arg7[%dma_wait3A, %dma_wait3A_154] : memref<2x80xi32, #tpu.memory_space<vmem>> -> memref<1x80xi32, #tpu.memory_space<vmem>>
    %dma_wait3A_156 = tpu.memref_squeeze %dma_wait3A_155 : memref<1x80xi32, #tpu.memory_space<vmem>> -> memref<80xi32, #tpu.memory_space<vmem>>
    %dma_wait3A_157 = arith.constant 0 : i32
    %dma_wait3A_158 = arith.constant 0 : i32
    %dma_wait3A_159 = tpu.memref_slice %arg2[%dma_wait3A_157, %dma_wait3A_158] : memref<10000x128xf32, #tpu.memory_space<hbm>> -> memref<10000x128xf32, #tpu.memory_space<hbm>>
    tpu.wait_indirect_dma semaphore(%arg11 : memref<!tpu.dma_semaphore, #tpu.memory_space<semaphore_mem>>) src(%dma_wait3A_159 : memref<10000x128xf32, #tpu.memory_space<hbm>>) dst(%dma_wait3A_153 : memref<80x128xf32, #tpu.memory_space<vmem>>)
    %run_scoped3A = arith.constant 0 : i32
    "tpu.region"() ({
      %run_scoped3A_171 = tpu.sem_alloc : memref<!tpu.dma_semaphore, #tpu.memory_space<semaphore_mem>>
      %dma_start3A_172 = arith.constant 0 : i32
      %dma_start3A_173 = arith.constant 0 : i32
      %dma_start3A_174 = tpu.memref_slice %arg9[%dma_start3A_172, %dma_start3A_173] : memref<160x128xf32, #tpu.memory_space<vmem>> -> memref<80x128xf32, #tpu.memory_space<vmem>>
      %dma_start3A_175 = arith.constant 0 : i32
      %dma_start3A_176 = tpu.memref_slice %arg8[%run_scoped3A, %dma_start3A_175] : memref<2x80xi32, #tpu.memory_space<vmem>> -> memref<1x80xi32, #tpu.memory_space<vmem>>
      %dma_start3A_177 = tpu.memref_squeeze %dma_start3A_176 : memref<1x80xi32, #tpu.memory_space<vmem>> -> memref<80xi32, #tpu.memory_space<vmem>>
      %dma_start3A_178 = arith.constant 0 : i32
      %dma_start3A_179 = arith.constant 0 : i32
      %dma_start3A_180 = tpu.memref_slice %arg10[%dma_start3A_178, %dma_start3A_179] : memref<10000x128xf32, #tpu.memory_space<vmem_shared>> -> memref<10000x128xf32, #tpu.memory_space<vmem_shared>>
      tpu.enqueue_indirect_dma source(%dma_start3A_174 : memref<80x128xf32, #tpu.memory_space<vmem>>) target(%dma_start3A_180 : memref<10000x128xf32, #tpu.memory_space<vmem_shared>>) offsets(%dma_start3A_177 : memref<80xi32, #tpu.memory_space<vmem>>) semaphore(%run_scoped3A_171 : memref<!tpu.dma_semaphore, #tpu.memory_space<semaphore_mem>>) {add = true}
      %dma_wait3A_181 = arith.constant 0 : i32
      %dma_wait3A_182 = arith.constant 0 : i32
      %dma_wait3A_183 = tpu.memref_slice %arg9[%dma_wait3A_181, %dma_wait3A_182] : memref<160x128xf32, #tpu.memory_space<vmem>> -> memref<80x128xf32, #tpu.memory_space<vmem>>
      %dma_wait3A_184 = arith.constant 0 : i32
      %dma_wait3A_185 = tpu.memref_slice %arg8[%run_scoped3A, %dma_wait3A_184] : memref<2x80xi32, #tpu.memory_space<vmem>> -> memref<1x80xi32, #tpu.memory_space<vmem>>
      %dma_wait3A_186 = tpu.memref_squeeze %dma_wait3A_185 : memref<1x80xi32, #tpu.memory_space<vmem>> -> memref<80xi32, #tpu.memory_space<vmem>>
      %dma_wait3A_187 = arith.constant 0 : i32
      %dma_wait3A_188 = arith.constant 0 : i32
      %dma_wait3A_189 = tpu.memref_slice %arg10[%dma_wait3A_187, %dma_wait3A_188] : memref<10000x128xf32, #tpu.memory_space<vmem_shared>> -> memref<10000x128xf32, #tpu.memory_space<vmem_shared>>
      tpu.wait_indirect_dma semaphore(%run_scoped3A_171 : memref<!tpu.dma_semaphore, #tpu.memory_space<semaphore_mem>>) src(%dma_wait3A_183 : memref<80x128xf32, #tpu.memory_space<vmem>>) dst(%dma_wait3A_189 : memref<10000x128xf32, #tpu.memory_space<vmem_shared>>)
      tpu.yield
    }) : () -> ()
    %barrier3A_160 = arith.constant 0 : index
    tpu.barrier barrier_id(%barrier3A_160)
    %lt3A_161 = arith.constant 15 : i32
    %lt3A_162 = arith.cmpi slt, %arg1, %lt3A_161 : i32
    %eq3A_163 = arith.constant 15 : i32
    %eq3A_164 = arith.cmpi eq, %arg1, %eq3A_163 : i32
    %convert_element_type3A_165 = arith.extui %lt3A_162 : i1 to i32
    %cond3A_166 = arith.constant 0 : i32
    %cond3A_167 = arith.cmpi ne, %convert_element_type3A_165, %cond3A_166 : i32
    scf.if %cond3A_167 {
      "tpu.region"() ({
        %run_scoped3A_171 = tpu.sem_alloc : memref<!tpu.dma_semaphore, #tpu.memory_space<semaphore_mem>>
        %dma_start3A_172 = arith.constant 0 : i32
        %dma_start3A_173 = tpu.memref_slice %arg5[%arg0, %mul3A_0, %dma_start3A_172] : memref<2x10000x128xf32, #tpu.memory_space<hbm>> -> memref<1x640x128xf32, #tpu.memory_space<hbm>>
        %dma_start3A_174 = tpu.memref_squeeze %dma_start3A_173 : memref<1x640x128xf32, #tpu.memory_space<hbm>> -> memref<640x128xf32, #tpu.memory_space<hbm>>
        %dma_start3A_175 = arith.constant 0 : i32
        %dma_start3A_176 = tpu.memref_slice %arg10[%mul3A_0, %dma_start3A_175] : memref<10000x128xf32, #tpu.memory_space<vmem_shared>> -> memref<640x128xf32, #tpu.memory_space<vmem_shared>>
        tpu.enqueue_dma source(%dma_start3A_176 : memref<640x128xf32, #tpu.memory_space<vmem_shared>>) target(%dma_start3A_174 : memref<640x128xf32, #tpu.memory_space<hbm>>) target_semaphore(%run_scoped3A_171 : memref<!tpu.dma_semaphore, #tpu.memory_space<semaphore_mem>>)
        %dma_wait3A_177 = arith.constant 0 : i32
        %dma_wait3A_178 = tpu.memref_slice %arg5[%arg0, %mul3A_0, %dma_wait3A_177] : memref<2x10000x128xf32, #tpu.memory_space<hbm>> -> memref<1x640x128xf32, #tpu.memory_space<hbm>>
        %dma_wait3A_179 = tpu.memref_squeeze %dma_wait3A_178 : memref<1x640x128xf32, #tpu.memory_space<hbm>> -> memref<640x128xf32, #tpu.memory_space<hbm>>
        %dma_wait3A_180 = arith.constant 0 : i32
        %dma_wait3A_181 = tpu.memref_slice %arg10[%mul3A_0, %dma_wait3A_180] : memref<10000x128xf32, #tpu.memory_space<vmem_shared>> -> memref<640x128xf32, #tpu.memory_space<vmem_shared>>
        tpu.wait_dma2 semaphore(%run_scoped3A_171 : memref<!tpu.dma_semaphore, #tpu.memory_space<semaphore_mem>>) src(%dma_wait3A_181 : memref<640x128xf32, #tpu.memory_space<vmem_shared>>) dst(%dma_wait3A_179 : memref<640x128xf32, #tpu.memory_space<hbm>>)
        tpu.yield
      }) : () -> ()
    } else {
    }
    %convert_element_type3A_168 = arith.extui %eq3A_164 : i1 to i32
    %cond3A_169 = arith.constant 0 : i32
    %cond3A_170 = arith.cmpi ne, %convert_element_type3A_168, %cond3A_169 : i32
    scf.if %cond3A_170 {
      "tpu.region"() ({
        %run_scoped3A_171 = tpu.sem_alloc : memref<!tpu.dma_semaphore, #tpu.memory_space<semaphore_mem>>
        %dma_start3A_172 = arith.constant 0 : i32
        %dma_start3A_173 = tpu.memref_slice %arg5[%arg0, %mul3A_0, %dma_start3A_172] : memref<2x10000x128xf32, #tpu.memory_space<hbm>> -> memref<1x400x128xf32, #tpu.memory_space<hbm>>
        %dma_start3A_174 = tpu.memref_squeeze %dma_start3A_173 : memref<1x400x128xf32, #tpu.memory_space<hbm>> -> memref<400x128xf32, #tpu.memory_space<hbm>>
        %dma_start3A_175 = arith.constant 0 : i32
        %dma_start3A_176 = tpu.memref_slice %arg10[%mul3A_0, %dma_start3A_175] : memref<10000x128xf32, #tpu.memory_space<vmem_shared>> -> memref<400x128xf32, #tpu.memory_space<vmem_shared>>
        tpu.enqueue_dma source(%dma_start3A_176 : memref<400x128xf32, #tpu.memory_space<vmem_shared>>) target(%dma_start3A_174 : memref<400x128xf32, #tpu.memory_space<hbm>>) target_semaphore(%run_scoped3A_171 : memref<!tpu.dma_semaphore, #tpu.memory_space<semaphore_mem>>)
        %dma_wait3A_177 = arith.constant 0 : i32
        %dma_wait3A_178 = tpu.memref_slice %arg5[%arg0, %mul3A_0, %dma_wait3A_177] : memref<2x10000x128xf32, #tpu.memory_space<hbm>> -> memref<1x400x128xf32, #tpu.memory_space<hbm>>
        %dma_wait3A_179 = tpu.memref_squeeze %dma_wait3A_178 : memref<1x400x128xf32, #tpu.memory_space<hbm>> -> memref<400x128xf32, #tpu.memory_space<hbm>>
        %dma_wait3A_180 = arith.constant 0 : i32
        %dma_wait3A_181 = tpu.memref_slice %arg10[%mul3A_0, %dma_wait3A_180] : memref<10000x128xf32, #tpu.memory_space<vmem_shared>> -> memref<400x128xf32, #tpu.memory_space<vmem_shared>>
        tpu.wait_dma2 semaphore(%run_scoped3A_171 : memref<!tpu.dma_semaphore, #tpu.memory_space<semaphore_mem>>) src(%dma_wait3A_181 : memref<400x128xf32, #tpu.memory_space<vmem_shared>>) dst(%dma_wait3A_179 : memref<400x128xf32, #tpu.memory_space<hbm>>)
        tpu.yield
      }) : () -> ()
    } else {
    }
    return
  }
}

#map = affine_map<(d0, d1) -> (0, 0)>
#map1 = affine_map<(d0, d1) -> (0, 0, 0)>
module attributes {stable_mosaic.version = 14 : i64} {
  func.func @body(%arg0: i32, %arg1: i32, %arg2: memref<10000x128xf32, #tpu.memory_space<hbm>>, %arg3: memref<10000x128xf32, #tpu.memory_space<hbm>>, %arg4: memref<32x125x80xi32, #tpu.memory_space<hbm>>, %arg5: memref<2x10000x128xf32, #tpu.memory_space<hbm>>, %arg6: memref<125x80xi32, #tpu.memory_space<vmem>>, %arg7: memref<2x80xi32, #tpu.memory_space<vmem>>, %arg8: memref<2x80xi32, #tpu.memory_space<vmem>>, %arg9: memref<160x128xf32, #tpu.memory_space<vmem>>, %arg10: memref<10000x128xf32, #tpu.memory_space<vmem_shared>>, %arg11: memref<!tpu.dma_semaphore, #tpu.memory_space<semaphore_mem>>) attributes {dimension_semantics = [#tpu.dimension_semantics<core_parallel>, #tpu.dimension_semantics<subcore_parallel>], iteration_bounds = array<i64: 2, 16>, scalar_prefetch = 0 : i64, scratch_operands = 6 : i64, tpu.core_type = #tpu.core_type<sc_vector_subcore>, window_params = [{transform_indices = #map}, {transform_indices = #map}, {transform_indices = #map1}, {transform_indices = #map1}]} {
    %mul3A = arith.constant 640 : i32
    %mul3A_0 = arith.muli %arg1, %mul3A : i32
    %mul3A_1 = arith.constant 16 : i32
    %mul3A_2 = arith.muli %arg0, %mul3A_1 : i32
    %add3A = arith.addi %mul3A_2, %arg1 : i32
    "tpu.region"() ({
      %run_scoped3A_171 = tpu.sem_alloc : memref<!tpu.dma_semaphore, #tpu.memory_space<semaphore_mem>>
      %dma_start3A_172 = arith.constant 0 : i32
      %dma_start3A_173 = arith.constant 0 : i32
      %dma_start3A_174 = tpu.memref_slice %arg4[%add3A, %dma_start3A_172, %dma_start3A_173] : memref<32x125x80xi32, #tpu.memory_space<hbm>> -> memref<1x125x80xi32, #tpu.memory_space<hbm>>
      %dma_start3A_175 = tpu.memref_squeeze %dma_start3A_174 : memref<1x125x80xi32, #tpu.memory_space<hbm>> -> memref<125x80xi32, #tpu.memory_space<hbm>>
      %dma_start3A_176 = arith.constant 0 : i32
      %dma_start3A_177 = arith.constant 0 : i32
      %dma_start3A_178 = tpu.memref_slice %arg4[%add3A, %dma_start3A_176, %dma_start3A_177] : memref<32x125x80xi32, #tpu.memory_space<hbm>> -> memref<1x125x80xi32, #tpu.memory_space<hbm>>
      %dma_start3A_179 = tpu.memref_squeeze %dma_start3A_178 : memref<1x125x80xi32, #tpu.memory_space<hbm>> -> memref<125x80xi32, #tpu.memory_space<hbm>>
      tpu.enqueue_dma source(%dma_start3A_179 : memref<125x80xi32, #tpu.memory_space<hbm>>) target(%arg6 : memref<125x80xi32, #tpu.memory_space<vmem>>) target_semaphore(%run_scoped3A_171 : memref<!tpu.dma_semaphore, #tpu.memory_space<semaphore_mem>>)
      %dma_wait3A_180 = arith.constant 0 : i32
      %dma_wait3A_181 = arith.constant 0 : i32
      %dma_wait3A_182 = tpu.memref_slice %arg4[%add3A, %dma_wait3A_180, %dma_wait3A_181] : memref<32x125x80xi32, #tpu.memory_space<hbm>> -> memref<1x125x80xi32, #tpu.memory_space<hbm>>
      %dma_wait3A_183 = tpu.memref_squeeze %dma_wait3A_182 : memref<1x125x80xi32, #tpu.memory_space<hbm>> -> memref<125x80xi32, #tpu.memory_space<hbm>>
      %dma_wait3A_184 = arith.constant 0 : i32
      %dma_wait3A_185 = arith.constant 0 : i32
      %dma_wait3A_186 = tpu.memref_slice %arg4[%add3A, %dma_wait3A_184, %dma_wait3A_185] : memref<32x125x80xi32, #tpu.memory_space<hbm>> -> memref<1x125x80xi32, #tpu.memory_space<hbm>>
      %dma_wait3A_187 = tpu.memref_squeeze %dma_wait3A_186 : memref<1x125x80xi32, #tpu.memory_space<hbm>> -> memref<125x80xi32, #tpu.memory_space<hbm>>
      tpu.wait_dma2 semaphore(%run_scoped3A_171 : memref<!tpu.dma_semaphore, #tpu.memory_space<semaphore_mem>>) src(%dma_wait3A_187 : memref<125x80xi32, #tpu.memory_space<hbm>>) dst(%arg6 : memref<125x80xi32, #tpu.memory_space<vmem>>)
      tpu.yield
    }) : () -> ()
    %get3A = arith.constant 0 : i32
    %get3A_3 = arith.index_cast %get3A : i32 to index
    %get3A_4 = arith.constant 0 : index
    %get3A_5 = tpu.vector_load %arg6[%get3A_3, %get3A_4] {strides = array<i32>} : memref<125x80xi32, #tpu.memory_space<vmem>>, vector<1x16xi32>,
    %get3A_6 = vector.shape_cast %get3A_5 : vector<1x16xi32> to vector<16xi32>
    %and3A = arith.constant 65535 : i32
    %and3A_7 = vector.broadcast %and3A : i32 to vector<16xi32>
    %and3A_8 = arith.andi %get3A_6, %and3A_7 : vector<16xi32>
    %swap3A = arith.constant 0 : i32
    %swap3A_9 = arith.index_cast %swap3A : i32 to index
    %swap3A_10 = arith.constant 0 : index
    %swap3A_11 = tpu.vector_load %arg7[%swap3A_9, %swap3A_10] {strides = array<i32>} : memref<2x80xi32, #tpu.memory_space<vmem>>, vector<1x16xi32>,
    %swap3A_12 = vector.shape_cast %swap3A_11 : vector<1x16xi32> to vector<16xi32>
    %swap3A_13 = vector.shape_cast %and3A_8 : vector<16xi32> to vector<1x16xi32>
    tpu.vector_store %arg7[%swap3A_9, %swap3A_10], %swap3A_13 {strides = array<i32>} : memref<2x80xi32, #tpu.memory_space<vmem>>, vector<1x16xi32>,
    %shift_right_logical3A = arith.constant 16 : i32
    %shift_right_logical3A_14 = vector.broadcast %shift_right_logical3A : i32 to vector<16xi32>
    %shift_right_logical3A_15 = arith.shrui %get3A_6, %shift_right_logical3A_14 : vector<16xi32>
    %swap3A_16 = arith.constant 0 : i32
    %swap3A_17 = arith.index_cast %swap3A_16 : i32 to index
    %swap3A_18 = arith.constant 0 : index
    %swap3A_19 = tpu.vector_load %arg8[%swap3A_17, %swap3A_18] {strides = array<i32>} : memref<2x80xi32, #tpu.memory_space<vmem>>, vector<1x16xi32>,
    %swap3A_20 = vector.shape_cast %swap3A_19 : vector<1x16xi32> to vector<16xi32>
    %swap3A_21 = vector.shape_cast %shift_right_logical3A_15 : vector<16xi32> to vector<1x16xi32>
    tpu.vector_store %arg8[%swap3A_17, %swap3A_18], %swap3A_21 {strides = array<i32>} : memref<2x80xi32, #tpu.memory_space<vmem>>, vector<1x16xi32>,
    %get3A_22 = arith.constant 0 : i32
    %get3A_23 = arith.index_cast %get3A_22 : i32 to index
    %get3A_24 = arith.constant 16 : index
    %get3A_25 = tpu.vector_load %arg6[%get3A_23, %get3A_24] {strides = array<i32>} : memref<125x80xi32, #tpu.memory_space<vmem>>, vector<1x16xi32>,
    %get3A_26 = vector.shape_cast %get3A_25 : vector<1x16xi32> to vector<16xi32>
    %and3A_27 = arith.constant 65535 : i32
    %and3A_28 = vector.broadcast %and3A_27 : i32 to vector<16xi32>
    %and3A_29 = arith.andi %get3A_26, %and3A_28 : vector<16xi32>
    %swap3A_30 = arith.constant 0 : i32
    %swap3A_31 = arith.index_cast %swap3A_30 : i32 to index
    %swap3A_32 = arith.constant 16 : index
    %swap3A_33 = tpu.vector_load %arg7[%swap3A_31, %swap3A_32] {strides = array<i32>} : memref<2x80xi32, #tpu.memory_space<vmem>>, vector<1x16xi32>,
    %swap3A_34 = vector.shape_cast %swap3A_33 : vector<1x16xi32> to vector<16xi32>
    %swap3A_35 = vector.shape_cast %and3A_29 : vector<16xi32> to vector<1x16xi32>
    tpu.vector_store %arg7[%swap3A_31, %swap3A_32], %swap3A_35 {strides = array<i32>} : memref<2x80xi32, #tpu.memory_space<vmem>>, vector<1x16xi32>,
    %shift_right_logical3A_36 = arith.constant 16 : i32
    %shift_right_logical3A_37 = vector.broadcast %shift_right_logical3A_36 : i32 to vector<16xi32>
    %shift_right_logical3A_38 = arith.shrui %get3A_26, %shift_right_logical3A_37 : vector<16xi32>
    %swap3A_39 = arith.constant 0 : i32
    %swap3A_40 = arith.index_cast %swap3A_39 : i32 to index
    %swap3A_41 = arith.constant 16 : index
    %swap3A_42 = tpu.vector_load %arg8[%swap3A_40, %swap3A_41] {strides = array<i32>} : memref<2x80xi32, #tpu.memory_space<vmem>>, vector<1x16xi32>,
    %swap3A_43 = vector.shape_cast %swap3A_42 : vector<1x16xi32> to vector<16xi32>
    %swap3A_44 = vector.shape_cast %shift_right_logical3A_38 : vector<16xi32> to vector<1x16xi32>
    tpu.vector_store %arg8[%swap3A_40, %swap3A_41], %swap3A_44 {strides = array<i32>} : memref<2x80xi32, #tpu.memory_space<vmem>>, vector<1x16xi32>,
    %get3A_45 = arith.constant 0 : i32
    %get3A_46 = arith.index_cast %get3A_45 : i32 to index
    %get3A_47 = arith.constant 32 : index
    %get3A_48 = tpu.vector_load %arg6[%get3A_46, %get3A_47] {strides = array<i32>} : memref<125x80xi32, #tpu.memory_space<vmem>>, vector<1x16xi32>,
    %get3A_49 = vector.shape_cast %get3A_48 : vector<1x16xi32> to vector<16xi32>
    %and3A_50 = arith.constant 65535 : i32
    %and3A_51 = vector.broadcast %and3A_50 : i32 to vector<16xi32>
    %and3A_52 = arith.andi %get3A_49, %and3A_51 : vector<16xi32>
    %swap3A_53 = arith.constant 0 : i32
    %swap3A_54 = arith.index_cast %swap3A_53 : i32 to index
    %swap3A_55 = arith.constant 32 : index
    %swap3A_56 = tpu.vector_load %arg7[%swap3A_54, %swap3A_55] {strides = array<i32>} : memref<2x80xi32, #tpu.memory_space<vmem>>, vector<1x16xi32>,
    %swap3A_57 = vector.shape_cast %swap3A_56 : vector<1x16xi32> to vector<16xi32>
    %swap3A_58 = vector.shape_cast %and3A_52 : vector<16xi32> to vector<1x16xi32>
    tpu.vector_store %arg7[%swap3A_54, %swap3A_55], %swap3A_58 {strides = array<i32>} : memref<2x80xi32, #tpu.memory_space<vmem>>, vector<1x16xi32>,
    %shift_right_logical3A_59 = arith.constant 16 : i32
    %shift_right_logical3A_60 = vector.broadcast %shift_right_logical3A_59 : i32 to vector<16xi32>
    %shift_right_logical3A_61 = arith.shrui %get3A_49, %shift_right_logical3A_60 : vector<16xi32>
    %swap3A_62 = arith.constant 0 : i32
    %swap3A_63 = arith.index_cast %swap3A_62 : i32 to index
    %swap3A_64 = arith.constant 32 : index
    %swap3A_65 = tpu.vector_load %arg8[%swap3A_63, %swap3A_64] {strides = array<i32>} : memref<2x80xi32, #tpu.memory_space<vmem>>, vector<1x16xi32>,
    %swap3A_66 = vector.shape_cast %swap3A_65 : vector<1x16xi32> to vector<16xi32>
    %swap3A_67 = vector.shape_cast %shift_right_logical3A_61 : vector<16xi32> to vector<1x16xi32>
    tpu.vector_store %arg8[%swap3A_63, %swap3A_64], %swap3A_67 {strides = array<i32>} : memref<2x80xi32, #tpu.memory_space<vmem>>, vector<1x16xi32>,
    %get3A_68 = arith.constant 0 : i32
    %get3A_69 = arith.index_cast %get3A_68 : i32 to index
    %get3A_70 = arith.constant 48 : index
    %get3A_71 = tpu.vector_load %arg6[%get3A_69, %get3A_70] {strides = array<i32>} : memref<125x80xi32, #tpu.memory_space<vmem>>, vector<1x16xi32>,
    %get3A_72 = vector.shape_cast %get3A_71 : vector<1x16xi32> to vector<16xi32>
    %and3A_73 = arith.constant 65535 : i32
    %and3A_74 = vector.broadcast %and3A_73 : i32 to vector<16xi32>
    %and3A_75 = arith.andi %get3A_72, %and3A_74 : vector<16xi32>
    %swap3A_76 = arith.constant 0 : i32
    %swap3A_77 = arith.index_cast %swap3A_76 : i32 to index
    %swap3A_78 = arith.constant 48 : index
    %swap3A_79 = tpu.vector_load %arg7[%swap3A_77, %swap3A_78] {strides = array<i32>} : memref<2x80xi32, #tpu.memory_space<vmem>>, vector<1x16xi32>,
    %swap3A_80 = vector.shape_cast %swap3A_79 : vector<1x16xi32> to vector<16xi32>
    %swap3A_81 = vector.shape_cast %and3A_75 : vector<16xi32> to vector<1x16xi32>
    tpu.vector_store %arg7[%swap3A_77, %swap3A_78], %swap3A_81 {strides = array<i32>} : memref<2x80xi32, #tpu.memory_space<vmem>>, vector<1x16xi32>,
    %shift_right_logical3A_82 = arith.constant 16 : i32
    %shift_right_logical3A_83 = vector.broadcast %shift_right_logical3A_82 : i32 to vector<16xi32>
    %shift_right_logical3A_84 = arith.shrui %get3A_72, %shift_right_logical3A_83 : vector<16xi32>
    %swap3A_85 = arith.constant 0 : i32
    %swap3A_86 = arith.index_cast %swap3A_85 : i32 to index
    %swap3A_87 = arith.constant 48 : index
    %swap3A_88 = tpu.vector_load %arg8[%swap3A_86, %swap3A_87] {strides = array<i32>} : memref<2x80xi32, #tpu.memory_space<vmem>>, vector<1x16xi32>,
    %swap3A_89 = vector.shape_cast %swap3A_88 : vector<1x16xi32> to vector<16xi32>
    %swap3A_90 = vector.shape_cast %shift_right_logical3A_84 : vector<16xi32> to vector<1x16xi32>
    tpu.vector_store %arg8[%swap3A_86, %swap3A_87], %swap3A_90 {strides = array<i32>} : memref<2x80xi32, #tpu.memory_space<vmem>>, vector<1x16xi32>,
    %get3A_91 = arith.constant 0 : i32
    %get3A_92 = arith.index_cast %get3A_91 : i32 to index
    %get3A_93 = arith.constant 64 : index
    %get3A_94 = tpu.vector_load %arg6[%get3A_92, %get3A_93] {strides = array<i32>} : memref<125x80xi32, #tpu.memory_space<vmem>>, vector<1x16xi32>,
    %get3A_95 = vector.shape_cast %get3A_94 : vector<1x16xi32> to vector<16xi32>
    %and3A_96 = arith.constant 65535 : i32
    %and3A_97 = vector.broadcast %and3A_96 : i32 to vector<16xi32>
    %and3A_98 = arith.andi %get3A_95, %and3A_97 : vector<16xi32>
    %swap3A_99 = arith.constant 0 : i32
    %swap3A_100 = arith.index_cast %swap3A_99 : i32 to index
    %swap3A_101 = arith.constant 64 : index
    %swap3A_102 = tpu.vector_load %arg7[%swap3A_100, %swap3A_101] {strides = array<i32>} : memref<2x80xi32, #tpu.memory_space<vmem>>, vector<1x16xi32>,
    %swap3A_103 = vector.shape_cast %swap3A_102 : vector<1x16xi32> to vector<16xi32>
    %swap3A_104 = vector.shape_cast %and3A_98 : vector<16xi32> to vector<1x16xi32>
    tpu.vector_store %arg7[%swap3A_100, %swap3A_101], %swap3A_104 {strides = array<i32>} : memref<2x80xi32, #tpu.memory_space<vmem>>, vector<1x16xi32>,
    %shift_right_logical3A_105 = arith.constant 16 : i32
    %shift_right_logical3A_106 = vector.broadcast %shift_right_logical3A_105 : i32 to vector<16xi32>
    %shift_right_logical3A_107 = arith.shrui %get3A_95, %shift_right_logical3A_106 : vector<16xi32>
    %swap3A_108 = arith.constant 0 : i32
    %swap3A_109 = arith.index_cast %swap3A_108 : i32 to index
    %swap3A_110 = arith.constant 64 : index
    %swap3A_111 = tpu.vector_load %arg8[%swap3A_109, %swap3A_110] {strides = array<i32>} : memref<2x80xi32, #tpu.memory_space<vmem>>, vector<1x16xi32>,
    %swap3A_112 = vector.shape_cast %swap3A_111 : vector<1x16xi32> to vector<16xi32>
    %swap3A_113 = vector.shape_cast %shift_right_logical3A_107 : vector<16xi32> to vector<1x16xi32>
    tpu.vector_store %arg8[%swap3A_109, %swap3A_110], %swap3A_113 {strides = array<i32>} : memref<2x80xi32, #tpu.memory_space<vmem>>, vector<1x16xi32>,
    %dma_start3A = arith.constant 0 : i32
    %dma_start3A_114 = arith.constant 0 : i32
    %dma_start3A_115 = arith.constant 0 : i32
    %dma_start3A_116 = tpu.memref_slice %arg9[%dma_start3A_114, %dma_start3A_115] : memref<160x128xf32, #tpu.memory_space<vmem>> -> memref<80x128xf32, #tpu.memory_space<vmem>>
    %dma_start3A_117 = arith.constant 0 : i32
    %dma_start3A_118 = tpu.memref_slice %arg7[%dma_start3A, %dma_start3A_117] : memref<2x80xi32, #tpu.memory_space<vmem>> -> memref<1x80xi32, #tpu.memory_space<vmem>>
    %dma_start3A_119 = tpu.memref_squeeze %dma_start3A_118 : memref<1x80xi32, #tpu.memory_space<vmem>> -> memref<80xi32, #tpu.memory_space<vmem>>
    %dma_start3A_120 = arith.constant 0 : i32
    %dma_start3A_121 = arith.constant 0 : i32
    %dma_start3A_122 = tpu.memref_slice %arg2[%dma_start3A_120, %dma_start3A_121] : memref<10000x128xf32, #tpu.memory_space<hbm>> -> memref<10000x128xf32, #tpu.memory_space<hbm>>
    tpu.enqueue_indirect_dma source(%dma_start3A_122 : memref<10000x128xf32, #tpu.memory_space<hbm>>) target(%dma_start3A_116 : memref<80x128xf32, #tpu.memory_space<vmem>>) offsets(%dma_start3A_119 : memref<80xi32, #tpu.memory_space<vmem>>) semaphore(%arg11 : memref<!tpu.dma_semaphore, #tpu.memory_space<semaphore_mem>>)
    %lt3A = arith.constant 15 : i32
    %lt3A_123 = arith.cmpi slt, %arg1, %lt3A : i32
    %eq3A = arith.constant 15 : i32
    %eq3A_124 = arith.cmpi eq, %arg1, %eq3A : i32
    %eq3A_125 = arith.constant 0 : i32
    %eq3A_126 = arith.cmpi eq, %arg0, %eq3A_125 : i32
    %and3A_127 = arith.andi %eq3A_126, %lt3A_123 : i1
    %convert_element_type3A = arith.extui %and3A_127 : i1 to i32
    %cond3A = arith.constant 0 : i32
    %cond3A_128 = arith.cmpi ne, %convert_element_type3A, %cond3A : i32
    scf.if %cond3A_128 {
      "tpu.region"() ({
        %run_scoped3A_171 = tpu.sem_alloc : memref<!tpu.dma_semaphore, #tpu.memory_space<semaphore_mem>>
        %dma_start3A_172 = arith.constant 0 : i32
        %dma_start3A_173 = tpu.memref_slice %arg10[%mul3A_0, %dma_start3A_172] : memref<10000x128xf32, #tpu.memory_space<vmem_shared>> -> memref<640x128xf32, #tpu.memory_space<vmem_shared>>
        %dma_start3A_174 = arith.constant 0 : i32
        %dma_start3A_175 = tpu.memref_slice %arg2[%mul3A_0, %dma_start3A_174] : memref<10000x128xf32, #tpu.memory_space<hbm>> -> memref<640x128xf32, #tpu.memory_space<hbm>>
        tpu.enqueue_dma source(%dma_start3A_175 : memref<640x128xf32, #tpu.memory_space<hbm>>) target(%dma_start3A_173 : memref<640x128xf32, #tpu.memory_space<vmem_shared>>) target_semaphore(%run_scoped3A_171 : memref<!tpu.dma_semaphore, #tpu.memory_space<semaphore_mem>>)
        %dma_wait3A_176 = arith.constant 0 : i32
        %dma_wait3A_177 = tpu.memref_slice %arg10[%mul3A_0, %dma_wait3A_176] : memref<10000x128xf32, #tpu.memory_space<vmem_shared>> -> memref<640x128xf32, #tpu.memory_space<vmem_shared>>
        %dma_wait3A_178 = arith.constant 0 : i32
        %dma_wait3A_179 = tpu.memref_slice %arg2[%mul3A_0, %dma_wait3A_178] : memref<10000x128xf32, #tpu.memory_space<hbm>> -> memref<640x128xf32, #tpu.memory_space<hbm>>
        tpu.wait_dma2 semaphore(%run_scoped3A_171 : memref<!tpu.dma_semaphore, #tpu.memory_space<semaphore_mem>>) src(%dma_wait3A_179 : memref<640x128xf32, #tpu.memory_space<hbm>>) dst(%dma_wait3A_177 : memref<640x128xf32, #tpu.memory_space<vmem_shared>>)
        tpu.yield
      }) : () -> ()
    } else {
    }
    %ne3A = arith.constant 0 : i32
    %ne3A_129 = arith.cmpi ne, %arg0, %ne3A : i32
    %and3A_130 = arith.andi %ne3A_129, %lt3A_123 : i1
    %convert_element_type3A_131 = arith.extui %and3A_130 : i1 to i32
    %cond3A_132 = arith.constant 0 : i32
    %cond3A_133 = arith.cmpi ne, %convert_element_type3A_131, %cond3A_132 : i32
    scf.if %cond3A_133 {
      "tpu.region"() ({
        %run_scoped3A_171 = tpu.sem_alloc : memref<!tpu.dma_semaphore, #tpu.memory_space<semaphore_mem>>
        %dma_start3A_172 = arith.constant 0 : i32
        %dma_start3A_173 = tpu.memref_slice %arg10[%mul3A_0, %dma_start3A_172] : memref<10000x128xf32, #tpu.memory_space<vmem_shared>> -> memref<640x128xf32, #tpu.memory_space<vmem_shared>>
        %dma_start3A_174 = arith.constant 0 : i32
        %dma_start3A_175 = tpu.memref_slice %arg3[%mul3A_0, %dma_start3A_174] : memref<10000x128xf32, #tpu.memory_space<hbm>> -> memref<640x128xf32, #tpu.memory_space<hbm>>
        tpu.enqueue_dma source(%dma_start3A_175 : memref<640x128xf32, #tpu.memory_space<hbm>>) target(%dma_start3A_173 : memref<640x128xf32, #tpu.memory_space<vmem_shared>>) target_semaphore(%run_scoped3A_171 : memref<!tpu.dma_semaphore, #tpu.memory_space<semaphore_mem>>)
        %dma_wait3A_176 = arith.constant 0 : i32
        %dma_wait3A_177 = tpu.memref_slice %arg10[%mul3A_0, %dma_wait3A_176] : memref<10000x128xf32, #tpu.memory_space<vmem_shared>> -> memref<640x128xf32, #tpu.memory_space<vmem_shared>>
        %dma_wait3A_178 = arith.constant 0 : i32
        %dma_wait3A_179 = tpu.memref_slice %arg3[%mul3A_0, %dma_wait3A_178] : memref<10000x128xf32, #tpu.memory_space<hbm>> -> memref<640x128xf32, #tpu.memory_space<hbm>>
        tpu.wait_dma2 semaphore(%run_scoped3A_171 : memref<!tpu.dma_semaphore, #tpu.memory_space<semaphore_mem>>) src(%dma_wait3A_179 : memref<640x128xf32, #tpu.memory_space<hbm>>) dst(%dma_wait3A_177 : memref<640x128xf32, #tpu.memory_space<vmem_shared>>)
        tpu.yield
      }) : () -> ()
    } else {
    }
    %eq3A_134 = arith.constant 0 : i32
    %eq3A_135 = arith.cmpi eq, %arg0, %eq3A_134 : i32
    %and3A_136 = arith.andi %eq3A_135, %eq3A_124 : i1
    %convert_element_type3A_137 = arith.extui %and3A_136 : i1 to i32
    %cond3A_138 = arith.constant 0 : i32
    %cond3A_139 = arith.cmpi ne, %convert_element_type3A_137, %cond3A_138 : i32
    scf.if %cond3A_139 {
      "tpu.region"() ({
        %run_scoped3A_171 = tpu.sem_alloc : memref<!tpu.dma_semaphore, #tpu.memory_space<semaphore_mem>>
        %dma_start3A_172 = arith.constant 0 : i32
        %dma_start3A_173 = tpu.memref_slice %arg10[%mul3A_0, %dma_start3A_172] : memref<10000x128xf32, #tpu.memory_space<vmem_shared>> -> memref<400x128xf32, #tpu.memory_space<vmem_shared>>
        %dma_start3A_174 = arith.constant 0 : i32
        %dma_start3A_175 = tpu.memref_slice %arg2[%mul3A_0, %dma_start3A_174] : memref<10000x128xf32, #tpu.memory_space<hbm>> -> memref<400x128xf32, #tpu.memory_space<hbm>>
        tpu.enqueue_dma source(%dma_start3A_175 : memref<400x128xf32, #tpu.memory_space<hbm>>) target(%dma_start3A_173 : memref<400x128xf32, #tpu.memory_space<vmem_shared>>) target_semaphore(%run_scoped3A_171 : memref<!tpu.dma_semaphore, #tpu.memory_space<semaphore_mem>>)
        %dma_wait3A_176 = arith.constant 0 : i32
        %dma_wait3A_177 = tpu.memref_slice %arg10[%mul3A_0, %dma_wait3A_176] : memref<10000x128xf32, #tpu.memory_space<vmem_shared>> -> memref<400x128xf32, #tpu.memory_space<vmem_shared>>
        %dma_wait3A_178 = arith.constant 0 : i32
        %dma_wait3A_179 = tpu.memref_slice %arg2[%mul3A_0, %dma_wait3A_178] : memref<10000x128xf32, #tpu.memory_space<hbm>> -> memref<400x128xf32, #tpu.memory_space<hbm>>
        tpu.wait_dma2 semaphore(%run_scoped3A_171 : memref<!tpu.dma_semaphore, #tpu.memory_space<semaphore_mem>>) src(%dma_wait3A_179 : memref<400x128xf32, #tpu.memory_space<hbm>>) dst(%dma_wait3A_177 : memref<400x128xf32, #tpu.memory_space<vmem_shared>>)
        tpu.yield
      }) : () -> ()
    } else {
    }
    %ne3A_140 = arith.constant 0 : i32
    %ne3A_141 = arith.cmpi ne, %arg0, %ne3A_140 : i32
    %and3A_142 = arith.andi %ne3A_141, %eq3A_124 : i1
    %convert_element_type3A_143 = arith.extui %and3A_142 : i1 to i32
    %cond3A_144 = arith.constant 0 : i32
    %cond3A_145 = arith.cmpi ne, %convert_element_type3A_143, %cond3A_144 : i32
    scf.if %cond3A_145 {
      "tpu.region"() ({
        %run_scoped3A_171 = tpu.sem_alloc : memref<!tpu.dma_semaphore, #tpu.memory_space<semaphore_mem>>
        %dma_start3A_172 = arith.constant 0 : i32
        %dma_start3A_173 = tpu.memref_slice %arg10[%mul3A_0, %dma_start3A_172] : memref<10000x128xf32, #tpu.memory_space<vmem_shared>> -> memref<400x128xf32, #tpu.memory_space<vmem_shared>>
        %dma_start3A_174 = arith.constant 0 : i32
        %dma_start3A_175 = tpu.memref_slice %arg3[%mul3A_0, %dma_start3A_174] : memref<10000x128xf32, #tpu.memory_space<hbm>> -> memref<400x128xf32, #tpu.memory_space<hbm>>
        tpu.enqueue_dma source(%dma_start3A_175 : memref<400x128xf32, #tpu.memory_space<hbm>>) target(%dma_start3A_173 : memref<400x128xf32, #tpu.memory_space<vmem_shared>>) target_semaphore(%run_scoped3A_171 : memref<!tpu.dma_semaphore, #tpu.memory_space<semaphore_mem>>)
        %dma_wait3A_176 = arith.constant 0 : i32
        %dma_wait3A_177 = tpu.memref_slice %arg10[%mul3A_0, %dma_wait3A_176] : memref<10000x128xf32, #tpu.memory_space<vmem_shared>> -> memref<400x128xf32, #tpu.memory_space<vmem_shared>>
        %dma_wait3A_178 = arith.constant 0 : i32
        %dma_wait3A_179 = tpu.memref_slice %arg3[%mul3A_0, %dma_wait3A_178] : memref<10000x128xf32, #tpu.memory_space<hbm>> -> memref<400x128xf32, #tpu.memory_space<hbm>>
        tpu.wait_dma2 semaphore(%run_scoped3A_171 : memref<!tpu.dma_semaphore, #tpu.memory_space<semaphore_mem>>) src(%dma_wait3A_179 : memref<400x128xf32, #tpu.memory_space<hbm>>) dst(%dma_wait3A_177 : memref<400x128xf32, #tpu.memory_space<vmem_shared>>)
        tpu.yield
      }) : () -> ()
    } else {
    }
    %barrier3A = arith.constant 0 : index
    tpu.barrier barrier_id(%barrier3A)
    %scan3A = arith.constant 0 : i32
    %scan3A_146 = arith.constant 0 : i32
    %scan3A_147 = arith.constant 62 : i32
    %scan3A_148 = arith.addi %scan3A_146, %scan3A_147 : i32
    %scan3A_149 = arith.constant 1 : i32
    scf.for %scan3A_171 = %scan3A_146 to %scan3A_148 step %scan3A_149  : i32 {
      %mul3A_172 = arith.constant 2 : i32
      %mul3A_173 = arith.muli %mul3A_172, %scan3A_171 : i32
      %add3A_174 = arith.constant 1 : i32
      %add3A_175 = arith.addi %mul3A_173, %add3A_174 : i32
      %get3A_176 = arith.index_cast %add3A_175 : i32 to index
      %get3A_177 = arith.constant 0 : index
      %get3A_178 = tpu.vector_load %arg6[%get3A_176, %get3A_177] {strides = array<i32>} : memref<125x80xi32, #tpu.memory_space<vmem>>, vector<1x16xi32>,
      %get3A_179 = vector.shape_cast %get3A_178 : vector<1x16xi32> to vector<16xi32>
      %and3A_180 = arith.constant 65535 : i32
      %and3A_181 = vector.broadcast %and3A_180 : i32 to vector<16xi32>
      %and3A_182 = arith.andi %get3A_179, %and3A_181 : vector<16xi32>
      %swap3A_183 = arith.constant 1 : i32
      %swap3A_184 = arith.index_cast %swap3A_183 : i32 to index
      %swap3A_185 = arith.constant 0 : index
      %swap3A_186 = tpu.vector_load %arg7[%swap3A_184, %swap3A_185] {strides = array<i32>} : memref<2x80xi32, #tpu.memory_space<vmem>>, vector<1x16xi32>,
      %swap3A_187 = vector.shape_cast %swap3A_186 : vector<1x16xi32> to vector<16xi32>
      %swap3A_188 = vector.shape_cast %and3A_182 : vector<16xi32> to vector<1x16xi32>
      tpu.vector_store %arg7[%swap3A_184, %swap3A_185], %swap3A_188 {strides = array<i32>} : memref<2x80xi32, #tpu.memory_space<vmem>>, vector<1x16xi32>,
      %shift_right_logical3A_189 = arith.constant 16 : i32
      %shift_right_logical3A_190 = vector.broadcast %shift_right_logical3A_189 : i32 to vector<16xi32>
      %shift_right_logical3A_191 = arith.shrui %get3A_179, %shift_right_logical3A_190 : vector<16xi32>
      %swap3A_192 = arith.constant 1 : i32
      %swap3A_193 = arith.index_cast %swap3A_192 : i32 to index
      %swap3A_194 = arith.constant 0 : index
      %swap3A_195 = tpu.vector_load %arg8[%swap3A_193, %swap3A_194] {strides = array<i32>} : memref<2x80xi32, #tpu.memory_space<vmem>>, vector<1x16xi32>,
      %swap3A_196 = vector.shape_cast %swap3A_195 : vector<1x16xi32> to vector<16xi32>
      %swap3A_197 = vector.shape_cast %shift_right_logical3A_191 : vector<16xi32> to vector<1x16xi32>
      tpu.vector_store %arg8[%swap3A_193, %swap3A_194], %swap3A_197 {strides = array<i32>} : memref<2x80xi32, #tpu.memory_space<vmem>>, vector<1x16xi32>,
      %get3A_198 = arith.index_cast %add3A_175 : i32 to index
      %get3A_199 = arith.constant 16 : index
      %get3A_200 = tpu.vector_load %arg6[%get3A_198, %get3A_199] {strides = array<i32>} : memref<125x80xi32, #tpu.memory_space<vmem>>, vector<1x16xi32>,
      %get3A_201 = vector.shape_cast %get3A_200 : vector<1x16xi32> to vector<16xi32>
      %and3A_202 = arith.constant 65535 : i32
      %and3A_203 = vector.broadcast %and3A_202 : i32 to vector<16xi32>
      %and3A_204 = arith.andi %get3A_201, %and3A_203 : vector<16xi32>
      %swap3A_205 = arith.constant 1 : i32
      %swap3A_206 = arith.index_cast %swap3A_205 : i32 to index
      %swap3A_207 = arith.constant 16 : index
      %swap3A_208 = tpu.vector_load %arg7[%swap3A_206, %swap3A_207] {strides = array<i32>} : memref<2x80xi32, #tpu.memory_space<vmem>>, vector<1x16xi32>,
      %swap3A_209 = vector.shape_cast %swap3A_208 : vector<1x16xi32> to vector<16xi32>
      %swap3A_210 = vector.shape_cast %and3A_204 : vector<16xi32> to vector<1x16xi32>
      tpu.vector_store %arg7[%swap3A_206, %swap3A_207], %swap3A_210 {strides = array<i32>} : memref<2x80xi32, #tpu.memory_space<vmem>>, vector<1x16xi32>,
      %shift_right_logical3A_211 = arith.constant 16 : i32
      %shift_right_logical3A_212 = vector.broadcast %shift_right_logical3A_211 : i32 to vector<16xi32>
      %shift_right_logical3A_213 = arith.shrui %get3A_201, %shift_right_logical3A_212 : vector<16xi32>
      %swap3A_214 = arith.constant 1 : i32
      %swap3A_215 = arith.index_cast %swap3A_214 : i32 to index
      %swap3A_216 = arith.constant 16 : index
      %swap3A_217 = tpu.vector_load %arg8[%swap3A_215, %swap3A_216] {strides = array<i32>} : memref<2x80xi32, #tpu.memory_space<vmem>>, vector<1x16xi32>,
      %swap3A_218 = vector.shape_cast %swap3A_217 : vector<1x16xi32> to vector<16xi32>
      %swap3A_219 = vector.shape_cast %shift_right_logical3A_213 : vector<16xi32> to vector<1x16xi32>
      tpu.vector_store %arg8[%swap3A_215, %swap3A_216], %swap3A_219 {strides = array<i32>} : memref<2x80xi32, #tpu.memory_space<vmem>>, vector<1x16xi32>,
      %get3A_220 = arith.index_cast %add3A_175 : i32 to index
      %get3A_221 = arith.constant 32 : index
      %get3A_222 = tpu.vector_load %arg6[%get3A_220, %get3A_221] {strides = array<i32>} : memref<125x80xi32, #tpu.memory_space<vmem>>, vector<1x16xi32>,
      %get3A_223 = vector.shape_cast %get3A_222 : vector<1x16xi32> to vector<16xi32>
      %and3A_224 = arith.constant 65535 : i32
      %and3A_225 = vector.broadcast %and3A_224 : i32 to vector<16xi32>
      %and3A_226 = arith.andi %get3A_223, %and3A_225 : vector<16xi32>
      %swap3A_227 = arith.constant 1 : i32
      %swap3A_228 = arith.index_cast %swap3A_227 : i32 to index
      %swap3A_229 = arith.constant 32 : index
      %swap3A_230 = tpu.vector_load %arg7[%swap3A_228, %swap3A_229] {strides = array<i32>} : memref<2x80xi32, #tpu.memory_space<vmem>>, vector<1x16xi32>,
      %swap3A_231 = vector.shape_cast %swap3A_230 : vector<1x16xi32> to vector<16xi32>
      %swap3A_232 = vector.shape_cast %and3A_226 : vector<16xi32> to vector<1x16xi32>
      tpu.vector_store %arg7[%swap3A_228, %swap3A_229], %swap3A_232 {strides = array<i32>} : memref<2x80xi32, #tpu.memory_space<vmem>>, vector<1x16xi32>,
      %shift_right_logical3A_233 = arith.constant 16 : i32
      %shift_right_logical3A_234 = vector.broadcast %shift_right_logical3A_233 : i32 to vector<16xi32>
      %shift_right_logical3A_235 = arith.shrui %get3A_223, %shift_right_logical3A_234 : vector<16xi32>
      %swap3A_236 = arith.constant 1 : i32
      %swap3A_237 = arith.index_cast %swap3A_236 : i32 to index
      %swap3A_238 = arith.constant 32 : index
      %swap3A_239 = tpu.vector_load %arg8[%swap3A_237, %swap3A_238] {strides = array<i32>} : memref<2x80xi32, #tpu.memory_space<vmem>>, vector<1x16xi32>,
      %swap3A_240 = vector.shape_cast %swap3A_239 : vector<1x16xi32> to vector<16xi32>
      %swap3A_241 = vector.shape_cast %shift_right_logical3A_235 : vector<16xi32> to vector<1x16xi32>
      tpu.vector_store %arg8[%swap3A_237, %swap3A_238], %swap3A_241 {strides = array<i32>} : memref<2x80xi32, #tpu.memory_space<vmem>>, vector<1x16xi32>,
      %get3A_242 = arith.index_cast %add3A_175 : i32 to index
      %get3A_243 = arith.constant 48 : index
      %get3A_244 = tpu.vector_load %arg6[%get3A_242, %get3A_243] {strides = array<i32>} : memref<125x80xi32, #tpu.memory_space<vmem>>, vector<1x16xi32>,
      %get3A_245 = vector.shape_cast %get3A_244 : vector<1x16xi32> to vector<16xi32>
      %and3A_246 = arith.constant 65535 : i32
      %and3A_247 = vector.broadcast %and3A_246 : i32 to vector<16xi32>
      %and3A_248 = arith.andi %get3A_245, %and3A_247 : vector<16xi32>
      %swap3A_249 = arith.constant 1 : i32
      %swap3A_250 = arith.index_cast %swap3A_249 : i32 to index
      %swap3A_251 = arith.constant 48 : index
      %swap3A_252 = tpu.vector_load %arg7[%swap3A_250, %swap3A_251] {strides = array<i32>} : memref<2x80xi32, #tpu.memory_space<vmem>>, vector<1x16xi32>,
      %swap3A_253 = vector.shape_cast %swap3A_252 : vector<1x16xi32> to vector<16xi32>
      %swap3A_254 = vector.shape_cast %and3A_248 : vector<16xi32> to vector<1x16xi32>
      tpu.vector_store %arg7[%swap3A_250, %swap3A_251], %swap3A_254 {strides = array<i32>} : memref<2x80xi32, #tpu.memory_space<vmem>>, vector<1x16xi32>,
      %shift_right_logical3A_255 = arith.constant 16 : i32
      %shift_right_logical3A_256 = vector.broadcast %shift_right_logical3A_255 : i32 to vector<16xi32>
      %shift_right_logical3A_257 = arith.shrui %get3A_245, %shift_right_logical3A_256 : vector<16xi32>
      %swap3A_258 = arith.constant 1 : i32
      %swap3A_259 = arith.index_cast %swap3A_258 : i32 to index
      %swap3A_260 = arith.constant 48 : index
      %swap3A_261 = tpu.vector_load %arg8[%swap3A_259, %swap3A_260] {strides = array<i32>} : memref<2x80xi32, #tpu.memory_space<vmem>>, vector<1x16xi32>,
      %swap3A_262 = vector.shape_cast %swap3A_261 : vector<1x16xi32> to vector<16xi32>
      %swap3A_263 = vector.shape_cast %shift_right_logical3A_257 : vector<16xi32> to vector<1x16xi32>
      tpu.vector_store %arg8[%swap3A_259, %swap3A_260], %swap3A_263 {strides = array<i32>} : memref<2x80xi32, #tpu.memory_space<vmem>>, vector<1x16xi32>,
      %get3A_264 = arith.index_cast %add3A_175 : i32 to index
      %get3A_265 = arith.constant 64 : index
      %get3A_266 = tpu.vector_load %arg6[%get3A_264, %get3A_265] {strides = array<i32>} : memref<125x80xi32, #tpu.memory_space<vmem>>, vector<1x16xi32>,
      %get3A_267 = vector.shape_cast %get3A_266 : vector<1x16xi32> to vector<16xi32>
      %and3A_268 = arith.constant 65535 : i32
      %and3A_269 = vector.broadcast %and3A_268 : i32 to vector<16xi32>
      %and3A_270 = arith.andi %get3A_267, %and3A_269 : vector<16xi32>
      %swap3A_271 = arith.constant 1 : i32
      %swap3A_272 = arith.index_cast %swap3A_271 : i32 to index
      %swap3A_273 = arith.constant 64 : index
      %swap3A_274 = tpu.vector_load %arg7[%swap3A_272, %swap3A_273] {strides = array<i32>} : memref<2x80xi32, #tpu.memory_space<vmem>>, vector<1x16xi32>,
      %swap3A_275 = vector.shape_cast %swap3A_274 : vector<1x16xi32> to vector<16xi32>
      %swap3A_276 = vector.shape_cast %and3A_270 : vector<16xi32> to vector<1x16xi32>
      tpu.vector_store %arg7[%swap3A_272, %swap3A_273], %swap3A_276 {strides = array<i32>} : memref<2x80xi32, #tpu.memory_space<vmem>>, vector<1x16xi32>,
      %shift_right_logical3A_277 = arith.constant 16 : i32
      %shift_right_logical3A_278 = vector.broadcast %shift_right_logical3A_277 : i32 to vector<16xi32>
      %shift_right_logical3A_279 = arith.shrui %get3A_267, %shift_right_logical3A_278 : vector<16xi32>
      %swap3A_280 = arith.constant 1 : i32
      %swap3A_281 = arith.index_cast %swap3A_280 : i32 to index
      %swap3A_282 = arith.constant 64 : index
      %swap3A_283 = tpu.vector_load %arg8[%swap3A_281, %swap3A_282] {strides = array<i32>} : memref<2x80xi32, #tpu.memory_space<vmem>>, vector<1x16xi32>,
      %swap3A_284 = vector.shape_cast %swap3A_283 : vector<1x16xi32> to vector<16xi32>
      %swap3A_285 = vector.shape_cast %shift_right_logical3A_279 : vector<16xi32> to vector<1x16xi32>
      tpu.vector_store %arg8[%swap3A_281, %swap3A_282], %swap3A_285 {strides = array<i32>} : memref<2x80xi32, #tpu.memory_space<vmem>>, vector<1x16xi32>,
      %dma_wait3A_286 = arith.constant 0 : i32
      %dma_wait3A_287 = arith.constant 0 : i32
      %dma_wait3A_288 = arith.constant 0 : i32
      %dma_wait3A_289 = tpu.memref_slice %arg9[%dma_wait3A_287, %dma_wait3A_288] : memref<160x128xf32, #tpu.memory_space<vmem>> -> memref<80x128xf32, #tpu.memory_space<vmem>>
      %dma_wait3A_290 = arith.constant 0 : i32
      %dma_wait3A_291 = tpu.memref_slice %arg7[%dma_wait3A_286, %dma_wait3A_290] : memref<2x80xi32, #tpu.memory_space<vmem>> -> memref<1x80xi32, #tpu.memory_space<vmem>>
      %dma_wait3A_292 = tpu.memref_squeeze %dma_wait3A_291 : memref<1x80xi32, #tpu.memory_space<vmem>> -> memref<80xi32, #tpu.memory_space<vmem>>
      %dma_wait3A_293 = arith.constant 0 : i32
      %dma_wait3A_294 = arith.constant 0 : i32
      %dma_wait3A_295 = tpu.memref_slice %arg2[%dma_wait3A_293, %dma_wait3A_294] : memref<10000x128xf32, #tpu.memory_space<hbm>> -> memref<10000x128xf32, #tpu.memory_space<hbm>>
      tpu.wait_indirect_dma semaphore(%arg11 : memref<!tpu.dma_semaphore, #tpu.memory_space<semaphore_mem>>) src(%dma_wait3A_295 : memref<10000x128xf32, #tpu.memory_space<hbm>>) dst(%dma_wait3A_289 : memref<80x128xf32, #tpu.memory_space<vmem>>)
      %dma_start3A_296 = arith.constant 1 : i32
      %dma_start3A_297 = arith.constant 80 : i32
      %dma_start3A_298 = arith.constant 0 : i32
      %dma_start3A_299 = tpu.memref_slice %arg9[%dma_start3A_297, %dma_start3A_298] : memref<160x128xf32, #tpu.memory_space<vmem>> -> memref<80x128xf32, #tpu.memory_space<vmem>>
      %dma_start3A_300 = arith.constant 0 : i32
      %dma_start3A_301 = tpu.memref_slice %arg7[%dma_start3A_296, %dma_start3A_300] : memref<2x80xi32, #tpu.memory_space<vmem>> -> memref<1x80xi32, #tpu.memory_space<vmem>>
      %dma_start3A_302 = tpu.memref_squeeze %dma_start3A_301 : memref<1x80xi32, #tpu.memory_space<vmem>> -> memref<80xi32, #tpu.memory_space<vmem>>
      %dma_start3A_303 = arith.constant 0 : i32
      %dma_start3A_304 = arith.constant 0 : i32
      %dma_start3A_305 = tpu.memref_slice %arg2[%dma_start3A_303, %dma_start3A_304] : memref<10000x128xf32, #tpu.memory_space<hbm>> -> memref<10000x128xf32, #tpu.memory_space<hbm>>
      tpu.enqueue_indirect_dma source(%dma_start3A_305 : memref<10000x128xf32, #tpu.memory_space<hbm>>) target(%dma_start3A_299 : memref<80x128xf32, #tpu.memory_space<vmem>>) offsets(%dma_start3A_302 : memref<80xi32, #tpu.memory_space<vmem>>) semaphore(%arg11 : memref<!tpu.dma_semaphore, #tpu.memory_space<semaphore_mem>>)
      %run_scoped3A_306 = arith.constant 0 : i32
      "tpu.region"() ({
        %run_scoped3A_440 = tpu.sem_alloc : memref<!tpu.dma_semaphore, #tpu.memory_space<semaphore_mem>>
        %dma_start3A_441 = arith.constant 0 : i32
        %dma_start3A_442 = arith.constant 0 : i32
        %dma_start3A_443 = tpu.memref_slice %arg9[%dma_start3A_441, %dma_start3A_442] : memref<160x128xf32, #tpu.memory_space<vmem>> -> memref<80x128xf32, #tpu.memory_space<vmem>>
        %dma_start3A_444 = arith.constant 0 : i32
        %dma_start3A_445 = tpu.memref_slice %arg8[%run_scoped3A_306, %dma_start3A_444] : memref<2x80xi32, #tpu.memory_space<vmem>> -> memref<1x80xi32, #tpu.memory_space<vmem>>
        %dma_start3A_446 = tpu.memref_squeeze %dma_start3A_445 : memref<1x80xi32, #tpu.memory_space<vmem>> -> memref<80xi32, #tpu.memory_space<vmem>>
        %dma_start3A_447 = arith.constant 0 : i32
        %dma_start3A_448 = arith.constant 0 : i32
        %dma_start3A_449 = tpu.memref_slice %arg10[%dma_start3A_447, %dma_start3A_448] : memref<10000x128xf32, #tpu.memory_space<vmem_shared>> -> memref<10000x128xf32, #tpu.memory_space<vmem_shared>>
        tpu.enqueue_indirect_dma source(%dma_start3A_443 : memref<80x128xf32, #tpu.memory_space<vmem>>) target(%dma_start3A_449 : memref<10000x128xf32, #tpu.memory_space<vmem_shared>>) offsets(%dma_start3A_446 : memref<80xi32, #tpu.memory_space<vmem>>) semaphore(%run_scoped3A_440 : memref<!tpu.dma_semaphore, #tpu.memory_space<semaphore_mem>>) {add = true}
        %dma_wait3A_450 = arith.constant 0 : i32
        %dma_wait3A_451 = arith.constant 0 : i32
        %dma_wait3A_452 = tpu.memref_slice %arg9[%dma_wait3A_450, %dma_wait3A_451] : memref<160x128xf32, #tpu.memory_space<vmem>> -> memref<80x128xf32, #tpu.memory_space<vmem>>
        %dma_wait3A_453 = arith.constant 0 : i32
        %dma_wait3A_454 = tpu.memref_slice %arg8[%run_scoped3A_306, %dma_wait3A_453] : memref<2x80xi32, #tpu.memory_space<vmem>> -> memref<1x80xi32, #tpu.memory_space<vmem>>
        %dma_wait3A_455 = tpu.memref_squeeze %dma_wait3A_454 : memref<1x80xi32, #tpu.memory_space<vmem>> -> memref<80xi32, #tpu.memory_space<vmem>>
        %dma_wait3A_456 = arith.constant 0 : i32
        %dma_wait3A_457 = arith.constant 0 : i32
        %dma_wait3A_458 = tpu.memref_slice %arg10[%dma_wait3A_456, %dma_wait3A_457] : memref<10000x128xf32, #tpu.memory_space<vmem_shared>> -> memref<10000x128xf32, #tpu.memory_space<vmem_shared>>
        tpu.wait_indirect_dma semaphore(%run_scoped3A_440 : memref<!tpu.dma_semaphore, #tpu.memory_space<semaphore_mem>>) src(%dma_wait3A_452 : memref<80x128xf32, #tpu.memory_space<vmem>>) dst(%dma_wait3A_458 : memref<10000x128xf32, #tpu.memory_space<vmem_shared>>)
        tpu.yield
      }) : () -> ()
      %add3A_307 = arith.constant 2 : i32
      %add3A_308 = arith.addi %mul3A_173, %add3A_307 : i32
      %get3A_309 = arith.index_cast %add3A_308 : i32 to index
      %get3A_310 = arith.constant 0 : index
      %get3A_311 = tpu.vector_load %arg6[%get3A_309, %get3A_310] {strides = array<i32>} : memref<125x80xi32, #tpu.memory_space<vmem>>, vector<1x16xi32>,
      %get3A_312 = vector.shape_cast %get3A_311 : vector<1x16xi32> to vector<16xi32>
      %and3A_313 = arith.constant 65535 : i32
      %and3A_314 = vector.broadcast %and3A_313 : i32 to vector<16xi32>
      %and3A_315 = arith.andi %get3A_312, %and3A_314 : vector<16xi32>
      %swap3A_316 = arith.constant 0 : i32
      %swap3A_317 = arith.index_cast %swap3A_316 : i32 to index
      %swap3A_318 = arith.constant 0 : index
      %swap3A_319 = tpu.vector_load %arg7[%swap3A_317, %swap3A_318] {strides = array<i32>} : memref<2x80xi32, #tpu.memory_space<vmem>>, vector<1x16xi32>,
      %swap3A_320 = vector.shape_cast %swap3A_319 : vector<1x16xi32> to vector<16xi32>
      %swap3A_321 = vector.shape_cast %and3A_315 : vector<16xi32> to vector<1x16xi32>
      tpu.vector_store %arg7[%swap3A_317, %swap3A_318], %swap3A_321 {strides = array<i32>} : memref<2x80xi32, #tpu.memory_space<vmem>>, vector<1x16xi32>,
      %shift_right_logical3A_322 = arith.constant 16 : i32
      %shift_right_logical3A_323 = vector.broadcast %shift_right_logical3A_322 : i32 to vector<16xi32>
      %shift_right_logical3A_324 = arith.shrui %get3A_312, %shift_right_logical3A_323 : vector<16xi32>
      %swap3A_325 = arith.constant 0 : i32
      %swap3A_326 = arith.index_cast %swap3A_325 : i32 to index
      %swap3A_327 = arith.constant 0 : index
      %swap3A_328 = tpu.vector_load %arg8[%swap3A_326, %swap3A_327] {strides = array<i32>} : memref<2x80xi32, #tpu.memory_space<vmem>>, vector<1x16xi32>,
      %swap3A_329 = vector.shape_cast %swap3A_328 : vector<1x16xi32> to vector<16xi32>
      %swap3A_330 = vector.shape_cast %shift_right_logical3A_324 : vector<16xi32> to vector<1x16xi32>
      tpu.vector_store %arg8[%swap3A_326, %swap3A_327], %swap3A_330 {strides = array<i32>} : memref<2x80xi32, #tpu.memory_space<vmem>>, vector<1x16xi32>,
      %get3A_331 = arith.index_cast %add3A_308 : i32 to index
      %get3A_332 = arith.constant 16 : index
      %get3A_333 = tpu.vector_load %arg6[%get3A_331, %get3A_332] {strides = array<i32>} : memref<125x80xi32, #tpu.memory_space<vmem>>, vector<1x16xi32>,
      %get3A_334 = vector.shape_cast %get3A_333 : vector<1x16xi32> to vector<16xi32>
      %and3A_335 = arith.constant 65535 : i32
      %and3A_336 = vector.broadcast %and3A_335 : i32 to vector<16xi32>
      %and3A_337 = arith.andi %get3A_334, %and3A_336 : vector<16xi32>
      %swap3A_338 = arith.constant 0 : i32
      %swap3A_339 = arith.index_cast %swap3A_338 : i32 to index
      %swap3A_340 = arith.constant 16 : index
      %swap3A_341 = tpu.vector_load %arg7[%swap3A_339, %swap3A_340] {strides = array<i32>} : memref<2x80xi32, #tpu.memory_space<vmem>>, vector<1x16xi32>,
      %swap3A_342 = vector.shape_cast %swap3A_341 : vector<1x16xi32> to vector<16xi32>
      %swap3A_343 = vector.shape_cast %and3A_337 : vector<16xi32> to vector<1x16xi32>
      tpu.vector_store %arg7[%swap3A_339, %swap3A_340], %swap3A_343 {strides = array<i32>} : memref<2x80xi32, #tpu.memory_space<vmem>>, vector<1x16xi32>,
      %shift_right_logical3A_344 = arith.constant 16 : i32
      %shift_right_logical3A_345 = vector.broadcast %shift_right_logical3A_344 : i32 to vector<16xi32>
      %shift_right_logical3A_346 = arith.shrui %get3A_334, %shift_right_logical3A_345 : vector<16xi32>
      %swap3A_347 = arith.constant 0 : i32
      %swap3A_348 = arith.index_cast %swap3A_347 : i32 to index
      %swap3A_349 = arith.constant 16 : index
      %swap3A_350 = tpu.vector_load %arg8[%swap3A_348, %swap3A_349] {strides = array<i32>} : memref<2x80xi32, #tpu.memory_space<vmem>>, vector<1x16xi32>,
      %swap3A_351 = vector.shape_cast %swap3A_350 : vector<1x16xi32> to vector<16xi32>
      %swap3A_352 = vector.shape_cast %shift_right_logical3A_346 : vector<16xi32> to vector<1x16xi32>
      tpu.vector_store %arg8[%swap3A_348, %swap3A_349], %swap3A_352 {strides = array<i32>} : memref<2x80xi32, #tpu.memory_space<vmem>>, vector<1x16xi32>,
      %get3A_353 = arith.index_cast %add3A_308 : i32 to index
      %get3A_354 = arith.constant 32 : index
      %get3A_355 = tpu.vector_load %arg6[%get3A_353, %get3A_354] {strides = array<i32>} : memref<125x80xi32, #tpu.memory_space<vmem>>, vector<1x16xi32>,
      %get3A_356 = vector.shape_cast %get3A_355 : vector<1x16xi32> to vector<16xi32>
      %and3A_357 = arith.constant 65535 : i32
      %and3A_358 = vector.broadcast %and3A_357 : i32 to vector<16xi32>
      %and3A_359 = arith.andi %get3A_356, %and3A_358 : vector<16xi32>
      %swap3A_360 = arith.constant 0 : i32
      %swap3A_361 = arith.index_cast %swap3A_360 : i32 to index
      %swap3A_362 = arith.constant 32 : index
      %swap3A_363 = tpu.vector_load %arg7[%swap3A_361, %swap3A_362] {strides = array<i32>} : memref<2x80xi32, #tpu.memory_space<vmem>>, vector<1x16xi32>,
      %swap3A_364 = vector.shape_cast %swap3A_363 : vector<1x16xi32> to vector<16xi32>
      %swap3A_365 = vector.shape_cast %and3A_359 : vector<16xi32> to vector<1x16xi32>
      tpu.vector_store %arg7[%swap3A_361, %swap3A_362], %swap3A_365 {strides = array<i32>} : memref<2x80xi32, #tpu.memory_space<vmem>>, vector<1x16xi32>,
      %shift_right_logical3A_366 = arith.constant 16 : i32
      %shift_right_logical3A_367 = vector.broadcast %shift_right_logical3A_366 : i32 to vector<16xi32>
      %shift_right_logical3A_368 = arith.shrui %get3A_356, %shift_right_logical3A_367 : vector<16xi32>
      %swap3A_369 = arith.constant 0 : i32
      %swap3A_370 = arith.index_cast %swap3A_369 : i32 to index
      %swap3A_371 = arith.constant 32 : index
      %swap3A_372 = tpu.vector_load %arg8[%swap3A_370, %swap3A_371] {strides = array<i32>} : memref<2x80xi32, #tpu.memory_space<vmem>>, vector<1x16xi32>,
      %swap3A_373 = vector.shape_cast %swap3A_372 : vector<1x16xi32> to vector<16xi32>
      %swap3A_374 = vector.shape_cast %shift_right_logical3A_368 : vector<16xi32> to vector<1x16xi32>
      tpu.vector_store %arg8[%swap3A_370, %swap3A_371], %swap3A_374 {strides = array<i32>} : memref<2x80xi32, #tpu.memory_space<vmem>>, vector<1x16xi32>,
      %get3A_375 = arith.index_cast %add3A_308 : i32 to index
      %get3A_376 = arith.constant 48 : index
      %get3A_377 = tpu.vector_load %arg6[%get3A_375, %get3A_376] {strides = array<i32>} : memref<125x80xi32, #tpu.memory_space<vmem>>, vector<1x16xi32>,
      %get3A_378 = vector.shape_cast %get3A_377 : vector<1x16xi32> to vector<16xi32>
      %and3A_379 = arith.constant 65535 : i32
      %and3A_380 = vector.broadcast %and3A_379 : i32 to vector<16xi32>
      %and3A_381 = arith.andi %get3A_378, %and3A_380 : vector<16xi32>
      %swap3A_382 = arith.constant 0 : i32
      %swap3A_383 = arith.index_cast %swap3A_382 : i32 to index
      %swap3A_384 = arith.constant 48 : index
      %swap3A_385 = tpu.vector_load %arg7[%swap3A_383, %swap3A_384] {strides = array<i32>} : memref<2x80xi32, #tpu.memory_space<vmem>>, vector<1x16xi32>,
      %swap3A_386 = vector.shape_cast %swap3A_385 : vector<1x16xi32> to vector<16xi32>
      %swap3A_387 = vector.shape_cast %and3A_381 : vector<16xi32> to vector<1x16xi32>
      tpu.vector_store %arg7[%swap3A_383, %swap3A_384], %swap3A_387 {strides = array<i32>} : memref<2x80xi32, #tpu.memory_space<vmem>>, vector<1x16xi32>,
      %shift_right_logical3A_388 = arith.constant 16 : i32
      %shift_right_logical3A_389 = vector.broadcast %shift_right_logical3A_388 : i32 to vector<16xi32>
      %shift_right_logical3A_390 = arith.shrui %get3A_378, %shift_right_logical3A_389 : vector<16xi32>
      %swap3A_391 = arith.constant 0 : i32
      %swap3A_392 = arith.index_cast %swap3A_391 : i32 to index
      %swap3A_393 = arith.constant 48 : index
      %swap3A_394 = tpu.vector_load %arg8[%swap3A_392, %swap3A_393] {strides = array<i32>} : memref<2x80xi32, #tpu.memory_space<vmem>>, vector<1x16xi32>,
      %swap3A_395 = vector.shape_cast %swap3A_394 : vector<1x16xi32> to vector<16xi32>
      %swap3A_396 = vector.shape_cast %shift_right_logical3A_390 : vector<16xi32> to vector<1x16xi32>
      tpu.vector_store %arg8[%swap3A_392, %swap3A_393], %swap3A_396 {strides = array<i32>} : memref<2x80xi32, #tpu.memory_space<vmem>>, vector<1x16xi32>,
      %get3A_397 = arith.index_cast %add3A_308 : i32 to index
      %get3A_398 = arith.constant 64 : index
      %get3A_399 = tpu.vector_load %arg6[%get3A_397, %get3A_398] {strides = array<i32>} : memref<125x80xi32, #tpu.memory_space<vmem>>, vector<1x16xi32>,
      %get3A_400 = vector.shape_cast %get3A_399 : vector<1x16xi32> to vector<16xi32>
      %and3A_401 = arith.constant 65535 : i32
      %and3A_402 = vector.broadcast %and3A_401 : i32 to vector<16xi32>
      %and3A_403 = arith.andi %get3A_400, %and3A_402 : vector<16xi32>
      %swap3A_404 = arith.constant 0 : i32
      %swap3A_405 = arith.index_cast %swap3A_404 : i32 to index
      %swap3A_406 = arith.constant 64 : index
      %swap3A_407 = tpu.vector_load %arg7[%swap3A_405, %swap3A_406] {strides = array<i32>} : memref<2x80xi32, #tpu.memory_space<vmem>>, vector<1x16xi32>,
      %swap3A_408 = vector.shape_cast %swap3A_407 : vector<1x16xi32> to vector<16xi32>
      %swap3A_409 = vector.shape_cast %and3A_403 : vector<16xi32> to vector<1x16xi32>
      tpu.vector_store %arg7[%swap3A_405, %swap3A_406], %swap3A_409 {strides = array<i32>} : memref<2x80xi32, #tpu.memory_space<vmem>>, vector<1x16xi32>,
      %shift_right_logical3A_410 = arith.constant 16 : i32
      %shift_right_logical3A_411 = vector.broadcast %shift_right_logical3A_410 : i32 to vector<16xi32>
      %shift_right_logical3A_412 = arith.shrui %get3A_400, %shift_right_logical3A_411 : vector<16xi32>
      %swap3A_413 = arith.constant 0 : i32
      %swap3A_414 = arith.index_cast %swap3A_413 : i32 to index
      %swap3A_415 = arith.constant 64 : index
      %swap3A_416 = tpu.vector_load %arg8[%swap3A_414, %swap3A_415] {strides = array<i32>} : memref<2x80xi32, #tpu.memory_space<vmem>>, vector<1x16xi32>,
      %swap3A_417 = vector.shape_cast %swap3A_416 : vector<1x16xi32> to vector<16xi32>
      %swap3A_418 = vector.shape_cast %shift_right_logical3A_412 : vector<16xi32> to vector<1x16xi32>
      tpu.vector_store %arg8[%swap3A_414, %swap3A_415], %swap3A_418 {strides = array<i32>} : memref<2x80xi32, #tpu.memory_space<vmem>>, vector<1x16xi32>,
      %dma_wait3A_419 = arith.constant 1 : i32
      %dma_wait3A_420 = arith.constant 80 : i32
      %dma_wait3A_421 = arith.constant 0 : i32
      %dma_wait3A_422 = tpu.memref_slice %arg9[%dma_wait3A_420, %dma_wait3A_421] : memref<160x128xf32, #tpu.memory_space<vmem>> -> memref<80x128xf32, #tpu.memory_space<vmem>>
      %dma_wait3A_423 = arith.constant 0 : i32
      %dma_wait3A_424 = tpu.memref_slice %arg7[%dma_wait3A_419, %dma_wait3A_423] : memref<2x80xi32, #tpu.memory_space<vmem>> -> memref<1x80xi32, #tpu.memory_space<vmem>>
      %dma_wait3A_425 = tpu.memref_squeeze %dma_wait3A_424 : memref<1x80xi32, #tpu.memory_space<vmem>> -> memref<80xi32, #tpu.memory_space<vmem>>
      %dma_wait3A_426 = arith.constant 0 : i32
      %dma_wait3A_427 = arith.constant 0 : i32
      %dma_wait3A_428 = tpu.memref_slice %arg2[%dma_wait3A_426, %dma_wait3A_427] : memref<10000x128xf32, #tpu.memory_space<hbm>> -> memref<10000x128xf32, #tpu.memory_space<hbm>>
      tpu.wait_indirect_dma semaphore(%arg11 : memref<!tpu.dma_semaphore, #tpu.memory_space<semaphore_mem>>) src(%dma_wait3A_428 : memref<10000x128xf32, #tpu.memory_space<hbm>>) dst(%dma_wait3A_422 : memref<80x128xf32, #tpu.memory_space<vmem>>)
      %dma_start3A_429 = arith.constant 0 : i32
      %dma_start3A_430 = arith.constant 0 : i32
      %dma_start3A_431 = arith.constant 0 : i32
      %dma_start3A_432 = tpu.memref_slice %arg9[%dma_start3A_430, %dma_start3A_431] : memref<160x128xf32, #tpu.memory_space<vmem>> -> memref<80x128xf32, #tpu.memory_space<vmem>>
      %dma_start3A_433 = arith.constant 0 : i32
      %dma_start3A_434 = tpu.memref_slice %arg7[%dma_start3A_429, %dma_start3A_433] : memref<2x80xi32, #tpu.memory_space<vmem>> -> memref<1x80xi32, #tpu.memory_space<vmem>>
      %dma_start3A_435 = tpu.memref_squeeze %dma_start3A_434 : memref<1x80xi32, #tpu.memory_space<vmem>> -> memref<80xi32, #tpu.memory_space<vmem>>
      %dma_start3A_436 = arith.constant 0 : i32
      %dma_start3A_437 = arith.constant 0 : i32
      %dma_start3A_438 = tpu.memref_slice %arg2[%dma_start3A_436, %dma_start3A_437] : memref<10000x128xf32, #tpu.memory_space<hbm>> -> memref<10000x128xf32, #tpu.memory_space<hbm>>
      tpu.enqueue_indirect_dma source(%dma_start3A_438 : memref<10000x128xf32, #tpu.memory_space<hbm>>) target(%dma_start3A_432 : memref<80x128xf32, #tpu.memory_space<vmem>>) offsets(%dma_start3A_435 : memref<80xi32, #tpu.memory_space<vmem>>) semaphore(%arg11 : memref<!tpu.dma_semaphore, #tpu.memory_space<semaphore_mem>>)
      %run_scoped3A_439 = arith.constant 1 : i32
      "tpu.region"() ({
        %run_scoped3A_440 = tpu.sem_alloc : memref<!tpu.dma_semaphore, #tpu.memory_space<semaphore_mem>>
        %dma_start3A_441 = arith.constant 80 : i32
        %dma_start3A_442 = arith.constant 0 : i32
        %dma_start3A_443 = tpu.memref_slice %arg9[%dma_start3A_441, %dma_start3A_442] : memref<160x128xf32, #tpu.memory_space<vmem>> -> memref<80x128xf32, #tpu.memory_space<vmem>>
        %dma_start3A_444 = arith.constant 0 : i32
        %dma_start3A_445 = tpu.memref_slice %arg8[%run_scoped3A_439, %dma_start3A_444] : memref<2x80xi32, #tpu.memory_space<vmem>> -> memref<1x80xi32, #tpu.memory_space<vmem>>
        %dma_start3A_446 = tpu.memref_squeeze %dma_start3A_445 : memref<1x80xi32, #tpu.memory_space<vmem>> -> memref<80xi32, #tpu.memory_space<vmem>>
        %dma_start3A_447 = arith.constant 0 : i32
        %dma_start3A_448 = arith.constant 0 : i32
        %dma_start3A_449 = tpu.memref_slice %arg10[%dma_start3A_447, %dma_start3A_448] : memref<10000x128xf32, #tpu.memory_space<vmem_shared>> -> memref<10000x128xf32, #tpu.memory_space<vmem_shared>>
        tpu.enqueue_indirect_dma source(%dma_start3A_443 : memref<80x128xf32, #tpu.memory_space<vmem>>) target(%dma_start3A_449 : memref<10000x128xf32, #tpu.memory_space<vmem_shared>>) offsets(%dma_start3A_446 : memref<80xi32, #tpu.memory_space<vmem>>) semaphore(%run_scoped3A_440 : memref<!tpu.dma_semaphore, #tpu.memory_space<semaphore_mem>>) {add = true}
        %dma_wait3A_450 = arith.constant 80 : i32
        %dma_wait3A_451 = arith.constant 0 : i32
        %dma_wait3A_452 = tpu.memref_slice %arg9[%dma_wait3A_450, %dma_wait3A_451] : memref<160x128xf32, #tpu.memory_space<vmem>> -> memref<80x128xf32, #tpu.memory_space<vmem>>
        %dma_wait3A_453 = arith.constant 0 : i32
        %dma_wait3A_454 = tpu.memref_slice %arg8[%run_scoped3A_439, %dma_wait3A_453] : memref<2x80xi32, #tpu.memory_space<vmem>> -> memref<1x80xi32, #tpu.memory_space<vmem>>
        %dma_wait3A_455 = tpu.memref_squeeze %dma_wait3A_454 : memref<1x80xi32, #tpu.memory_space<vmem>> -> memref<80xi32, #tpu.memory_space<vmem>>
        %dma_wait3A_456 = arith.constant 0 : i32
        %dma_wait3A_457 = arith.constant 0 : i32
        %dma_wait3A_458 = tpu.memref_slice %arg10[%dma_wait3A_456, %dma_wait3A_457] : memref<10000x128xf32, #tpu.memory_space<vmem_shared>> -> memref<10000x128xf32, #tpu.memory_space<vmem_shared>>
        tpu.wait_indirect_dma semaphore(%run_scoped3A_440 : memref<!tpu.dma_semaphore, #tpu.memory_space<semaphore_mem>>) src(%dma_wait3A_452 : memref<80x128xf32, #tpu.memory_space<vmem>>) dst(%dma_wait3A_458 : memref<10000x128xf32, #tpu.memory_space<vmem_shared>>)
        tpu.yield
      }) : () -> ()
    }
    %scan3A_150 = arith.constant 62 : i32
    %dma_wait3A = arith.constant 0 : i32
    %dma_wait3A_151 = arith.constant 0 : i32
    %dma_wait3A_152 = arith.constant 0 : i32
    %dma_wait3A_153 = tpu.memref_slice %arg9[%dma_wait3A_151, %dma_wait3A_152] : memref<160x128xf32, #tpu.memory_space<vmem>> -> memref<80x128xf32, #tpu.memory_space<vmem>>
    %dma_wait3A_154 = arith.constant 0 : i32
    %dma_wait3A_155 = tpu.memref_slice %arg7[%dma_wait3A, %dma_wait3A_154] : memref<2x80xi32, #tpu.memory_space<vmem>> -> memref<1x80xi32, #tpu.memory_space<vmem>>
    %dma_wait3A_156 = tpu.memref_squeeze %dma_wait3A_155 : memref<1x80xi32, #tpu.memory_space<vmem>> -> memref<80xi32, #tpu.memory_space<vmem>>
    %dma_wait3A_157 = arith.constant 0 : i32
    %dma_wait3A_158 = arith.constant 0 : i32
    %dma_wait3A_159 = tpu.memref_slice %arg2[%dma_wait3A_157, %dma_wait3A_158] : memref<10000x128xf32, #tpu.memory_space<hbm>> -> memref<10000x128xf32, #tpu.memory_space<hbm>>
    tpu.wait_indirect_dma semaphore(%arg11 : memref<!tpu.dma_semaphore, #tpu.memory_space<semaphore_mem>>) src(%dma_wait3A_159 : memref<10000x128xf32, #tpu.memory_space<hbm>>) dst(%dma_wait3A_153 : memref<80x128xf32, #tpu.memory_space<vmem>>)
    %run_scoped3A = arith.constant 0 : i32
    "tpu.region"() ({
      %run_scoped3A_171 = tpu.sem_alloc : memref<!tpu.dma_semaphore, #tpu.memory_space<semaphore_mem>>
      %dma_start3A_172 = arith.constant 0 : i32
      %dma_start3A_173 = arith.constant 0 : i32
      %dma_start3A_174 = tpu.memref_slice %arg9[%dma_start3A_172, %dma_start3A_173] : memref<160x128xf32, #tpu.memory_space<vmem>> -> memref<80x128xf32, #tpu.memory_space<vmem>>
      %dma_start3A_175 = arith.constant 0 : i32
      %dma_start3A_176 = tpu.memref_slice %arg8[%run_scoped3A, %dma_start3A_175] : memref<2x80xi32, #tpu.memory_space<vmem>> -> memref<1x80xi32, #tpu.memory_space<vmem>>
      %dma_start3A_177 = tpu.memref_squeeze %dma_start3A_176 : memref<1x80xi32, #tpu.memory_space<vmem>> -> memref<80xi32, #tpu.memory_space<vmem>>
      %dma_start3A_178 = arith.constant 0 : i32
      %dma_start3A_179 = arith.constant 0 : i32
      %dma_start3A_180 = tpu.memref_slice %arg10[%dma_start3A_178, %dma_start3A_179] : memref<10000x128xf32, #tpu.memory_space<vmem_shared>> -> memref<10000x128xf32, #tpu.memory_space<vmem_shared>>
      tpu.enqueue_indirect_dma source(%dma_start3A_174 : memref<80x128xf32, #tpu.memory_space<vmem>>) target(%dma_start3A_180 : memref<10000x128xf32, #tpu.memory_space<vmem_shared>>) offsets(%dma_start3A_177 : memref<80xi32, #tpu.memory_space<vmem>>) semaphore(%run_scoped3A_171 : memref<!tpu.dma_semaphore, #tpu.memory_space<semaphore_mem>>) {add = true}
      %dma_wait3A_181 = arith.constant 0 : i32
      %dma_wait3A_182 = arith.constant 0 : i32
      %dma_wait3A_183 = tpu.memref_slice %arg9[%dma_wait3A_181, %dma_wait3A_182] : memref<160x128xf32, #tpu.memory_space<vmem>> -> memref<80x128xf32, #tpu.memory_space<vmem>>
      %dma_wait3A_184 = arith.constant 0 : i32
      %dma_wait3A_185 = tpu.memref_slice %arg8[%run_scoped3A, %dma_wait3A_184] : memref<2x80xi32, #tpu.memory_space<vmem>> -> memref<1x80xi32, #tpu.memory_space<vmem>>
      %dma_wait3A_186 = tpu.memref_squeeze %dma_wait3A_185 : memref<1x80xi32, #tpu.memory_space<vmem>> -> memref<80xi32, #tpu.memory_space<vmem>>
      %dma_wait3A_187 = arith.constant 0 : i32
      %dma_wait3A_188 = arith.constant 0 : i32
      %dma_wait3A_189 = tpu.memref_slice %arg10[%dma_wait3A_187, %dma_wait3A_188] : memref<10000x128xf32, #tpu.memory_space<vmem_shared>> -> memref<10000x128xf32, #tpu.memory_space<vmem_shared>>
      tpu.wait_indirect_dma semaphore(%run_scoped3A_171 : memref<!tpu.dma_semaphore, #tpu.memory_space<semaphore_mem>>) src(%dma_wait3A_183 : memref<80x128xf32, #tpu.memory_space<vmem>>) dst(%dma_wait3A_189 : memref<10000x128xf32, #tpu.memory_space<vmem_shared>>)
      tpu.yield
    }) : () -> ()
    %barrier3A_160 = arith.constant 0 : index
    tpu.barrier barrier_id(%barrier3A_160)
    %lt3A_161 = arith.constant 15 : i32
    %lt3A_162 = arith.cmpi slt, %arg1, %lt3A_161 : i32
    %eq3A_163 = arith.constant 15 : i32
    %eq3A_164 = arith.cmpi eq, %arg1, %eq3A_163 : i32
    %convert_element_type3A_165 = arith.extui %lt3A_162 : i1 to i32
    %cond3A_166 = arith.constant 0 : i32
    %cond3A_167 = arith.cmpi ne, %convert_element_type3A_165, %cond3A_166 : i32
    scf.if %cond3A_167 {
      "tpu.region"() ({
        %run_scoped3A_171 = tpu.sem_alloc : memref<!tpu.dma_semaphore, #tpu.memory_space<semaphore_mem>>
        %dma_start3A_172 = arith.constant 0 : i32
        %dma_start3A_173 = tpu.memref_slice %arg5[%arg0, %mul3A_0, %dma_start3A_172] : memref<2x10000x128xf32, #tpu.memory_space<hbm>> -> memref<1x640x128xf32, #tpu.memory_space<hbm>>
        %dma_start3A_174 = tpu.memref_squeeze %dma_start3A_173 : memref<1x640x128xf32, #tpu.memory_space<hbm>> -> memref<640x128xf32, #tpu.memory_space<hbm>>
        %dma_start3A_175 = arith.constant 0 : i32
        %dma_start3A_176 = tpu.memref_slice %arg10[%mul3A_0, %dma_start3A_175] : memref<10000x128xf32, #tpu.memory_space<vmem_shared>> -> memref<640x128xf32, #tpu.memory_space<vmem_shared>>
        tpu.enqueue_dma source(%dma_start3A_176 : memref<640x128xf32, #tpu.memory_space<vmem_shared>>) target(%dma_start3A_174 : memref<640x128xf32, #tpu.memory_space<hbm>>) target_semaphore(%run_scoped3A_171 : memref<!tpu.dma_semaphore, #tpu.memory_space<semaphore_mem>>)
        %dma_wait3A_177 = arith.constant 0 : i32
        %dma_wait3A_178 = tpu.memref_slice %arg5[%arg0, %mul3A_0, %dma_wait3A_177] : memref<2x10000x128xf32, #tpu.memory_space<hbm>> -> memref<1x640x128xf32, #tpu.memory_space<hbm>>
        %dma_wait3A_179 = tpu.memref_squeeze %dma_wait3A_178 : memref<1x640x128xf32, #tpu.memory_space<hbm>> -> memref<640x128xf32, #tpu.memory_space<hbm>>
        %dma_wait3A_180 = arith.constant 0 : i32
        %dma_wait3A_181 = tpu.memref_slice %arg10[%mul3A_0, %dma_wait3A_180] : memref<10000x128xf32, #tpu.memory_space<vmem_shared>> -> memref<640x128xf32, #tpu.memory_space<vmem_shared>>
        tpu.wait_dma2 semaphore(%run_scoped3A_171 : memref<!tpu.dma_semaphore, #tpu.memory_space<semaphore_mem>>) src(%dma_wait3A_181 : memref<640x128xf32, #tpu.memory_space<vmem_shared>>) dst(%dma_wait3A_179 : memref<640x128xf32, #tpu.memory_space<hbm>>)
        tpu.yield
      }) : () -> ()
    } else {
    }
    %convert_element_type3A_168 = arith.extui %eq3A_164 : i1 to i32
    %cond3A_169 = arith.constant 0 : i32
    %cond3A_170 = arith.cmpi ne, %convert_element_type3A_168, %cond3A_169 : i32
    scf.if %cond3A_170 {
      "tpu.region"() ({
        %run_scoped3A_171 = tpu.sem_alloc : memref<!tpu.dma_semaphore, #tpu.memory_space<semaphore_mem>>
        %dma_start3A_172 = arith.constant 0 : i32
        %dma_start3A_173 = tpu.memref_slice %arg5[%arg0, %mul3A_0, %dma_start3A_172] : memref<2x10000x128xf32, #tpu.memory_space<hbm>> -> memref<1x400x128xf32, #tpu.memory_space<hbm>>
        %dma_start3A_174 = tpu.memref_squeeze %dma_start3A_173 : memref<1x400x128xf32, #tpu.memory_space<hbm>> -> memref<400x128xf32, #tpu.memory_space<hbm>>
        %dma_start3A_175 = arith.constant 0 : i32
        %dma_start3A_176 = tpu.memref_slice %arg10[%mul3A_0, %dma_start3A_175] : memref<10000x128xf32, #tpu.memory_space<vmem_shared>> -> memref<400x128xf32, #tpu.memory_space<vmem_shared>>
        tpu.enqueue_dma source(%dma_start3A_176 : memref<400x128xf32, #tpu.memory_space<vmem_shared>>) target(%dma_start3A_174 : memref<400x128xf32, #tpu.memory_space<hbm>>) target_semaphore(%run_scoped3A_171 : memref<!tpu.dma_semaphore, #tpu.memory_space<semaphore_mem>>)
        %dma_wait3A_177 = arith.constant 0 : i32
        %dma_wait3A_178 = tpu.memref_slice %arg5[%arg0, %mul3A_0, %dma_wait3A_177] : memref<2x10000x128xf32, #tpu.memory_space<hbm>> -> memref<1x400x128xf32, #tpu.memory_space<hbm>>
        %dma_wait3A_179 = tpu.memref_squeeze %dma_wait3A_178 : memref<1x400x128xf32, #tpu.memory_space<hbm>> -> memref<400x128xf32, #tpu.memory_space<hbm>>
        %dma_wait3A_180 = arith.constant 0 : i32
        %dma_wait3A_181 = tpu.memref_slice %arg10[%mul3A_0, %dma_wait3A_180] : memref<10000x128xf32, #tpu.memory_space<vmem_shared>> -> memref<400x128xf32, #tpu.memory_space<vmem_shared>>
        tpu.wait_dma2 semaphore(%run_scoped3A_171 : memref<!tpu.dma_semaphore, #tpu.memory_space<semaphore_mem>>) src(%dma_wait3A_181 : memref<400x128xf32, #tpu.memory_space<vmem_shared>>) dst(%dma_wait3A_179 : memref<400x128xf32, #tpu.memory_space<hbm>>)
        tpu.yield
      }) : () -> ()
    } else {
    }
    return
  }
}

module attributes {stable_mosaic.version = 14 : i64} {
  func.func @body(%arg0: i32, %arg1: memref<2x1000x128xf32, #tpu.memory_space<vmem>>, %arg2: memref<128x128xf32, #tpu.memory_space<vmem>>, %arg3: memref<1x128xf32, #tpu.memory_space<vmem>>, %arg4: memref<128x128xf32, #tpu.memory_space<vmem>>, %arg5: memref<1x128xf32, #tpu.memory_space<vmem>>, %arg6: memref<1x128xf32, #tpu.memory_space<vmem>>, %arg7: memref<1x128xf32, #tpu.memory_space<vmem>>, %arg8: memref<1000x128xf32, #tpu.memory_space<vmem>>) attributes {dimension_semantics = [#tpu.dimension_semantics<arbitrary>], iteration_bounds = array<i64: 10>, scalar_prefetch = 0 : i64, scratch_operands = 0 : i64, tpu.core_type = #tpu.core_type<tc>, window_params = [{transform_indices = @transform_0, window_bounds = array<i64: 2, 1000, 128>}, {pipeline_mode = #tpu.pipeline_mode<synchronous>, transform_indices = @transform_1, window_bounds = array<i64: 128, 128>}, {pipeline_mode = #tpu.pipeline_mode<synchronous>, transform_indices = @transform_2, window_bounds = array<i64: 1, 128>}, {pipeline_mode = #tpu.pipeline_mode<synchronous>, transform_indices = @transform_3, window_bounds = array<i64: 128, 128>}, {pipeline_mode = #tpu.pipeline_mode<synchronous>, transform_indices = @transform_4, window_bounds = array<i64: 1, 128>}, {pipeline_mode = #tpu.pipeline_mode<synchronous>, transform_indices = @transform_5, window_bounds = array<i64: 1, 128>}, {pipeline_mode = #tpu.pipeline_mode<synchronous>, transform_indices = @transform_6, window_bounds = array<i64: 1, 128>}, {transform_indices = @transform_7, window_bounds = array<i64: 1000, 128>}]} {
    %get3A = arith.constant 0 : index
    %get3A_0 = arith.constant 0 : index
    %get3A_1 = arith.constant 0 : index
    %get3A_2 = vector.load %arg1[%get3A, %get3A_0, %get3A_1] : memref<2x1000x128xf32, #tpu.memory_space<vmem>>, vector<1x1000x128xf32>
    %get3A_3 = vector.shape_cast %get3A_2 : vector<1x1000x128xf32> to vector<1000x128xf32>
    %get3A_4 = arith.constant 1 : index
    %get3A_5 = arith.constant 0 : index
    %get3A_6 = arith.constant 0 : index
    %get3A_7 = vector.load %arg1[%get3A_4, %get3A_5, %get3A_6] : memref<2x1000x128xf32, #tpu.memory_space<vmem>>, vector<1x1000x128xf32>
    %get3A_8 = vector.shape_cast %get3A_7 : vector<1x1000x128xf32> to vector<1000x128xf32>
    %add3A = arith.addf %get3A_3, %get3A_8 : vector<1000x128xf32>
    %get3A_9 = arith.constant 0 : index
    %get3A_10 = arith.constant 0 : index
    %get3A_11 = vector.load %arg2[%get3A_9, %get3A_10] : memref<128x128xf32, #tpu.memory_space<vmem>>, vector<128x128xf32>
    %dot_general3A = arith.constant dense<0.000000e+00> : vector<1000x128xf32>
    %dot_general3A_12 = tpu.matmul %add3A, %get3A_11, %dot_general3A {dimension_numbers = #tpu.dot_dimension_numbers<[1], [0], [0], [1], [0, 0, 1, 1], [], []>, transpose_lhs_hint = false} : vector<1000x128xf32>, vector<128x128xf32>, vector<1000x128xf32> -> vector<1000x128xf32>
    %get3A_13 = arith.constant 0 : index
    %get3A_14 = arith.constant 0 : index
    %get3A_15 = vector.load %arg3[%get3A_13, %get3A_14] : memref<1x128xf32, #tpu.memory_space<vmem>>, vector<1x128xf32>
    %add3A_16 = vector.broadcast %get3A_15 : vector<1x128xf32> to vector<1000x128xf32>
    %add3A_17 = arith.addf %dot_general3A_12, %add3A_16 : vector<1000x128xf32>
    %max3A = arith.constant 0.000000e+00 : f32
    %max3A_18 = vector.broadcast %max3A : f32 to vector<1000x128xf32>
    %max3A_19 = arith.maximumf %add3A_17, %max3A_18 : vector<1000x128xf32>
    %get3A_20 = arith.constant 0 : index
    %get3A_21 = arith.constant 0 : index
    %get3A_22 = vector.load %arg4[%get3A_20, %get3A_21] : memref<128x128xf32, #tpu.memory_space<vmem>>, vector<128x128xf32>
    %dot_general3A_23 = arith.constant dense<0.000000e+00> : vector<1000x128xf32>
    %dot_general3A_24 = tpu.matmul %max3A_19, %get3A_22, %dot_general3A_23 {dimension_numbers = #tpu.dot_dimension_numbers<[1], [0], [0], [1], [0, 0, 1, 1], [], []>, transpose_lhs_hint = false} : vector<1000x128xf32>, vector<128x128xf32>, vector<1000x128xf32> -> vector<1000x128xf32>
    %get3A_25 = arith.constant 0 : index
    %get3A_26 = arith.constant 0 : index
    %get3A_27 = vector.load %arg5[%get3A_25, %get3A_26] : memref<1x128xf32, #tpu.memory_space<vmem>>, vector<1x128xf32>
    %add3A_28 = vector.broadcast %get3A_27 : vector<1x128xf32> to vector<1000x128xf32>
    %add3A_29 = arith.addf %dot_general3A_24, %add3A_28 : vector<1000x128xf32>
    %max3A_30 = arith.constant 0.000000e+00 : f32
    %max3A_31 = vector.broadcast %max3A_30 : f32 to vector<1000x128xf32>
    %max3A_32 = arith.maximumf %add3A_29, %max3A_31 : vector<1000x128xf32>
    %get3A_33 = arith.constant 0 : index
    %get3A_34 = arith.constant 0 : index
    %get3A_35 = vector.load %arg6[%get3A_33, %get3A_34] : memref<1x128xf32, #tpu.memory_space<vmem>>, vector<1x128xf32>
    %mul3A = vector.broadcast %get3A_35 : vector<1x128xf32> to vector<1000x128xf32>
    %mul3A_36 = arith.mulf %max3A_32, %mul3A : vector<1000x128xf32>
    %get3A_37 = arith.constant 0 : index
    %get3A_38 = arith.constant 0 : index
    %get3A_39 = vector.load %arg7[%get3A_37, %get3A_38] : memref<1x128xf32, #tpu.memory_space<vmem>>, vector<1x128xf32>
    %add3A_40 = vector.broadcast %get3A_39 : vector<1x128xf32> to vector<1000x128xf32>
    %add3A_41 = arith.addf %mul3A_36, %add3A_40 : vector<1000x128xf32>
    %swap3A = arith.constant 0 : index
    %swap3A_42 = arith.constant 0 : index
    %swap3A_43 = vector.load %arg8[%swap3A, %swap3A_42] : memref<1000x128xf32, #tpu.memory_space<vmem>>, vector<1000x128xf32>
    tpu.vector_store %arg8[%swap3A, %swap3A_42], %add3A_41 {strides = array<i32>} : memref<1000x128xf32, #tpu.memory_space<vmem>>, vector<1000x128xf32>,
    return
  }
  func.func @transform_0(%arg0: i32) -> (i32, i32, i32) {
    %c0_i32 = arith.constant 0 : i32
    %c0_i32_0 = arith.constant 0 : i32
    %c0_i32_1 = arith.constant 0 : i32
    return %c0_i32, %arg0, %c0_i32_0 : i32, i32, i32
  }
  func.func @transform_1(%arg0: i32) -> (i32, i32) {
    %c0_i32 = arith.constant 0 : i32
    %c0_i32_0 = arith.constant 0 : i32
    %c0_i32_1 = arith.constant 0 : i32
    return %c0_i32, %c0_i32_0 : i32, i32
  }
  func.func @transform_2(%arg0: i32) -> (i32, i32) {
    %c0_i32 = arith.constant 0 : i32
    %c0_i32_0 = arith.constant 0 : i32
    %c0_i32_1 = arith.constant 0 : i32
    return %c0_i32, %c0_i32_0 : i32, i32
  }
  func.func @transform_3(%arg0: i32) -> (i32, i32) {
    %c0_i32 = arith.constant 0 : i32
    %c0_i32_0 = arith.constant 0 : i32
    %c0_i32_1 = arith.constant 0 : i32
    return %c0_i32, %c0_i32_0 : i32, i32
  }
  func.func @transform_4(%arg0: i32) -> (i32, i32) {
    %c0_i32 = arith.constant 0 : i32
    %c0_i32_0 = arith.constant 0 : i32
    %c0_i32_1 = arith.constant 0 : i32
    return %c0_i32, %c0_i32_0 : i32, i32
  }
  func.func @transform_5(%arg0: i32) -> (i32, i32) {
    %c0_i32 = arith.constant 0 : i32
    %c0_i32_0 = arith.constant 0 : i32
    %c0_i32_1 = arith.constant 0 : i32
    return %c0_i32, %c0_i32_0 : i32, i32
  }
  func.func @transform_6(%arg0: i32) -> (i32, i32) {
    %c0_i32 = arith.constant 0 : i32
    %c0_i32_0 = arith.constant 0 : i32
    %c0_i32_1 = arith.constant 0 : i32
    return %c0_i32, %c0_i32_0 : i32, i32
  }
  func.func @transform_7(%arg0: i32) -> (i32, i32) {
    %c0_i32 = arith.constant 0 : i32
    %c0_i32_0 = arith.constant 0 : i32
    return %arg0, %c0_i32 : i32, i32
  }
}

module attributes {stable_mosaic.version = 14 : i64} {
  func.func @body(%arg0: i32, %arg1: memref<2x1000x128xf32, #tpu.memory_space<vmem>>, %arg2: memref<128x128xf32, #tpu.memory_space<vmem>>, %arg3: memref<1x128xf32, #tpu.memory_space<vmem>>, %arg4: memref<128x128xf32, #tpu.memory_space<vmem>>, %arg5: memref<1x128xf32, #tpu.memory_space<vmem>>, %arg6: memref<1x128xf32, #tpu.memory_space<vmem>>, %arg7: memref<1x128xf32, #tpu.memory_space<vmem>>, %arg8: memref<128x3xf32, #tpu.memory_space<vmem>>, %arg9: memref<1x3xf32, #tpu.memory_space<vmem>>, %arg10: memref<1x10x3xf32, #tpu.memory_space<vmem>>) attributes {dimension_semantics = [#tpu.dimension_semantics<arbitrary>], iteration_bounds = array<i64: 10>, scalar_prefetch = 0 : i64, scratch_operands = 0 : i64, tpu.core_type = #tpu.core_type<tc>, window_params = [{transform_indices = @transform_0, window_bounds = array<i64: 2, 1000, 128>}, {pipeline_mode = #tpu.pipeline_mode<synchronous>, transform_indices = @transform_1, window_bounds = array<i64: 128, 128>}, {pipeline_mode = #tpu.pipeline_mode<synchronous>, transform_indices = @transform_2, window_bounds = array<i64: 1, 128>}, {pipeline_mode = #tpu.pipeline_mode<synchronous>, transform_indices = @transform_3, window_bounds = array<i64: 128, 128>}, {pipeline_mode = #tpu.pipeline_mode<synchronous>, transform_indices = @transform_4, window_bounds = array<i64: 1, 128>}, {pipeline_mode = #tpu.pipeline_mode<synchronous>, transform_indices = @transform_5, window_bounds = array<i64: 1, 128>}, {pipeline_mode = #tpu.pipeline_mode<synchronous>, transform_indices = @transform_6, window_bounds = array<i64: 1, 128>}, {pipeline_mode = #tpu.pipeline_mode<synchronous>, transform_indices = @transform_7, window_bounds = array<i64: 128, 3>}, {pipeline_mode = #tpu.pipeline_mode<synchronous>, transform_indices = @transform_8, window_bounds = array<i64: 1, 3>}, {transform_indices = @transform_9, window_bounds = array<i64: 1, 10, 3>}]} {
    %get3A = arith.constant 0 : index
    %get3A_0 = arith.constant 0 : index
    %get3A_1 = arith.constant 0 : index
    %get3A_2 = vector.load %arg1[%get3A, %get3A_0, %get3A_1] : memref<2x1000x128xf32, #tpu.memory_space<vmem>>, vector<1x1000x128xf32>
    %get3A_3 = vector.shape_cast %get3A_2 : vector<1x1000x128xf32> to vector<1000x128xf32>
    %get3A_4 = arith.constant 1 : index
    %get3A_5 = arith.constant 0 : index
    %get3A_6 = arith.constant 0 : index
    %get3A_7 = vector.load %arg1[%get3A_4, %get3A_5, %get3A_6] : memref<2x1000x128xf32, #tpu.memory_space<vmem>>, vector<1x1000x128xf32>
    %get3A_8 = vector.shape_cast %get3A_7 : vector<1x1000x128xf32> to vector<1000x128xf32>
    %add3A = arith.addf %get3A_3, %get3A_8 : vector<1000x128xf32>
    %get3A_9 = arith.constant 0 : index
    %get3A_10 = arith.constant 0 : index
    %get3A_11 = vector.load %arg2[%get3A_9, %get3A_10] : memref<128x128xf32, #tpu.memory_space<vmem>>, vector<128x128xf32>
    %dot_general3A = arith.constant dense<0.000000e+00> : vector<1000x128xf32>
    %dot_general3A_12 = tpu.matmul %add3A, %get3A_11, %dot_general3A {dimension_numbers = #tpu.dot_dimension_numbers<[1], [0], [0], [1], [0, 0, 1, 1], [], []>, transpose_lhs_hint = false} : vector<1000x128xf32>, vector<128x128xf32>, vector<1000x128xf32> -> vector<1000x128xf32>
    %get3A_13 = arith.constant 0 : index
    %get3A_14 = arith.constant 0 : index
    %get3A_15 = vector.load %arg3[%get3A_13, %get3A_14] : memref<1x128xf32, #tpu.memory_space<vmem>>, vector<1x128xf32>
    %add3A_16 = vector.broadcast %get3A_15 : vector<1x128xf32> to vector<1000x128xf32>
    %add3A_17 = arith.addf %dot_general3A_12, %add3A_16 : vector<1000x128xf32>
    %max3A = arith.constant 0.000000e+00 : f32
    %max3A_18 = vector.broadcast %max3A : f32 to vector<1000x128xf32>
    %max3A_19 = arith.maximumf %add3A_17, %max3A_18 : vector<1000x128xf32>
    %get3A_20 = arith.constant 0 : index
    %get3A_21 = arith.constant 0 : index
    %get3A_22 = vector.load %arg4[%get3A_20, %get3A_21] : memref<128x128xf32, #tpu.memory_space<vmem>>, vector<128x128xf32>
    %dot_general3A_23 = arith.constant dense<0.000000e+00> : vector<1000x128xf32>
    %dot_general3A_24 = tpu.matmul %max3A_19, %get3A_22, %dot_general3A_23 {dimension_numbers = #tpu.dot_dimension_numbers<[1], [0], [0], [1], [0, 0, 1, 1], [], []>, transpose_lhs_hint = false} : vector<1000x128xf32>, vector<128x128xf32>, vector<1000x128xf32> -> vector<1000x128xf32>
    %get3A_25 = arith.constant 0 : index
    %get3A_26 = arith.constant 0 : index
    %get3A_27 = vector.load %arg5[%get3A_25, %get3A_26] : memref<1x128xf32, #tpu.memory_space<vmem>>, vector<1x128xf32>
    %add3A_28 = vector.broadcast %get3A_27 : vector<1x128xf32> to vector<1000x128xf32>
    %add3A_29 = arith.addf %dot_general3A_24, %add3A_28 : vector<1000x128xf32>
    %max3A_30 = arith.constant 0.000000e+00 : f32
    %max3A_31 = vector.broadcast %max3A_30 : f32 to vector<1000x128xf32>
    %max3A_32 = arith.maximumf %add3A_29, %max3A_31 : vector<1000x128xf32>
    %get3A_33 = arith.constant 0 : index
    %get3A_34 = arith.constant 0 : index
    %get3A_35 = vector.load %arg6[%get3A_33, %get3A_34] : memref<1x128xf32, #tpu.memory_space<vmem>>, vector<1x128xf32>
    %mul3A = vector.broadcast %get3A_35 : vector<1x128xf32> to vector<1000x128xf32>
    %mul3A_36 = arith.mulf %max3A_32, %mul3A : vector<1000x128xf32>
    %get3A_37 = arith.constant 0 : index
    %get3A_38 = arith.constant 0 : index
    %get3A_39 = vector.load %arg7[%get3A_37, %get3A_38] : memref<1x128xf32, #tpu.memory_space<vmem>>, vector<1x128xf32>
    %add3A_40 = vector.broadcast %get3A_39 : vector<1x128xf32> to vector<1000x128xf32>
    %add3A_41 = arith.addf %mul3A_36, %add3A_40 : vector<1000x128xf32>
    %iota3A = tpu.iota {dimensions = array<i32: 0>} : vector<10x1000xi32>
    %iota3A_42 = tpu.iota {dimensions = array<i32: 1>} : vector<10x1000xi32>
    %jit3A = arith.constant 100 : i32
    %div3A = vector.broadcast %jit3A : i32 to vector<10x1000xi32>
    %div3A_43 = arith.divsi %iota3A_42, %div3A : vector<10x1000xi32>
    %sign3A = arith.constant 0 : i32
    %sign3A_44 = vector.broadcast %sign3A : i32 to vector<10x1000xi32>
    %sign3A_45 = arith.cmpi sgt, %iota3A_42, %sign3A_44 : vector<10x1000xi32>
    %sign3A_46 = arith.extui %sign3A_45 : vector<10x1000xi1> to vector<10x1000xi32>
    %sign3A_47 = arith.constant 0 : i32
    %sign3A_48 = vector.broadcast %sign3A_47 : i32 to vector<10x1000xi32>
    %sign3A_49 = arith.cmpi slt, %iota3A_42, %sign3A_48 : vector<10x1000xi32>
    %sign3A_50 = arith.extui %sign3A_49 : vector<10x1000xi1> to vector<10x1000xi32>
    %sign3A_51 = arith.subi %sign3A_46, %sign3A_50 : vector<10x1000xi32>
    %sign3A_52 = arith.constant 0 : i32
    %sign3A_53 = arith.cmpi sgt, %jit3A, %sign3A_52 : i32
    %sign3A_54 = arith.extui %sign3A_53 : i1 to i32
    %sign3A_55 = arith.constant 0 : i32
    %sign3A_56 = arith.cmpi slt, %jit3A, %sign3A_55 : i32
    %sign3A_57 = arith.extui %sign3A_56 : i1 to i32
    %sign3A_58 = arith.subi %sign3A_54, %sign3A_57 : i32
    %ne3A = vector.broadcast %sign3A_58 : i32 to vector<10x1000xi32>
    %ne3A_59 = arith.cmpi ne, %sign3A_51, %ne3A : vector<10x1000xi32>
    %rem3A = vector.broadcast %jit3A : i32 to vector<10x1000xi32>
    %rem3A_60 = arith.remsi %iota3A_42, %rem3A : vector<10x1000xi32>
    %ne3A_61 = arith.constant 0 : i32
    %ne3A_62 = vector.broadcast %ne3A_61 : i32 to vector<10x1000xi32>
    %ne3A_63 = arith.cmpi ne, %rem3A_60, %ne3A_62 : vector<10x1000xi32>
    %and3A = arith.andi %ne3A_59, %ne3A_63 : vector<10x1000xi1>
    %sub3A = arith.constant 1 : i32
    %sub3A_64 = vector.broadcast %sub3A : i32 to vector<10x1000xi32>
    %sub3A_65 = arith.subi %div3A_43, %sub3A_64 : vector<10x1000xi32>
    %select_n3A = arith.select %and3A, %sub3A_65, %div3A_43 : vector<10x1000xi1>, vector<10x1000xi32>
    %eq3A = arith.cmpi eq, %iota3A, %select_n3A : vector<10x1000xi32>
    %convert_element_type3A = arith.extui %eq3A : vector<10x1000xi1> to vector<10x1000xi32>
    %convert_element_type3A_66 = arith.sitofp %convert_element_type3A : vector<10x1000xi32> to vector<10x1000xf32>
    %dot_general3A_67 = arith.constant dense<0.000000e+00> : vector<10x128xf32>
    %dot_general3A_68 = tpu.matmul %convert_element_type3A_66, %add3A_41, %dot_general3A_67 {dimension_numbers = #tpu.dot_dimension_numbers<[1], [0], [0], [1], [0, 0, 1, 1], [], []>, transpose_lhs_hint = false} : vector<10x1000xf32>, vector<1000x128xf32>, vector<10x128xf32> -> vector<10x128xf32>
    %get3A_69 = arith.constant 0 : index
    %get3A_70 = arith.constant 0 : index
    %get3A_71 = vector.load %arg8[%get3A_69, %get3A_70] : memref<128x3xf32, #tpu.memory_space<vmem>>, vector<128x3xf32>
    %dot_general3A_72 = arith.constant dense<0.000000e+00> : vector<10x3xf32>
    %dot_general3A_73 = tpu.matmul %dot_general3A_68, %get3A_71, %dot_general3A_72 {dimension_numbers = #tpu.dot_dimension_numbers<[1], [0], [0], [1], [0, 0, 1, 1], [], []>, transpose_lhs_hint = false} : vector<10x128xf32>, vector<128x3xf32>, vector<10x3xf32> -> vector<10x3xf32>
    %get3A_74 = arith.constant 0 : index
    %get3A_75 = arith.constant 0 : index
    %get3A_76 = vector.load %arg9[%get3A_74, %get3A_75] : memref<1x3xf32, #tpu.memory_space<vmem>>, vector<1x3xf32>
    %add3A_77 = vector.broadcast %get3A_76 : vector<1x3xf32> to vector<10x3xf32>
    %add3A_78 = arith.addf %dot_general3A_73, %add3A_77 : vector<10x3xf32>
    %swap3A = arith.constant 0 : index
    %swap3A_79 = arith.constant 0 : index
    %swap3A_80 = arith.constant 0 : index
    %swap3A_81 = vector.load %arg10[%swap3A, %swap3A_79, %swap3A_80] : memref<1x10x3xf32, #tpu.memory_space<vmem>>, vector<1x10x3xf32>
    %swap3A_82 = vector.shape_cast %swap3A_81 : vector<1x10x3xf32> to vector<10x3xf32>
    %swap3A_83 = vector.shape_cast %add3A_78 : vector<10x3xf32> to vector<1x10x3xf32>
    tpu.vector_store %arg10[%swap3A, %swap3A_79, %swap3A_80], %swap3A_83 {strides = array<i32>} : memref<1x10x3xf32, #tpu.memory_space<vmem>>, vector<1x10x3xf32>,
    return
  }
  func.func @transform_0(%arg0: i32) -> (i32, i32, i32) {
    %c0_i32 = arith.constant 0 : i32
    %c0_i32_0 = arith.constant 0 : i32
    %c0_i32_1 = arith.constant 0 : i32
    return %c0_i32, %arg0, %c0_i32_0 : i32, i32, i32
  }
  func.func @transform_1(%arg0: i32) -> (i32, i32) {
    %c0_i32 = arith.constant 0 : i32
    %c0_i32_0 = arith.constant 0 : i32
    %c0_i32_1 = arith.constant 0 : i32
    return %c0_i32, %c0_i32_0 : i32, i32
  }
  func.func @transform_2(%arg0: i32) -> (i32, i32) {
    %c0_i32 = arith.constant 0 : i32
    %c0_i32_0 = arith.constant 0 : i32
    %c0_i32_1 = arith.constant 0 : i32
    return %c0_i32, %c0_i32_0 : i32, i32
  }
  func.func @transform_3(%arg0: i32) -> (i32, i32) {
    %c0_i32 = arith.constant 0 : i32
    %c0_i32_0 = arith.constant 0 : i32
    %c0_i32_1 = arith.constant 0 : i32
    return %c0_i32, %c0_i32_0 : i32, i32
  }
  func.func @transform_4(%arg0: i32) -> (i32, i32) {
    %c0_i32 = arith.constant 0 : i32
    %c0_i32_0 = arith.constant 0 : i32
    %c0_i32_1 = arith.constant 0 : i32
    return %c0_i32, %c0_i32_0 : i32, i32
  }
  func.func @transform_5(%arg0: i32) -> (i32, i32) {
    %c0_i32 = arith.constant 0 : i32
    %c0_i32_0 = arith.constant 0 : i32
    %c0_i32_1 = arith.constant 0 : i32
    return %c0_i32, %c0_i32_0 : i32, i32
  }
  func.func @transform_6(%arg0: i32) -> (i32, i32) {
    %c0_i32 = arith.constant 0 : i32
    %c0_i32_0 = arith.constant 0 : i32
    %c0_i32_1 = arith.constant 0 : i32
    return %c0_i32, %c0_i32_0 : i32, i32
  }
  func.func @transform_7(%arg0: i32) -> (i32, i32) {
    %c0_i32 = arith.constant 0 : i32
    %c0_i32_0 = arith.constant 0 : i32
    %c0_i32_1 = arith.constant 0 : i32
    return %c0_i32, %c0_i32_0 : i32, i32
  }
  func.func @transform_8(%arg0: i32) -> (i32, i32) {
    %c0_i32 = arith.constant 0 : i32
    %c0_i32_0 = arith.constant 0 : i32
    %c0_i32_1 = arith.constant 0 : i32
    return %c0_i32, %c0_i32_0 : i32, i32
  }
  func.func @transform_9(%arg0: i32) -> (i32, i32, i32) {
    %c0_i32 = arith.constant 0 : i32
    %c0_i32_0 = arith.constant 0 : i32
    %c0_i32_1 = arith.constant 0 : i32
    return %arg0, %c0_i32, %c0_i32_0 : i32, i32, i32
  }
}

</mosaic_0001>

<sc_bundles>
// kernel: kernel.11.cloned.1.call-start
scs
__scs_entry_jumppad:
0x0: {  	(pc) =	sbr.rel $0x88, $3  }
0x1: {  	(tag) =	ssettag $0x0;
	lr =	simm.s32 $0x1  }
0x2: {  	[smem:$0x3F8B] =	sst lr;
	_ =	strace $0xD0000000  }
0x3: {  	_ = 	snop  }
0x4: {  	_ = 	snop  }
0x5: {  	_ = 	snop  }
0x6: {  	_ = 	snop  }
0x7: {  	_ = 	snop  }
__scs_overlays_trampoline_lowered:
0x8: {  	[smem:$0x3F9A] =	sst s0  }
0x9: {  	[smem:$0x3F9B] =	sst s1  }
0xa: {  	[smem:$0x3F9C] =	sst s2  }
0xb: {  	[smem:$0x3F9D] =	sst s3  }
0xc: {  	[smem:$0x3F9E] =	sst s4  }
0xd: {  	[smem:$0x3F9F] =	sst s5  }
0xe: {  	[smem:$0x3FA0] =	sst s6  }
0xf: {  	[smem:$0x3FA1] =	sst s7  }
0x10: {  	[smem:$0x3FA2] =	sst s8  }
0x11: {  	[smem:$0x3FA3] =	sst s9;
	s0 =	simm.s32 @!p0 $0x0  }
0x12: {  	s1 =	sld [smem:$0x3F89];
	s0 =	simm.s32 @p0 $0x1  }
0x13: {  	[smem:$0x3FA4] =	sst s0;
	s0 =	simm.s32 @!p1 $0x0  }
0x14: {  	s2 =	sld [smem:$0x3F88];
	s0 =	simm.s32 @p1 $0x1  }
0x15: {  	[smem:$0x3FA5] =	sst s0;
	s0 =	simm.s32 @!p2 $0x0  }
0x16: {  	s3 =	sld [smem:$0x3FDB];
	s0 =	simm.s32 @p2 $0x1  }
0x17: {  	s4 =	simm.s32 $0x1BF5;
	[smem:$0x3FA7] =	sst s0  }
0x18: {  	s0 =	sld [smem:$0x3F8A];
	_ =	swait.ge [sflag:s4], $0x0  }
0x19: {  	s7 =	sld [smem:$0x3F8B]  }
0x1a: {  	s8 =	sadd.s32 $0xFFFFE003, lr  }
0x1b: {  	s9 =	sadd.s32 $0xFFFFFEF7, lr;
	s5 =	simm.s32 $0xFFFFFFFF;
	p2 =	slt.u32 s8, $0xFFFFF086  }
0x1c: {  	p1 =	slt.u32 s9, $0xF7A;
	s5 =	simm.s32 @!p2 $0x0  }
0x1d: {  	s5 =	simm.s32 @p1 $0x1;
	p0 =	seq.s32 s7, s2  }
0x1e: {  	s7 =	smul.u32 @!p0 $0xF7A, s2;
	p2 =	seq.s32 @!p0 s5, $0x0  }
0x1f: {  	s9 =	smul.u32 $0xF7A, s1;
	s8 =	simm.s32 @!p0 $0x1BF5;
	p2 =	por !p2, p0  }
0x20: {  	[sflag:s8] =	ssyncset.s32 @!p0 $0xFFFFF086;
	s6 =	sadd.s32 @!p0 s3, s7;
	s7 =	simm.s32 @!p0 $0x108  }
0x21: {  	s3 =	sadd.s32 s3, s9;
	s6 =	sadd.s32 @!p0 $0x88, s6;
	s7 =	simm.s32 @p2 $0x1082  }
0x22: {  	[simem:s7], [sflag:s8] =	dma.local @!p0 [hbm:s6], $0xF7A  }
0x23: {  	s9 =	sor.u32 $0xD0000000, s2;
	s6 =	simm.s32 $0x108;
	_ =	swait.ge @!p0 [sflag:s8], $0x0  }
0x24: {  	s3 =	sadd.s32 $0x88, s3;
	s6 =	simm.s32 @!p1 $0x1082;
	[sflag:s4] =	ssyncset.s32 $0xFFFFF086  }
0x25: {  	[simem:s6], [sflag:s4] =	dma.local [hbm:s3], $0xF7A  }
0x26: {  	[smem:$0x3F8B] =	sst s1;
	(tag) =	ssettag s2;
	_ =	strace s9  }
0x27: {  	s1 =	sld [smem:$0x3F9B]  }
0x28: {  	s2 =	sld [smem:$0x3F9C]  }
0x29: {  	s4 =	sld [smem:$0x3F9E]  }
0x2a: {  	p0 =	seq.s32 s5, $0x0;
	s5 =	sld [smem:$0x3F9F]  }
0x2b: {  	s6 =	sld [smem:$0x3FA0]  }
0x2c: {  	s7 =	sld [smem:$0x3FA1]  }
0x2d: {  	s3 =	simm.s32 $0x108;
	s8 =	sld [smem:$0x3FA2]  }
0x2e: {  	s3 =	simm.s32 @!p0 $0x1082;
	s9 =	sld [smem:$0x3FA3]  }
0x2f: {  	lr =	sadd.s32 s0, s3;
	s0 =	sld [smem:$0x3F9A]  }
0x30: {  	s3 =	sld [smem:$0x3F9D]  }
0x31: {  	[smem:$0x3FA6] =	sst s10  }
0x32: {  	s10 =	sld [smem:$0x3FA4];
	_ =	sdelay $0x3  }
0x33: {  	p0 =	seq.s32 s10, $0x1;
	s10 =	sld [smem:$0x3FA6];
	_ =	sdelay $0x3  }
0x34: {  	[smem:$0x3FA6] =	sst s10  }
0x35: {  	s10 =	sld [smem:$0x3FA5];
	_ =	sdelay $0x3  }
0x36: {  	p1 =	seq.s32 s10, $0x1;
	s10 =	sld [smem:$0x3FA6];
	_ =	sdelay $0x3  }
0x37: {  	[smem:$0x3FA6] =	sst s10  }
0x38: {  	s10 =	sld [smem:$0x3FA7]  }
0x39: {  	_ = 	snop;
	(pc) =	sbr.ind lr, $3  }
0x3a: {  	_ = 	snop  }
0x3b: {  	_ = 	snop  }
0x3c: {  	p2 =	seq.s32 s10, $0x1;
	s10 =	sld [smem:$0x3FA6]  }
0x3d: {  	_ =	shalt  }
0x3e: {  	_ =	shalt  }
0x3f: {  	_ =	shalt  }
0x40: {  	_ =	shalt  }
0x41: {  	_ =	shalt  }
0x42: {  	_ =	shalt  }
0x43: {  	_ =	shalt  }
0x44: {  	_ =	shalt  }
0x45: {  	_ =	shalt  }
0x46: {  	_ =	shalt  }
0x47: {  	_ =	shalt  }
0x48: {  	_ =	shalt  }
0x49: {  	_ =	shalt  }
0x4a: {  	_ =	shalt  }
0x4b: {  	_ =	shalt  }
0x4c: {  	_ =	shalt  }
0x4d: {  	_ =	shalt  }
0x4e: {  	_ =	shalt  }
0x4f: {  	_ =	shalt  }
0x50: {  	_ =	shalt  }
0x51: {  	_ =	shalt  }
0x52: {  	_ =	shalt  }
0x53: {  	_ =	shalt  }
0x54: {  	_ =	shalt  }
0x55: {  	_ =	shalt  }
0x56: {  	_ =	shalt  }
0x57: {  	_ =	shalt  }
0x58: {  	_ =	shalt  }
0x59: {  	_ =	shalt  }
0x5a: {  	_ =	shalt  }
0x5b: {  	_ =	shalt  }
0x5c: {  	_ =	shalt  }
0x5d: {  	_ =	shalt  }
0x5e: {  	_ =	shalt  }
0x5f: {  	_ =	shalt  }
0x60: {  	_ =	shalt  }
0x61: {  	_ =	shalt  }
0x62: {  	_ =	shalt  }
0x63: {  	_ =	shalt  }
0x64: {  	_ =	shalt  }
0x65: {  	_ =	shalt  }
0x66: {  	_ =	shalt  }
0x67: {  	_ =	shalt  }
0x68: {  	_ =	shalt  }
0x69: {  	_ =	shalt  }
0x6a: {  	_ =	shalt  }
0x6b: {  	_ =	shalt  }
0x6c: {  	_ =	shalt  }
0x6d: {  	_ =	shalt  }
0x6e: {  	_ =	shalt  }
0x6f: {  	_ =	shalt  }
0x70: {  	_ =	shalt  }
0x71: {  	_ =	shalt  }
0x72: {  	_ =	shalt  }
0x73: {  	_ =	shalt  }
0x74: {  	_ =	shalt  }
0x75: {  	_ =	shalt  }
0x76: {  	_ =	shalt  }
0x77: {  	_ =	shalt  }
0x78: {  	_ =	shalt  }
0x79: {  	_ =	shalt  }
0x7a: {  	_ =	shalt  }
0x7b: {  	_ =	shalt  }
0x7c: {  	_ =	shalt  }
0x7d: {  	_ =	shalt  }
0x7e: {  	_ =	shalt  }
0x7f: {  	_ =	shalt  }
0x80: {  	_ =	shalt  }
0x81: {  	_ =	shalt  }
0x82: {  	_ =	shalt  }
0x83: {  	_ =	shalt  }
0x84: {  	_ =	shalt  }
0x85: {  	_ =	shalt  }
0x86: {  	_ =	shalt  }
0x87: {  	_ =	shalt  }
.Lfunc_end0:
.L_simem_size_0:
called_computation.1_lowered:
.L_overlay_start_0:
0x88: {  	s2 =	sld [smem:$0x3FD9]  }
0x89: {  	s3 =	sld [smem:$0x3FFE];
	_ =	sdelay $0x1  }
0x8a: {  	s1 =	srdreg.scid  }
0x8b: {  	s0 =	sand.u32 $0x1, s1  }
0x8c: {  	s16 =	sshll.u32 s0, $0xA;
	s2 =	sadd.s32 s3, s2  }
0x8d: {  	s2 =	sadd.s32 s2, s16  }
0x8e: {  	[smem:$0x3FB2] =	sst s2  }
0x8f: {  	_ = 	snop  }
0x90: {  	(tm) =	ssettm $0x1  }
0x91: {  	s17 =	sld [smem:$0x3FFB];
	_ =	sdelay $0x3  }
0x92: {  	_ =	strace s17  }
0x93: {  	s2 =	sld [smem:$0x3FFC];
	_ =	sdelay $0x3  }
0x94: {  	_ =	strace s2  }
0x95: {  	s2 =	sld [smem:$0x3FFD];
	_ =	sdelay $0x3  }
0x96: {  	_ =	strace s2  }
0x97: {  	_ =	strace $0x8FFFFFFF  }
0x98: {  	s18 =	sld [smem:$0x3FDB];
	_ =	sdelay $0x1  }
0x99: {  	s19 =	simm.s32 $_scs_section_size  }
0x9a: {  	s4 =	simm.s32 $_size__tile_overlayer_lowered;
	s5 =	simm.s32 $_tile_overlayer_lowered  }
0x9b: {  	s22 =	simm.s32 $0x1BFF;
	s21 =	sshll.u32 s5, $0x1;
	s2 =	sadd.s32 s19, s18  }
0x9c: {  	s6 =	simm.s32 $0x0;
	s20 =	sshll.u32 s4, $0x1;
	s4 =	sadd.s32 s21, s2  }
0x9d: {  	[timem:s6], [sflag:s22] =	dma.local [hbm:s4], s20  }
0x9e: {  	_ =	swait.ge [sflag:s22], s20  }
0x9f: {  	s3 =	ssub.s32 $0x0, s20;
	[sflag:s22] =	ssyncset.done $0x0  }
0xa0: {  	[sflag:s22] =	ssyncadd.s32 s3;
	_ =	sdelay $0x1  }
0xa1: {  	s23 =	simm.s32 $0x1B8B  }
0xa2: {  	_ =	swait.ge [sflag:s23], $0x1  }
0xa3: {  	[sflag:s23] =	ssyncset.done $0x0  }
0xa4: {  	s25 =	simm.s32 $0x1B8E;
	s24 =	sld [smem:$0x3FFE];
	[sflag:s23] =	ssyncadd.s32 $0xFFFFFFFF  }
0xa5: {  	s26 =	simm.s32 $execute0_lowered;
	[smem:$0x3FD2] =	sst s25  }
0xa6: {  	s4 =	sshll.u32 s26, $0x1;
	_ =	strace $0x80000049;
	[dreg:$0x1] =	wrdreg $0xFFFFFFFF  }
0xa7: {  	s28 =	simm.s32 $_size_execute0_lowered;
	s2 =	sadd.s32 s2, s4;
	[dreg:$0x0] =	wrdreg $0x0  }
0xa8: {  	s4 =	sshll.u32 s28, $0x1;
	[dreg:$0x2] =	wrdreg s2  }
0xa9: {  	[dreg:$0x3] =	wrdreg s4  }
0xaa: {  	[dreg:$0x4] =	wrdreg $0xC0  }
0xab: {  	_ =	task [dreg:s6], $0x5FFFF  }
0xac: {  	[dreg:$0x1] =	wrdreg $0xFFFFFFFF  }
0xad: {  	[dreg:$0x0] =	wrdreg $0x60  }
0xae: {  	[dreg:$0x2] =	wrdreg s24  }
0xaf: {  	[dreg:$0x3] =	wrdreg $0x92000  }
0xb0: {  	[dreg:$0x4] =	wrdreg $0x9  }
0xb1: {  	_ =	task.clear_ibuf [dreg:s6], $0x5FFFF;
	_ =	strace $0x90000049  }
0xb2: {  	s29 =	simm.s32 $0x9;
	_ =	strace $0x8000004B  }
0xb3: {  	_ =	swait.ge [sflag:s29], $0x1  }
0xb4: {  	[sflag:s29] =	ssyncadd.s32 $0xFFFFFFFF  }
0xb5: {  	_ =	strace $0x9000004B  }
0xb6: {  	_ =	sfence  }
0xb7: {  	s30 =	sld [smem:$0x0];
	_ =	sdelay $0x2  }
0xb8: {  	s31 =	sshll.u32 s1, $0xD;
	s1 =	sshrl.u32 s1, $0x2  }
0xb9: {  	s3 =	sand.u32 $0x4000, s31;
	s1 =	sadd.s32 s1, s30  }
0xba: {  	s0 =	sor.u32 s3, s0;
	s1 =	sshll.u32 s1, $0x11  }
0xbb: {  	s0 =	sor.u32 s1, s0  }
0xbc: {  	s0 =	sadd.s32 $0x8F2B, s0  }
0xbd: {  	[sflag:s0] =	ssyncadd.remote.s32 $0x1  }
0xbe: {  	_ =	sfence.sel $0xFFFF  }
0xbf: {  	[dreg:$0x0] =	wrdreg $0xFFFFFFFF;
	(pc) =	sbr.abs _section_cstart, $3  }
0xc0: {  	[dreg:$0x1] =	wrdreg $0xFFFFFFFF  }
0xc1: {  	_ =	task.clear_ibuf [dreg:s6], $0x2FFFF;
	_ =	strace $0x9FFFFFFF  }
0xc2: {  	(tm) =	ssettm $0x7FFFFFFF  }
0xc3: {  	_ =	shalt  }
tec
execute0_lowered:
.L_overlay_start_1:
0x0: {  	(tag) =	ssettag $0x1  }
0x1: {  	s0 =	rddreg [dreg:$0x0]  }
0x2: {  	s2 =	rddreg [dreg:$0x1]  }
0x3: {  	s3 =	simm.s32 $0x0;
	s1 =	stileid.u32;
	s5 =	srdreg.scid  }
0x4: {  	s17 =	simm.s32 $0x4000;
	s18 =	simm.s32 $0x4200;
	s28 =	simm.s32 $0x4100  }
0x5: {  	s29 =	simm.s32 $0x4180;
	s30 =	simm.s32 $0x0;
	[smem:$0x7FF] =	sst s3  }
0x6: {  	s7 =	smul.u32 $0x2800, s1;
	s4 =	sadd.s32 $0x3AC00, s0;
	s6 =	sshll.u32 s1, $0xB  }
0x7: {  	s8 =	sand.u32 $0x1, s5;
	s13 =	sadd.s32 $0x61E00, s0;
	s25 =	smul.u32 $0x50000, s1  }
0x8: {  	p2 =	sne.s32 s1, $0xF;
	p0 =	seq.s32 s1, $0xF;
	s15 =	smul.u32 $0x14000, s1  }
0x9: {  	_ =	strace $0x8000004A;
	s23 =	sadd.s32 s6, s0;
	s24 =	ssub.s32 $0x2, s8  }
0xa: {  	s10 =	sshll.u32 s8, $0xF;
	p3 =	seq.s32 s8, $0x0;
	p4 =	seq.s32 s8, $0x1  }
0xb: {  	s12 =	smul.u32 $0x138800, s8;
	s8 =	sadd.s32 $0x12C000, s2;
	s11 =	sadd.s32 s7, s0  }
0xc: {  	s9 =	sshrl.u32 s24, $0x1;
	s5 =	sadd.s32 s10, s23;
	p1 =	por !p3, !p2  }
0xd: {  	s6 =	sshrl.u32 s25, $0x2;
	s7 =	sadd.s32 s4, s7;
	p2 =	por !p2, !p4  }
0xe: {  	p3 =	por !p3, !p0;
	p4 =	por !p0, !p4;
	s10 =	sadd.s32 $0x39200, s0  }
0xf: {  	s25 =	simm.s32 $0x4080;
	s14 =	ssub.s32 s24, s9;
	s5 =	sadd.s32 $0x3A00, s5  }
0x10: {  	p1 =	por !p1, !p1;
	s6 =	sadd.s32 s6, s2;
	p2 =	por !p2, !p2  }
0x11: {  	p3 =	por !p3, !p3;
	s9 =	sadd.s32 $0x60400, s0;
	p4 =	por !p4, !p4  }
0x12: {  	s16 =	sshrl.u32 s12, $0x3;
	s15 =	sadd.s32 s15, s12;
	s11 =	sadd.s32 $0x13A00, s11  }
0x13: {  	s24 =	simm.s32 $0x1;
	s26 =	sadd.s32 s13, s16;
	s31 =	sshrl.u32 s15, $0x3  }
0x14: {  	s14 =	smax.u32 s14, $0x1;
	s15 =	simm.s32 $0x2;
	s16 =	simm.s32 $0x50  }
0x15: {  	s0 =	sshll.u32 @p1 s1, $0x6;
	s20 =	sshrl.u32 @p1 s6, $0x3;
	p3 =	por !p3, p2  }
0x16: {  	p4 =	por !p4, p2;
	s12 =	sadd.s32 $0x25800, s26;
	s13 =	sadd.s32 s13, s31  }
0x17: {  	s19 =	sor.u32 @p1 $0x1C02, s0;
	s0 =	sshll.u32 @p2 s1, $0x6;
	s21 =	sshrl.u32 @!p3 s8, $0x3  }
0x18: {  	s22 =	sshrl.u32 @!p4 s8, $0x3;
	s26 =	simm.s32 $0x6A00;
	s23 =	sor.u32 @p2 $0x1C02, s0  }
.LBB2_1:
0x19: {  	[tilespmem:s3], [sflag:$0x2] =	stream.linear.gather [hbm4b:s5+s3], $0x3E80, $0x38;
	[tilespmem:$0x1CA80] =	vst v63  }
0x1a: {  	_ =	swait.ge [sflag:s15], $0x3E80  }
0x1b: {  	[sflag:s15] =	ssyncset.done $0x0  }
0x1c: {  	[sflag:s15] =	ssyncadd.s32 $0xFFFFC180  }
0x1d: {  	v0 =	vld [tilespmem:$0x0];
	_ =	sdelay $0x1  }
0x1e: {  	v1 =	vld [tilespmem:$0x10];
	_ =	sdelay $0x1  }
0x1f: {  	v2 =	vld [tilespmem:$0x20]  }
0x20: {  	v3 =	vand.u32 $0xFFFF, v0  }
0x21: {  	v0 =	vshrl.u32 v0, $0x10;
	[tilespmem:$0x4000] =	vst v3;
	v3 =	vld [tilespmem:$0x30]  }
0x22: {  	[tilespmem:$0x4100] =	vst v0;
	v0 =	vand.u32 $0xFFFF, v1  }
0x23: {  	[tilespmem:$0x4010] =	vst v0;
	v0 =	vshrl.u32 v1, $0x10;
	v1 =	vld [tilespmem:$0x40]  }
0x24: {  	[tilespmem:$0x4110] =	vst v0;
	v0 =	vand.u32 $0xFFFF, v2  }
0x25: {  	[tilespmem:$0x4020] =	vst v0;
	v0 =	vshrl.u32 v2, $0x10  }
0x26: {  	[tilespmem:$0x4120] =	vst v0;
	v0 =	vand.u32 $0xFFFF, v3  }
0x27: {  	[tilespmem:$0x4030] =	vst v0;
	v0 =	vshrl.u32 v3, $0x10  }
0x28: {  	[tilespmem:$0x4130] =	vst v0;
	v0 =	vand.u32 $0xFFFF, v1  }
0x29: {  	[tilespmem:$0x4040] =	vst v0;
	v0 =	vshrl.u32 v1, $0x10  }
0x2a: {  	s0 =	simm.s32 @p1 $0x2;
	[tilespmem:$0x4140] =	vst v0  }
0x2b: {  	[tilespmem:s18], [sflag:$0x1] =	stream.indirect.gather [hbm4b:s4+s16], $0x80, s17, s16, $0xb8;
	[tilespmem:$0x1CA80] =	vst v63  }
0x2c: {  	[spmem:s20], [sflag:s19] =	dma.local @p1 [hbm:s7], $0x2800  }
0x2d: {  	_ =	swait.ge @p1 [sflag:s0], $0x2800  }
0x2e: {  	[sflag:s0] =	ssyncset.done @p1 $0x0  }
0x2f: {  	[sflag:s0] =	ssyncadd.s32 @p1 $0xFFFFD800;
	s0 =	simm.s32 @!p3 $0x1FC2  }
0x30: {  	[spmem:s21], [sflag:s0] =	dma.local @!p3 [hbm:s9], $0x1900  }
0x31: {  	s0 =	simm.s32 @!p3 $0x2  }
0x32: {  	_ =	swait.ge @!p3 [sflag:s0], $0x1900  }
0x33: {  	[sflag:s0] =	ssyncset.done @!p3 $0x0  }
0x34: {  	[sflag:s0] =	ssyncadd.s32 @!p3 $0xFFFFE700;
	s0 =	simm.s32 @!p4 $0x1FC2  }
0x35: {  	[spmem:s22], [sflag:s0] =	dma.local @!p4 [hbm:s10], $0x1900  }
0x36: {  	s0 =	simm.s32 @!p4 $0x2  }
0x37: {  	_ =	swait.ge @!p4 [sflag:s0], $0x1900  }
0x38: {  	[sflag:s0] =	ssyncset.done @!p4 $0x0  }
0x39: {  	[sflag:s0] =	ssyncadd.s32 @!p4 $0xFFFFE700;
	s0 =	sshrl.u32 @p2 s6, $0x3  }
0x3a: {  	[spmem:s0], [sflag:s23] =	dma.local @p2 [hbm:s11], $0x2800  }
0x3b: {  	s0 =	simm.s32 @p2 $0x2  }
0x3c: {  	_ =	swait.ge @p2 [sflag:s0], $0x2800  }
0x3d: {  	[sflag:s0] =	ssyncset.done @p2 $0x0  }
0x3e: {  	[sflag:s0] =	ssyncadd.s32 @p2 $0xFFFFD800  }
0x3f: {  	s0 =	simm.s32 $0x0;
	[bflag:$0x0] =	sbarrier.arrive $0xFFFF  }
0x40: {  	v0 =	vld [tilespmem:s0+$0x80];
	_ =	sdelay $0x4  }
0x41: {  	v1 =	vand.u32 $0xFFFF, v0  }
0x42: {  	v0 =	vshrl.u32 v0, $0x10;
	[tilespmem:$0x4080] =	vst v1  }
0x43: {  	[tilespmem:$0x4180] =	vst v0  }
0x44: {  	v0 =	vld [tilespmem:s0+$0x90];
	_ =	sdelay $0x4  }
0x45: {  	v1 =	vand.u32 $0xFFFF, v0  }
0x46: {  	v0 =	vshrl.u32 v0, $0x10;
	[tilespmem:$0x4090] =	vst v1  }
0x47: {  	[tilespmem:$0x4190] =	vst v0  }
0x48: {  	v0 =	vld [tilespmem:s0+$0xA0];
	_ =	sdelay $0x4  }
0x49: {  	v1 =	vand.u32 $0xFFFF, v0  }
0x4a: {  	v0 =	vshrl.u32 v0, $0x10;
	[tilespmem:$0x40A0] =	vst v1  }
0x4b: {  	[tilespmem:$0x41A0] =	vst v0  }
0x4c: {  	v0 =	vld [tilespmem:s0+$0xB0];
	_ =	sdelay $0x4  }
0x4d: {  	v1 =	vand.u32 $0xFFFF, v0  }
0x4e: {  	v0 =	vshrl.u32 v0, $0x10;
	[tilespmem:$0x40B0] =	vst v1  }
0x4f: {  	[tilespmem:$0x41B0] =	vst v0  }
0x50: {  	v0 =	vld [tilespmem:s0+$0xC0];
	_ =	sdelay $0x4  }
0x51: {  	v1 =	vand.u32 $0xFFFF, v0  }
0x52: {  	v0 =	vshrl.u32 v0, $0x10;
	[tilespmem:$0x40C0] =	vst v1  }
0x53: {  	[tilespmem:$0x41C0] =	vst v0  }
0x54: {  	_ =	swait.ge [sflag:s24], $0x2800  }
0x55: {  	[sflag:s24] =	ssyncset.done $0x0  }
0x56: {  	[sflag:s24] =	ssyncadd.s32 $0xFFFFD800  }
0x57: {  	[tilespmem:s26], [sflag:$0x1] =	stream.indirect.gather [hbm4b:s4+s16], $0x80, s25, s16, $0xb8;
	[tilespmem:$0x1CA80] =	vst v63  }
0x58: {  	_ = 	snop  }
0x59: {  	[spmem:s2] =	stream.indirect.scatter.add.f32 [tilespmem:s18], [sflag:$0x2], $0x80, s28, s16, $0xb8;
	[tilespmem:$0x1CA80] =	vst v63  }
0x5a: {  	_ =	swait.ge [sflag:s15], $0x2800  }
0x5b: {  	[sflag:s15] =	ssyncset.done $0x0  }
0x5c: {  	[sflag:s15] =	ssyncadd.s32 $0xFFFFD800  }
0x5d: {  	v0 =	vld [tilespmem:s0+$0x100];
	_ =	sdelay $0x4  }
0x5e: {  	v1 =	vand.u32 $0xFFFF, v0  }
0x5f: {  	v0 =	vshrl.u32 v0, $0x10;
	[tilespmem:$0x4000] =	vst v1  }
0x60: {  	[tilespmem:$0x4100] =	vst v0  }
0x61: {  	v0 =	vld [tilespmem:s0+$0x110];
	_ =	sdelay $0x4  }
0x62: {  	v1 =	vand.u32 $0xFFFF, v0  }
0x63: {  	v0 =	vshrl.u32 v0, $0x10;
	[tilespmem:$0x4010] =	vst v1  }
0x64: {  	[tilespmem:$0x4110] =	vst v0  }
0x65: {  	v0 =	vld [tilespmem:s0+$0x120];
	_ =	sdelay $0x4  }
0x66: {  	v1 =	vand.u32 $0xFFFF, v0  }
0x67: {  	v0 =	vshrl.u32 v0, $0x10;
	[tilespmem:$0x4020] =	vst v1  }
0x68: {  	[tilespmem:$0x4120] =	vst v0  }
0x69: {  	v0 =	vld [tilespmem:s0+$0x130];
	_ =	sdelay $0x4  }
0x6a: {  	v1 =	vand.u32 $0xFFFF, v0  }
0x6b: {  	v0 =	vshrl.u32 v0, $0x10;
	[tilespmem:$0x4030] =	vst v1  }
0x6c: {  	[tilespmem:$0x4130] =	vst v0  }
0x6d: {  	v0 =	vld [tilespmem:s0+$0x140];
	_ =	sdelay $0x4  }
0x6e: {  	s31 =	simm.s32 $0x400;
	v1 =	vand.u32 $0xFFFF, v0;
	v0 =	vshrl.u32 v0, $0x10  }
.LBB2_2:
0x6f: {  	p5 =	sne.s32 s31, $0xF400;
	[tilespmem:$0x4040] =	vst v1;
	s0 =	smov.u32 s31;
	s31 =	sadd.s32 $0x400, s31  }
0x70: {  	[tilespmem:$0x4140] =	vst v0  }
0x71: {  	_ =	swait.ge [sflag:s24], $0x2800  }
0x72: {  	[sflag:s24] =	ssyncset.done $0x0  }
0x73: {  	[sflag:s24] =	ssyncadd.s32 $0xFFFFD800  }
0x74: {  	[tilespmem:s18], [sflag:$0x1] =	stream.indirect.gather [hbm4b:s4+s16], $0x80, s17, s16, $0xb8;
	[tilespmem:$0x1CA80] =	vst v63  }
0x75: {  	_ = 	snop  }
0x76: {  	[spmem:s2] =	stream.indirect.scatter.add.f32 [tilespmem:s26], [sflag:$0x2], $0x80, s29, s16, $0xb8;
	[tilespmem:$0x1CA80] =	vst v63  }
0x77: {  	_ =	swait.ge [sflag:s15], $0x2800  }
0x78: {  	[sflag:s15] =	ssyncset.done $0x0  }
0x79: {  	s0 =	sshra.s32 s0, $0x2;
	[sflag:s15] =	ssyncadd.s32 $0xFFFFD800  }
0x7a: {  	v0 =	vld [tilespmem:s0+$0x80];
	_ =	sdelay $0x4  }
0x7b: {  	v1 =	vand.u32 $0xFFFF, v0;
	v0 =	vshrl.u32 v0, $0x10  }
0x7c: {  	[tilespmem:$0x4080] =	vst v1  }
0x7d: {  	[tilespmem:$0x4180] =	vst v0  }
0x7e: {  	v0 =	vld [tilespmem:s0+$0x90];
	_ =	sdelay $0x4  }
0x7f: {  	v1 =	vand.u32 $0xFFFF, v0;
	v0 =	vshrl.u32 v0, $0x10  }
0x80: {  	[tilespmem:$0x4090] =	vst v1  }
0x81: {  	[tilespmem:$0x4190] =	vst v0  }
0x82: {  	v0 =	vld [tilespmem:s0+$0xA0];
	_ =	sdelay $0x4  }
0x83: {  	v1 =	vand.u32 $0xFFFF, v0;
	v0 =	vshrl.u32 v0, $0x10  }
0x84: {  	[tilespmem:$0x40A0] =	vst v1  }
0x85: {  	[tilespmem:$0x41A0] =	vst v0  }
0x86: {  	v0 =	vld [tilespmem:s0+$0xB0];
	_ =	sdelay $0x4  }
0x87: {  	v1 =	vand.u32 $0xFFFF, v0;
	v0 =	vshrl.u32 v0, $0x10  }
0x88: {  	[tilespmem:$0x40B0] =	vst v1  }
0x89: {  	[tilespmem:$0x41B0] =	vst v0  }
0x8a: {  	v0 =	vld [tilespmem:s0+$0xC0];
	_ =	sdelay $0x4  }
0x8b: {  	v1 =	vand.u32 $0xFFFF, v0;
	v0 =	vshrl.u32 v0, $0x10  }
0x8c: {  	[tilespmem:$0x40C0] =	vst v1  }
0x8d: {  	[tilespmem:$0x41C0] =	vst v0  }
0x8e: {  	_ =	swait.ge [sflag:s24], $0x2800  }
0x8f: {  	[sflag:s24] =	ssyncset.done $0x0  }
0x90: {  	[sflag:s24] =	ssyncadd.s32 $0xFFFFD800  }
0x91: {  	[tilespmem:s26], [sflag:$0x1] =	stream.indirect.gather [hbm4b:s4+s16], $0x80, s25, s16, $0xb8;
	[tilespmem:$0x1CA80] =	vst v63  }
0x92: {  	_ = 	snop  }
0x93: {  	[spmem:s2] =	stream.indirect.scatter.add.f32 [tilespmem:s18], [sflag:$0x2], $0x80, s28, s16, $0xb8;
	[tilespmem:$0x1CA80] =	vst v63  }
0x94: {  	_ =	swait.ge [sflag:s15], $0x2800  }
0x95: {  	[sflag:s15] =	ssyncset.done $0x0  }
0x96: {  	[sflag:s15] =	ssyncadd.s32 $0xFFFFD800  }
0x97: {  	v0 =	vld [tilespmem:s0+$0x100];
	_ =	sdelay $0x4  }
0x98: {  	v1 =	vand.u32 $0xFFFF, v0;
	v0 =	vshrl.u32 v0, $0x10  }
0x99: {  	[tilespmem:$0x4000] =	vst v1  }
0x9a: {  	[tilespmem:$0x4100] =	vst v0  }
0x9b: {  	v0 =	vld [tilespmem:s0+$0x110];
	_ =	sdelay $0x4  }
0x9c: {  	v1 =	vand.u32 $0xFFFF, v0;
	v0 =	vshrl.u32 v0, $0x10  }
0x9d: {  	[tilespmem:$0x4010] =	vst v1  }
0x9e: {  	[tilespmem:$0x4110] =	vst v0  }
0x9f: {  	v0 =	vld [tilespmem:s0+$0x120];
	_ =	sdelay $0x4  }
0xa0: {  	v1 =	vand.u32 $0xFFFF, v0;
	v0 =	vshrl.u32 v0, $0x10  }
0xa1: {  	[tilespmem:$0x4020] =	vst v1  }
0xa2: {  	[tilespmem:$0x4120] =	vst v0  }
0xa3: {  	v0 =	vld [tilespmem:s0+$0x130];
	_ =	sdelay $0x4  }
0xa4: {  	v1 =	vand.u32 $0xFFFF, v0;
	v0 =	vshrl.u32 v0, $0x10  }
0xa5: {  	[tilespmem:$0x4030] =	vst v1  }
0xa6: {  	[tilespmem:$0x4130] =	vst v0  }
0xa7: {  	v0 =	vld [tilespmem:s0+$0x140]  }
.Ltmp0:
0xa8: {  	(pc) =	sbr.rel @p5 .LBB2_2-.Ltmp0, $2  }
0xa9: {  	_ =	sdelay $0x2  }
0xaa: {  	v1 =	vand.u32 $0xFFFF, v0;
	v0 =	vshrl.u32 v0, $0x10  }
0xab: {  	[tilespmem:$0x4040] =	vst v1  }
0xac: {  	[tilespmem:$0x4140] =	vst v0  }
0xad: {  	_ =	swait.ge [sflag:s24], $0x2800  }
0xae: {  	[sflag:s24] =	ssyncset.done $0x0  }
0xaf: {  	[sflag:s24] =	ssyncadd.s32 $0xFFFFD800  }
0xb0: {  	[tilespmem:s18], [sflag:$0x1] =	stream.indirect.gather [hbm4b:s4+s16], $0x80, s17, s16, $0xb8;
	[tilespmem:$0x1CA80] =	vst v63  }
0xb1: {  	_ = 	snop  }
0xb2: {  	[spmem:s2] =	stream.indirect.scatter.add.f32 [tilespmem:s26], [sflag:$0x2], $0x80, s29, s16, $0xb8;
	[tilespmem:$0x1CA80] =	vst v63  }
0xb3: {  	_ =	swait.ge [sflag:s15], $0x2800  }
0xb4: {  	[sflag:s15] =	ssyncset.done $0x0  }
0xb5: {  	[sflag:s15] =	ssyncadd.s32 $0xFFFFD800  }
0xb6: {  	_ =	swait.ge [sflag:s24], $0x2800  }
0xb7: {  	[sflag:s24] =	ssyncset.done $0x0  }
0xb8: {  	[sflag:s24] =	ssyncadd.s32 $0xFFFFD800  }
0xb9: {  	[spmem:s2] =	stream.indirect.scatter.add.f32 [tilespmem:s18], [sflag:$0x2], $0x80, s28, s16, $0xb8;
	[tilespmem:$0x1CA80] =	vst v63  }
0xba: {  	_ =	swait.ge [sflag:s15], $0x2800  }
0xbb: {  	[sflag:s15] =	ssyncset.done $0x0  }
0xbc: {  	[sflag:s15] =	ssyncadd.s32 $0xFFFFD800  }
0xbd: {  	s0 =	sshrl.u32 @p0 s8, $0x3;
	s31 =	simm.s32 @p0 $0x1FC2;
	[bflag:$0x0] =	sbarrier.arrive $0xFFFF  }
0xbe: {  	[hbm:s12], [sflag:s31] =	dma.local @p0 [spmem:s0], $0x1900  }
0xbf: {  	s0 =	simm.s32 @p0 $0x2  }
0xc0: {  	s30 =	sadd.s32 $0x1, s30;
	_ =	swait.ge @p0 [sflag:s0], $0x1900  }
0xc1: {  	p5 =	sne.s32 s30, s14;
	s31 =	sshll.u32 @!p0 s1, $0x6;
	[sflag:s0] =	ssyncset.done @p0 $0x0  }
0xc2: {  	[sflag:s0] =	ssyncadd.s32 @p0 $0xFFFFE700;
	s0 =	sor.u32 @!p0 $0x1C02, s31;
	s31 =	sshrl.u32 @!p0 s6, $0x3  }
0xc3: {  	[hbm:s13], [sflag:s0] =	dma.local @!p0 [spmem:s31], $0x2800  }
.Ltmp1:
0xc4: {  	_ = 	snop;
	(pc) =	sbr.rel @p5 .LBB2_1-.Ltmp1, $4  }
0xc5: {  	s0 =	simm.s32 @!p0 $0x2  }
0xc6: {  	_ =	swait.ge @!p0 [sflag:s0], $0x2800  }
0xc7: {  	[sflag:s0] =	ssyncset.done @!p0 $0x0  }
0xc8: {  	[sflag:s0] =	ssyncadd.s32 @!p0 $0xFFFFD800  }
0xc9: {  	_ =	sfence.sel $0x180000  }
0xca: {  	[bflag:$0x0] =	sbarrier.arrive $0xFFFF  }
0xcb: {  	_ =	strace $0x9000004A  }
0xcc: {  	[bflag:$0x2] =	sbarrier.arrive $0xFFFF  }
0xcd: {  	p0 =	sne.s32 s1, $0x0;
	s0 =	rddreg [dreg:$0x2]  }
0xce: {  	s0 =	sadd.s32 @!p0 $0x100000, s0  }
0xcf: {  	[sflag:s0] =	ssyncadd.tile.s32 @!p0 $0x1;
	_ =	shalt  }
.Lfunc_end2:
_tile_overlayer_lowered:
.L_overlay_start_2:
0xd0: {  	(tag) =	ssettag $0x2  }
0xd1: {  	s0 =	rddreg [dreg:$0x0];
	s2 =	stileid.u32  }
0xd2: {  	s1 =	rddreg [dreg:$0x1];
	p0 =	sne.s32 s2, $0x0  }
0xd3: {  	s3 =	rddreg [dreg:$0x2];
	[bflag:$0x3] =	sbarrier.arrive $0xFFFF;
	s2 =	simm.s32 @!p0 $0x1C02  }
0xd4: {  	[timem:s3], [sflag:s2] =	dma.local @!p0 [hbm:s0], s1  }
0xd5: {  	s0 =	simm.s32 @!p0 $0x2  }
0xd6: {  	_ =	swait.ge @!p0 [sflag:s0], s1  }
0xd7: {  	s1 =	ssub.s32 @!p0 $0x0, s1;
	[sflag:s0] =	ssyncset.done @!p0 $0x0  }
0xd8: {  	[sflag:s0] =	ssyncadd.s32 @!p0 s1  }
0xd9: {  	[bflag:$0x3] =	sbarrier.arrive $0xFFFF  }
0xda: {  	_ =	shalt  }

// kernel: kernel.14.cloned.1.call-start
scs
__scs_entry_jumppad:
0x0: {  	(pc) =	sbr.rel $0x88, $3  }
0x1: {  	(tag) =	ssettag $0x0;
	lr =	simm.s32 $0x1  }
0x2: {  	[smem:$0x3F8B] =	sst lr;
	_ =	strace $0xD0000000  }
0x3: {  	_ = 	snop  }
0x4: {  	_ = 	snop  }
0x5: {  	_ = 	snop  }
0x6: {  	_ = 	snop  }
0x7: {  	_ = 	snop  }
__scs_overlays_trampoline_lowered:
0x8: {  	[smem:$0x3F9A] =	sst s0  }
0x9: {  	[smem:$0x3F9B] =	sst s1  }
0xa: {  	[smem:$0x3F9C] =	sst s2  }
0xb: {  	[smem:$0x3F9D] =	sst s3  }
0xc: {  	[smem:$0x3F9E] =	sst s4  }
0xd: {  	[smem:$0x3F9F] =	sst s5  }
0xe: {  	[smem:$0x3FA0] =	sst s6  }
0xf: {  	[smem:$0x3FA1] =	sst s7  }
0x10: {  	[smem:$0x3FA2] =	sst s8  }
0x11: {  	[smem:$0x3FA3] =	sst s9;
	s0 =	simm.s32 @!p0 $0x0  }
0x12: {  	s1 =	sld [smem:$0x3F89];
	s0 =	simm.s32 @p0 $0x1  }
0x13: {  	[smem:$0x3FA4] =	sst s0;
	s0 =	simm.s32 @!p1 $0x0  }
0x14: {  	s2 =	sld [smem:$0x3F88];
	s0 =	simm.s32 @p1 $0x1  }
0x15: {  	[smem:$0x3FA5] =	sst s0;
	s0 =	simm.s32 @!p2 $0x0  }
0x16: {  	s3 =	sld [smem:$0x3FDB];
	s0 =	simm.s32 @p2 $0x1  }
0x17: {  	s4 =	simm.s32 $0x1BF5;
	[smem:$0x3FA7] =	sst s0  }
0x18: {  	s0 =	sld [smem:$0x3F8A];
	_ =	swait.ge [sflag:s4], $0x0  }
0x19: {  	s7 =	sld [smem:$0x3F8B]  }
0x1a: {  	s8 =	sadd.s32 $0xFFFFE003, lr  }
0x1b: {  	s9 =	sadd.s32 $0xFFFFFEF7, lr;
	s5 =	simm.s32 $0xFFFFFFFF;
	p2 =	slt.u32 s8, $0xFFFFF086  }
0x1c: {  	p1 =	slt.u32 s9, $0xF7A;
	s5 =	simm.s32 @!p2 $0x0  }
0x1d: {  	s5 =	simm.s32 @p1 $0x1;
	p0 =	seq.s32 s7, s2  }
0x1e: {  	s7 =	smul.u32 @!p0 $0xF7A, s2;
	p2 =	seq.s32 @!p0 s5, $0x0  }
0x1f: {  	s9 =	smul.u32 $0xF7A, s1;
	s8 =	simm.s32 @!p0 $0x1BF5;
	p2 =	por !p2, p0  }
0x20: {  	[sflag:s8] =	ssyncset.s32 @!p0 $0xFFFFF086;
	s6 =	sadd.s32 @!p0 s3, s7;
	s7 =	simm.s32 @!p0 $0x108  }
0x21: {  	s3 =	sadd.s32 s3, s9;
	s6 =	sadd.s32 @!p0 $0x88, s6;
	s7 =	simm.s32 @p2 $0x1082  }
0x22: {  	[simem:s7], [sflag:s8] =	dma.local @!p0 [hbm:s6], $0xF7A  }
0x23: {  	s9 =	sor.u32 $0xD0000000, s2;
	s6 =	simm.s32 $0x108;
	_ =	swait.ge @!p0 [sflag:s8], $0x0  }
0x24: {  	s3 =	sadd.s32 $0x88, s3;
	s6 =	simm.s32 @!p1 $0x1082;
	[sflag:s4] =	ssyncset.s32 $0xFFFFF086  }
0x25: {  	[simem:s6], [sflag:s4] =	dma.local [hbm:s3], $0xF7A  }
0x26: {  	[smem:$0x3F8B] =	sst s1;
	(tag) =	ssettag s2;
	_ =	strace s9  }
0x27: {  	s1 =	sld [smem:$0x3F9B]  }
0x28: {  	s2 =	sld [smem:$0x3F9C]  }
0x29: {  	s4 =	sld [smem:$0x3F9E]  }
0x2a: {  	p0 =	seq.s32 s5, $0x0;
	s5 =	sld [smem:$0x3F9F]  }
0x2b: {  	s6 =	sld [smem:$0x3FA0]  }
0x2c: {  	s7 =	sld [smem:$0x3FA1]  }
0x2d: {  	s3 =	simm.s32 $0x108;
	s8 =	sld [smem:$0x3FA2]  }
0x2e: {  	s3 =	simm.s32 @!p0 $0x1082;
	s9 =	sld [smem:$0x3FA3]  }
0x2f: {  	lr =	sadd.s32 s0, s3;
	s0 =	sld [smem:$0x3F9A]  }
0x30: {  	s3 =	sld [smem:$0x3F9D]  }
0x31: {  	[smem:$0x3FA6] =	sst s10  }
0x32: {  	s10 =	sld [smem:$0x3FA4];
	_ =	sdelay $0x3  }
0x33: {  	p0 =	seq.s32 s10, $0x1;
	s10 =	sld [smem:$0x3FA6];
	_ =	sdelay $0x3  }
0x34: {  	[smem:$0x3FA6] =	sst s10  }
0x35: {  	s10 =	sld [smem:$0x3FA5];
	_ =	sdelay $0x3  }
0x36: {  	p1 =	seq.s32 s10, $0x1;
	s10 =	sld [smem:$0x3FA6];
	_ =	sdelay $0x3  }
0x37: {  	[smem:$0x3FA6] =	sst s10  }
0x38: {  	s10 =	sld [smem:$0x3FA7]  }
0x39: {  	_ = 	snop;
	(pc) =	sbr.ind lr, $3  }
0x3a: {  	_ = 	snop  }
0x3b: {  	_ = 	snop  }
0x3c: {  	p2 =	seq.s32 s10, $0x1;
	s10 =	sld [smem:$0x3FA6]  }
0x3d: {  	_ =	shalt  }
0x3e: {  	_ =	shalt  }
0x3f: {  	_ =	shalt  }
0x40: {  	_ =	shalt  }
0x41: {  	_ =	shalt  }
0x42: {  	_ =	shalt  }
0x43: {  	_ =	shalt  }
0x44: {  	_ =	shalt  }
0x45: {  	_ =	shalt  }
0x46: {  	_ =	shalt  }
0x47: {  	_ =	shalt  }
0x48: {  	_ =	shalt  }
0x49: {  	_ =	shalt  }
0x4a: {  	_ =	shalt  }
0x4b: {  	_ =	shalt  }
0x4c: {  	_ =	shalt  }
0x4d: {  	_ =	shalt  }
0x4e: {  	_ =	shalt  }
0x4f: {  	_ =	shalt  }
0x50: {  	_ =	shalt  }
0x51: {  	_ =	shalt  }
0x52: {  	_ =	shalt  }
0x53: {  	_ =	shalt  }
0x54: {  	_ =	shalt  }
0x55: {  	_ =	shalt  }
0x56: {  	_ =	shalt  }
0x57: {  	_ =	shalt  }
0x58: {  	_ =	shalt  }
0x59: {  	_ =	shalt  }
0x5a: {  	_ =	shalt  }
0x5b: {  	_ =	shalt  }
0x5c: {  	_ =	shalt  }
0x5d: {  	_ =	shalt  }
0x5e: {  	_ =	shalt  }
0x5f: {  	_ =	shalt  }
0x60: {  	_ =	shalt  }
0x61: {  	_ =	shalt  }
0x62: {  	_ =	shalt  }
0x63: {  	_ =	shalt  }
0x64: {  	_ =	shalt  }
0x65: {  	_ =	shalt  }
0x66: {  	_ =	shalt  }
0x67: {  	_ =	shalt  }
0x68: {  	_ =	shalt  }
0x69: {  	_ =	shalt  }
0x6a: {  	_ =	shalt  }
0x6b: {  	_ =	shalt  }
0x6c: {  	_ =	shalt  }
0x6d: {  	_ =	shalt  }
0x6e: {  	_ =	shalt  }
0x6f: {  	_ =	shalt  }
0x70: {  	_ =	shalt  }
0x71: {  	_ =	shalt  }
0x72: {  	_ =	shalt  }
0x73: {  	_ =	shalt  }
0x74: {  	_ =	shalt  }
0x75: {  	_ =	shalt  }
0x76: {  	_ =	shalt  }
0x77: {  	_ =	shalt  }
0x78: {  	_ =	shalt  }
0x79: {  	_ =	shalt  }
0x7a: {  	_ =	shalt  }
0x7b: {  	_ =	shalt  }
0x7c: {  	_ =	shalt  }
0x7d: {  	_ =	shalt  }
0x7e: {  	_ =	shalt  }
0x7f: {  	_ =	shalt  }
0x80: {  	_ =	shalt  }
0x81: {  	_ =	shalt  }
0x82: {  	_ =	shalt  }
0x83: {  	_ =	shalt  }
0x84: {  	_ =	shalt  }
0x85: {  	_ =	shalt  }
0x86: {  	_ =	shalt  }
0x87: {  	_ =	shalt  }
.Lfunc_end0:
.L_simem_size_0:
called_computation.2_lowered:
.L_overlay_start_0:
0x88: {  	s2 =	sld [smem:$0x3FD9]  }
0x89: {  	s3 =	sld [smem:$0x3FFE];
	_ =	sdelay $0x1  }
0x8a: {  	s1 =	srdreg.scid  }
0x8b: {  	s0 =	sand.u32 $0x1, s1  }
0x8c: {  	s16 =	sshll.u32 s0, $0xA;
	s2 =	sadd.s32 s3, s2  }
0x8d: {  	s2 =	sadd.s32 s2, s16  }
0x8e: {  	[smem:$0x3FB2] =	sst s2  }
0x8f: {  	_ = 	snop  }
0x90: {  	(tm) =	ssettm $0x1  }
0x91: {  	s17 =	sld [smem:$0x3FFB];
	_ =	sdelay $0x3  }
0x92: {  	_ =	strace s17  }
0x93: {  	s2 =	sld [smem:$0x3FFC];
	_ =	sdelay $0x3  }
0x94: {  	_ =	strace s2  }
0x95: {  	s2 =	sld [smem:$0x3FFD];
	_ =	sdelay $0x3  }
0x96: {  	_ =	strace s2  }
0x97: {  	_ =	strace $0x8FFFFFFF  }
0x98: {  	s18 =	sld [smem:$0x3FDB];
	_ =	sdelay $0x1  }
0x99: {  	s19 =	simm.s32 $_scs_section_size  }
0x9a: {  	s4 =	simm.s32 $_size__tile_overlayer_lowered;
	s5 =	simm.s32 $_tile_overlayer_lowered  }
0x9b: {  	s22 =	simm.s32 $0x1BFF;
	s21 =	sshll.u32 s5, $0x1;
	s2 =	sadd.s32 s19, s18  }
0x9c: {  	s6 =	simm.s32 $0x0;
	s20 =	sshll.u32 s4, $0x1;
	s4 =	sadd.s32 s21, s2  }
0x9d: {  	[timem:s6], [sflag:s22] =	dma.local [hbm:s4], s20  }
0x9e: {  	_ =	swait.ge [sflag:s22], s20  }
0x9f: {  	s3 =	ssub.s32 $0x0, s20;
	[sflag:s22] =	ssyncset.done $0x0  }
0xa0: {  	[sflag:s22] =	ssyncadd.s32 s3;
	_ =	sdelay $0x1  }
0xa1: {  	s23 =	simm.s32 $0x1B8B  }
0xa2: {  	_ =	swait.ge [sflag:s23], $0x1  }
0xa3: {  	[sflag:s23] =	ssyncset.done $0x0  }
0xa4: {  	s25 =	simm.s32 $0x1B8E;
	s24 =	sld [smem:$0x3FFE];
	[sflag:s23] =	ssyncadd.s32 $0xFFFFFFFF  }
0xa5: {  	s26 =	simm.s32 $execute0_lowered;
	[smem:$0x3FD2] =	sst s25  }
0xa6: {  	s4 =	sshll.u32 s26, $0x1;
	_ =	strace $0x8000004C;
	[dreg:$0x1] =	wrdreg $0xFFFFFFFF  }
0xa7: {  	s28 =	simm.s32 $_size_execute0_lowered;
	s2 =	sadd.s32 s2, s4;
	[dreg:$0x0] =	wrdreg $0x0  }
0xa8: {  	s4 =	sshll.u32 s28, $0x1;
	[dreg:$0x2] =	wrdreg s2  }
0xa9: {  	[dreg:$0x3] =	wrdreg s4  }
0xaa: {  	[dreg:$0x4] =	wrdreg $0xC0  }
0xab: {  	_ =	task [dreg:s6], $0x5FFFF  }
0xac: {  	[dreg:$0x1] =	wrdreg $0xFFFFFFFF  }
0xad: {  	[dreg:$0x0] =	wrdreg $0x60  }
0xae: {  	[dreg:$0x2] =	wrdreg s24  }
0xaf: {  	[dreg:$0x3] =	wrdreg $0x92000  }
0xb0: {  	[dreg:$0x4] =	wrdreg $0x9  }
0xb1: {  	_ =	task.clear_ibuf [dreg:s6], $0x5FFFF;
	_ =	strace $0x9000004C  }
0xb2: {  	s29 =	simm.s32 $0x9;
	_ =	strace $0x8000004E  }
0xb3: {  	_ =	swait.ge [sflag:s29], $0x1  }
0xb4: {  	[sflag:s29] =	ssyncadd.s32 $0xFFFFFFFF  }
0xb5: {  	_ =	strace $0x9000004E  }
0xb6: {  	_ =	sfence  }
0xb7: {  	s30 =	sld [smem:$0x0];
	_ =	sdelay $0x2  }
0xb8: {  	s31 =	sshll.u32 s1, $0xD;
	s1 =	sshrl.u32 s1, $0x2  }
0xb9: {  	s3 =	sand.u32 $0x4000, s31;
	s1 =	sadd.s32 s1, s30  }
0xba: {  	s0 =	sor.u32 s3, s0;
	s1 =	sshll.u32 s1, $0x11  }
0xbb: {  	s0 =	sor.u32 s1, s0  }
0xbc: {  	s0 =	sadd.s32 $0x8F2B, s0  }
0xbd: {  	[sflag:s0] =	ssyncadd.remote.s32 $0x1  }
0xbe: {  	_ =	sfence.sel $0xFFFF  }
0xbf: {  	[dreg:$0x0] =	wrdreg $0xFFFFFFFF;
	(pc) =	sbr.abs _section_cstart, $3  }
0xc0: {  	[dreg:$0x1] =	wrdreg $0xFFFFFFFF  }
0xc1: {  	_ =	task.clear_ibuf [dreg:s6], $0x2FFFF;
	_ =	strace $0x9FFFFFFF  }
0xc2: {  	(tm) =	ssettm $0x7FFFFFFF  }
0xc3: {  	_ =	shalt  }
tec
execute0_lowered:
.L_overlay_start_1:
0x0: {  	(tag) =	ssettag $0x1  }
0x1: {  	s0 =	rddreg [dreg:$0x0]  }
0x2: {  	s2 =	rddreg [dreg:$0x1]  }
0x3: {  	s3 =	simm.s32 $0x0;
	s1 =	stileid.u32;
	s5 =	srdreg.scid  }
0x4: {  	s17 =	simm.s32 $0x4000;
	s18 =	simm.s32 $0x4200;
	s28 =	simm.s32 $0x4100  }
0x5: {  	s29 =	simm.s32 $0x4180;
	s30 =	simm.s32 $0x0;
	[smem:$0x7FF] =	sst s3  }
0x6: {  	s7 =	smul.u32 $0x2800, s1;
	s4 =	sadd.s32 $0x3AC00, s0;
	s6 =	sshll.u32 s1, $0xB  }
0x7: {  	s8 =	sand.u32 $0x1, s5;
	s13 =	sadd.s32 $0x61E00, s0;
	s25 =	smul.u32 $0x50000, s1  }
0x8: {  	p2 =	sne.s32 s1, $0xF;
	p0 =	seq.s32 s1, $0xF;
	s15 =	smul.u32 $0x14000, s1  }
0x9: {  	_ =	strace $0x8000004D;
	s23 =	sadd.s32 s6, s0;
	s24 =	ssub.s32 $0x2, s8  }
0xa: {  	s10 =	sshll.u32 s8, $0xF;
	p3 =	seq.s32 s8, $0x0;
	p4 =	seq.s32 s8, $0x1  }
0xb: {  	s12 =	smul.u32 $0x138800, s8;
	s8 =	sadd.s32 $0x12C000, s2;
	s11 =	sadd.s32 s7, s0  }
0xc: {  	s9 =	sshrl.u32 s24, $0x1;
	s5 =	sadd.s32 s10, s23;
	p1 =	por !p3, !p2  }
0xd: {  	s6 =	sshrl.u32 s25, $0x2;
	s7 =	sadd.s32 s4, s7;
	p2 =	por !p2, !p4  }
0xe: {  	p3 =	por !p3, !p0;
	p4 =	por !p0, !p4;
	s10 =	sadd.s32 $0x39200, s0  }
0xf: {  	s25 =	simm.s32 $0x4080;
	s14 =	ssub.s32 s24, s9;
	s5 =	sadd.s32 $0x3A00, s5  }
0x10: {  	p1 =	por !p1, !p1;
	s6 =	sadd.s32 s6, s2;
	p2 =	por !p2, !p2  }
0x11: {  	p3 =	por !p3, !p3;
	s9 =	sadd.s32 $0x60400, s0;
	p4 =	por !p4, !p4  }
0x12: {  	s16 =	sshrl.u32 s12, $0x3;
	s15 =	sadd.s32 s15, s12;
	s11 =	sadd.s32 $0x13A00, s11  }
0x13: {  	s24 =	simm.s32 $0x1;
	s26 =	sadd.s32 s13, s16;
	s31 =	sshrl.u32 s15, $0x3  }
0x14: {  	s14 =	smax.u32 s14, $0x1;
	s15 =	simm.s32 $0x2;
	s16 =	simm.s32 $0x50  }
0x15: {  	s0 =	sshll.u32 @p1 s1, $0x6;
	s20 =	sshrl.u32 @p1 s6, $0x3;
	p3 =	por !p3, p2  }
0x16: {  	p4 =	por !p4, p2;
	s12 =	sadd.s32 $0x25800, s26;
	s13 =	sadd.s32 s13, s31  }
0x17: {  	s19 =	sor.u32 @p1 $0x1C02, s0;
	s0 =	sshll.u32 @p2 s1, $0x6;
	s21 =	sshrl.u32 @!p3 s8, $0x3  }
0x18: {  	s22 =	sshrl.u32 @!p4 s8, $0x3;
	s26 =	simm.s32 $0x6A00;
	s23 =	sor.u32 @p2 $0x1C02, s0  }
.LBB2_1:
0x19: {  	[tilespmem:s3], [sflag:$0x2] =	stream.linear.gather [hbm4b:s5+s3], $0x3E80, $0x38;
	[tilespmem:$0x1CA80] =	vst v63  }
0x1a: {  	_ =	swait.ge [sflag:s15], $0x3E80  }
0x1b: {  	[sflag:s15] =	ssyncset.done $0x0  }
0x1c: {  	[sflag:s15] =	ssyncadd.s32 $0xFFFFC180  }
0x1d: {  	v0 =	vld [tilespmem:$0x0];
	_ =	sdelay $0x1  }
0x1e: {  	v1 =	vld [tilespmem:$0x10];
	_ =	sdelay $0x1  }
0x1f: {  	v2 =	vld [tilespmem:$0x20]  }
0x20: {  	v3 =	vand.u32 $0xFFFF, v0  }
0x21: {  	v0 =	vshrl.u32 v0, $0x10;
	[tilespmem:$0x4000] =	vst v3;
	v3 =	vld [tilespmem:$0x30]  }
0x22: {  	[tilespmem:$0x4100] =	vst v0;
	v0 =	vand.u32 $0xFFFF, v1  }
0x23: {  	[tilespmem:$0x4010] =	vst v0;
	v0 =	vshrl.u32 v1, $0x10;
	v1 =	vld [tilespmem:$0x40]  }
0x24: {  	[tilespmem:$0x4110] =	vst v0;
	v0 =	vand.u32 $0xFFFF, v2  }
0x25: {  	[tilespmem:$0x4020] =	vst v0;
	v0 =	vshrl.u32 v2, $0x10  }
0x26: {  	[tilespmem:$0x4120] =	vst v0;
	v0 =	vand.u32 $0xFFFF, v3  }
0x27: {  	[tilespmem:$0x4030] =	vst v0;
	v0 =	vshrl.u32 v3, $0x10  }
0x28: {  	[tilespmem:$0x4130] =	vst v0;
	v0 =	vand.u32 $0xFFFF, v1  }
0x29: {  	[tilespmem:$0x4040] =	vst v0;
	v0 =	vshrl.u32 v1, $0x10  }
0x2a: {  	s0 =	simm.s32 @p1 $0x2;
	[tilespmem:$0x4140] =	vst v0  }
0x2b: {  	[tilespmem:s18], [sflag:$0x1] =	stream.indirect.gather [hbm4b:s4+s16], $0x80, s17, s16, $0xb8;
	[tilespmem:$0x1CA80] =	vst v63  }
0x2c: {  	[spmem:s20], [sflag:s19] =	dma.local @p1 [hbm:s7], $0x2800  }
0x2d: {  	_ =	swait.ge @p1 [sflag:s0], $0x2800  }
0x2e: {  	[sflag:s0] =	ssyncset.done @p1 $0x0  }
0x2f: {  	[sflag:s0] =	ssyncadd.s32 @p1 $0xFFFFD800;
	s0 =	simm.s32 @!p3 $0x1FC2  }
0x30: {  	[spmem:s21], [sflag:s0] =	dma.local @!p3 [hbm:s9], $0x1900  }
0x31: {  	s0 =	simm.s32 @!p3 $0x2  }
0x32: {  	_ =	swait.ge @!p3 [sflag:s0], $0x1900  }
0x33: {  	[sflag:s0] =	ssyncset.done @!p3 $0x0  }
0x34: {  	[sflag:s0] =	ssyncadd.s32 @!p3 $0xFFFFE700;
	s0 =	simm.s32 @!p4 $0x1FC2  }
0x35: {  	[spmem:s22], [sflag:s0] =	dma.local @!p4 [hbm:s10], $0x1900  }
0x36: {  	s0 =	simm.s32 @!p4 $0x2  }
0x37: {  	_ =	swait.ge @!p4 [sflag:s0], $0x1900  }
0x38: {  	[sflag:s0] =	ssyncset.done @!p4 $0x0  }
0x39: {  	[sflag:s0] =	ssyncadd.s32 @!p4 $0xFFFFE700;
	s0 =	sshrl.u32 @p2 s6, $0x3  }
0x3a: {  	[spmem:s0], [sflag:s23] =	dma.local @p2 [hbm:s11], $0x2800  }
0x3b: {  	s0 =	simm.s32 @p2 $0x2  }
0x3c: {  	_ =	swait.ge @p2 [sflag:s0], $0x2800  }
0x3d: {  	[sflag:s0] =	ssyncset.done @p2 $0x0  }
0x3e: {  	[sflag:s0] =	ssyncadd.s32 @p2 $0xFFFFD800  }
0x3f: {  	s0 =	simm.s32 $0x0;
	[bflag:$0x0] =	sbarrier.arrive $0xFFFF  }
0x40: {  	v0 =	vld [tilespmem:s0+$0x80];
	_ =	sdelay $0x4  }
0x41: {  	v1 =	vand.u32 $0xFFFF, v0  }
0x42: {  	v0 =	vshrl.u32 v0, $0x10;
	[tilespmem:$0x4080] =	vst v1  }
0x43: {  	[tilespmem:$0x4180] =	vst v0  }
0x44: {  	v0 =	vld [tilespmem:s0+$0x90];
	_ =	sdelay $0x4  }
0x45: {  	v1 =	vand.u32 $0xFFFF, v0  }
0x46: {  	v0 =	vshrl.u32 v0, $0x10;
	[tilespmem:$0x4090] =	vst v1  }
0x47: {  	[tilespmem:$0x4190] =	vst v0  }
0x48: {  	v0 =	vld [tilespmem:s0+$0xA0];
	_ =	sdelay $0x4  }
0x49: {  	v1 =	vand.u32 $0xFFFF, v0  }
0x4a: {  	v0 =	vshrl.u32 v0, $0x10;
	[tilespmem:$0x40A0] =	vst v1  }
0x4b: {  	[tilespmem:$0x41A0] =	vst v0  }
0x4c: {  	v0 =	vld [tilespmem:s0+$0xB0];
	_ =	sdelay $0x4  }
0x4d: {  	v1 =	vand.u32 $0xFFFF, v0  }
0x4e: {  	v0 =	vshrl.u32 v0, $0x10;
	[tilespmem:$0x40B0] =	vst v1  }
0x4f: {  	[tilespmem:$0x41B0] =	vst v0  }
0x50: {  	v0 =	vld [tilespmem:s0+$0xC0];
	_ =	sdelay $0x4  }
0x51: {  	v1 =	vand.u32 $0xFFFF, v0  }
0x52: {  	v0 =	vshrl.u32 v0, $0x10;
	[tilespmem:$0x40C0] =	vst v1  }
0x53: {  	[tilespmem:$0x41C0] =	vst v0  }
0x54: {  	_ =	swait.ge [sflag:s24], $0x2800  }
0x55: {  	[sflag:s24] =	ssyncset.done $0x0  }
0x56: {  	[sflag:s24] =	ssyncadd.s32 $0xFFFFD800  }
0x57: {  	[tilespmem:s26], [sflag:$0x1] =	stream.indirect.gather [hbm4b:s4+s16], $0x80, s25, s16, $0xb8;
	[tilespmem:$0x1CA80] =	vst v63  }
0x58: {  	_ = 	snop  }
0x59: {  	[spmem:s2] =	stream.indirect.scatter.add.f32 [tilespmem:s18], [sflag:$0x2], $0x80, s28, s16, $0xb8;
	[tilespmem:$0x1CA80] =	vst v63  }
0x5a: {  	_ =	swait.ge [sflag:s15], $0x2800  }
0x5b: {  	[sflag:s15] =	ssyncset.done $0x0  }
0x5c: {  	[sflag:s15] =	ssyncadd.s32 $0xFFFFD800  }
0x5d: {  	v0 =	vld [tilespmem:s0+$0x100];
	_ =	sdelay $0x4  }
0x5e: {  	v1 =	vand.u32 $0xFFFF, v0  }
0x5f: {  	v0 =	vshrl.u32 v0, $0x10;
	[tilespmem:$0x4000] =	vst v1  }
0x60: {  	[tilespmem:$0x4100] =	vst v0  }
0x61: {  	v0 =	vld [tilespmem:s0+$0x110];
	_ =	sdelay $0x4  }
0x62: {  	v1 =	vand.u32 $0xFFFF, v0  }
0x63: {  	v0 =	vshrl.u32 v0, $0x10;
	[tilespmem:$0x4010] =	vst v1  }
0x64: {  	[tilespmem:$0x4110] =	vst v0  }
0x65: {  	v0 =	vld [tilespmem:s0+$0x120];
	_ =	sdelay $0x4  }
0x66: {  	v1 =	vand.u32 $0xFFFF, v0  }
0x67: {  	v0 =	vshrl.u32 v0, $0x10;
	[tilespmem:$0x4020] =	vst v1  }
0x68: {  	[tilespmem:$0x4120] =	vst v0  }
0x69: {  	v0 =	vld [tilespmem:s0+$0x130];
	_ =	sdelay $0x4  }
0x6a: {  	v1 =	vand.u32 $0xFFFF, v0  }
0x6b: {  	v0 =	vshrl.u32 v0, $0x10;
	[tilespmem:$0x4030] =	vst v1  }
0x6c: {  	[tilespmem:$0x4130] =	vst v0  }
0x6d: {  	v0 =	vld [tilespmem:s0+$0x140];
	_ =	sdelay $0x4  }
0x6e: {  	s31 =	simm.s32 $0x400;
	v1 =	vand.u32 $0xFFFF, v0;
	v0 =	vshrl.u32 v0, $0x10  }
.LBB2_2:
0x6f: {  	p5 =	sne.s32 s31, $0xF400;
	[tilespmem:$0x4040] =	vst v1;
	s0 =	smov.u32 s31;
	s31 =	sadd.s32 $0x400, s31  }
0x70: {  	[tilespmem:$0x4140] =	vst v0  }
0x71: {  	_ =	swait.ge [sflag:s24], $0x2800  }
0x72: {  	[sflag:s24] =	ssyncset.done $0x0  }
0x73: {  	[sflag:s24] =	ssyncadd.s32 $0xFFFFD800  }
0x74: {  	[tilespmem:s18], [sflag:$0x1] =	stream.indirect.gather [hbm4b:s4+s16], $0x80, s17, s16, $0xb8;
	[tilespmem:$0x1CA80] =	vst v63  }
0x75: {  	_ = 	snop  }
0x76: {  	[spmem:s2] =	stream.indirect.scatter.add.f32 [tilespmem:s26], [sflag:$0x2], $0x80, s29, s16, $0xb8;
	[tilespmem:$0x1CA80] =	vst v63  }
0x77: {  	_ =	swait.ge [sflag:s15], $0x2800  }
0x78: {  	[sflag:s15] =	ssyncset.done $0x0  }
0x79: {  	s0 =	sshra.s32 s0, $0x2;
	[sflag:s15] =	ssyncadd.s32 $0xFFFFD800  }
0x7a: {  	v0 =	vld [tilespmem:s0+$0x80];
	_ =	sdelay $0x4  }
0x7b: {  	v1 =	vand.u32 $0xFFFF, v0;
	v0 =	vshrl.u32 v0, $0x10  }
0x7c: {  	[tilespmem:$0x4080] =	vst v1  }
0x7d: {  	[tilespmem:$0x4180] =	vst v0  }
0x7e: {  	v0 =	vld [tilespmem:s0+$0x90];
	_ =	sdelay $0x4  }
0x7f: {  	v1 =	vand.u32 $0xFFFF, v0;
	v0 =	vshrl.u32 v0, $0x10  }
0x80: {  	[tilespmem:$0x4090] =	vst v1  }
0x81: {  	[tilespmem:$0x4190] =	vst v0  }
0x82: {  	v0 =	vld [tilespmem:s0+$0xA0];
	_ =	sdelay $0x4  }
0x83: {  	v1 =	vand.u32 $0xFFFF, v0;
	v0 =	vshrl.u32 v0, $0x10  }
0x84: {  	[tilespmem:$0x40A0] =	vst v1  }
0x85: {  	[tilespmem:$0x41A0] =	vst v0  }
0x86: {  	v0 =	vld [tilespmem:s0+$0xB0];
	_ =	sdelay $0x4  }
0x87: {  	v1 =	vand.u32 $0xFFFF, v0;
	v0 =	vshrl.u32 v0, $0x10  }
0x88: {  	[tilespmem:$0x40B0] =	vst v1  }
0x89: {  	[tilespmem:$0x41B0] =	vst v0  }
0x8a: {  	v0 =	vld [tilespmem:s0+$0xC0];
	_ =	sdelay $0x4  }
0x8b: {  	v1 =	vand.u32 $0xFFFF, v0;
	v0 =	vshrl.u32 v0, $0x10  }
0x8c: {  	[tilespmem:$0x40C0] =	vst v1  }
0x8d: {  	[tilespmem:$0x41C0] =	vst v0  }
0x8e: {  	_ =	swait.ge [sflag:s24], $0x2800  }
0x8f: {  	[sflag:s24] =	ssyncset.done $0x0  }
0x90: {  	[sflag:s24] =	ssyncadd.s32 $0xFFFFD800  }
0x91: {  	[tilespmem:s26], [sflag:$0x1] =	stream.indirect.gather [hbm4b:s4+s16], $0x80, s25, s16, $0xb8;
	[tilespmem:$0x1CA80] =	vst v63  }
0x92: {  	_ = 	snop  }
0x93: {  	[spmem:s2] =	stream.indirect.scatter.add.f32 [tilespmem:s18], [sflag:$0x2], $0x80, s28, s16, $0xb8;
	[tilespmem:$0x1CA80] =	vst v63  }
0x94: {  	_ =	swait.ge [sflag:s15], $0x2800  }
0x95: {  	[sflag:s15] =	ssyncset.done $0x0  }
0x96: {  	[sflag:s15] =	ssyncadd.s32 $0xFFFFD800  }
0x97: {  	v0 =	vld [tilespmem:s0+$0x100];
	_ =	sdelay $0x4  }
0x98: {  	v1 =	vand.u32 $0xFFFF, v0;
	v0 =	vshrl.u32 v0, $0x10  }
0x99: {  	[tilespmem:$0x4000] =	vst v1  }
0x9a: {  	[tilespmem:$0x4100] =	vst v0  }
0x9b: {  	v0 =	vld [tilespmem:s0+$0x110];
	_ =	sdelay $0x4  }
0x9c: {  	v1 =	vand.u32 $0xFFFF, v0;
	v0 =	vshrl.u32 v0, $0x10  }
0x9d: {  	[tilespmem:$0x4010] =	vst v1  }
0x9e: {  	[tilespmem:$0x4110] =	vst v0  }
0x9f: {  	v0 =	vld [tilespmem:s0+$0x120];
	_ =	sdelay $0x4  }
0xa0: {  	v1 =	vand.u32 $0xFFFF, v0;
	v0 =	vshrl.u32 v0, $0x10  }
0xa1: {  	[tilespmem:$0x4020] =	vst v1  }
0xa2: {  	[tilespmem:$0x4120] =	vst v0  }
0xa3: {  	v0 =	vld [tilespmem:s0+$0x130];
	_ =	sdelay $0x4  }
0xa4: {  	v1 =	vand.u32 $0xFFFF, v0;
	v0 =	vshrl.u32 v0, $0x10  }
0xa5: {  	[tilespmem:$0x4030] =	vst v1  }
0xa6: {  	[tilespmem:$0x4130] =	vst v0  }
0xa7: {  	v0 =	vld [tilespmem:s0+$0x140]  }
.Ltmp0:
0xa8: {  	(pc) =	sbr.rel @p5 .LBB2_2-.Ltmp0, $2  }
0xa9: {  	_ =	sdelay $0x2  }
0xaa: {  	v1 =	vand.u32 $0xFFFF, v0;
	v0 =	vshrl.u32 v0, $0x10  }
0xab: {  	[tilespmem:$0x4040] =	vst v1  }
0xac: {  	[tilespmem:$0x4140] =	vst v0  }
0xad: {  	_ =	swait.ge [sflag:s24], $0x2800  }
0xae: {  	[sflag:s24] =	ssyncset.done $0x0  }
0xaf: {  	[sflag:s24] =	ssyncadd.s32 $0xFFFFD800  }
0xb0: {  	[tilespmem:s18], [sflag:$0x1] =	stream.indirect.gather [hbm4b:s4+s16], $0x80, s17, s16, $0xb8;
	[tilespmem:$0x1CA80] =	vst v63  }
0xb1: {  	_ = 	snop  }
0xb2: {  	[spmem:s2] =	stream.indirect.scatter.add.f32 [tilespmem:s26], [sflag:$0x2], $0x80, s29, s16, $0xb8;
	[tilespmem:$0x1CA80] =	vst v63  }
0xb3: {  	_ =	swait.ge [sflag:s15], $0x2800  }
0xb4: {  	[sflag:s15] =	ssyncset.done $0x0  }
0xb5: {  	[sflag:s15] =	ssyncadd.s32 $0xFFFFD800  }
0xb6: {  	_ =	swait.ge [sflag:s24], $0x2800  }
0xb7: {  	[sflag:s24] =	ssyncset.done $0x0  }
0xb8: {  	[sflag:s24] =	ssyncadd.s32 $0xFFFFD800  }
0xb9: {  	[spmem:s2] =	stream.indirect.scatter.add.f32 [tilespmem:s18], [sflag:$0x2], $0x80, s28, s16, $0xb8;
	[tilespmem:$0x1CA80] =	vst v63  }
0xba: {  	_ =	swait.ge [sflag:s15], $0x2800  }
0xbb: {  	[sflag:s15] =	ssyncset.done $0x0  }
0xbc: {  	[sflag:s15] =	ssyncadd.s32 $0xFFFFD800  }
0xbd: {  	s0 =	sshrl.u32 @p0 s8, $0x3;
	s31 =	simm.s32 @p0 $0x1FC2;
	[bflag:$0x0] =	sbarrier.arrive $0xFFFF  }
0xbe: {  	[hbm:s12], [sflag:s31] =	dma.local @p0 [spmem:s0], $0x1900  }
0xbf: {  	s0 =	simm.s32 @p0 $0x2  }
0xc0: {  	s30 =	sadd.s32 $0x1, s30;
	_ =	swait.ge @p0 [sflag:s0], $0x1900  }
0xc1: {  	p5 =	sne.s32 s30, s14;
	s31 =	sshll.u32 @!p0 s1, $0x6;
	[sflag:s0] =	ssyncset.done @p0 $0x0  }
0xc2: {  	[sflag:s0] =	ssyncadd.s32 @p0 $0xFFFFE700;
	s0 =	sor.u32 @!p0 $0x1C02, s31;
	s31 =	sshrl.u32 @!p0 s6, $0x3  }
0xc3: {  	[hbm:s13], [sflag:s0] =	dma.local @!p0 [spmem:s31], $0x2800  }
.Ltmp1:
0xc4: {  	_ = 	snop;
	(pc) =	sbr.rel @p5 .LBB2_1-.Ltmp1, $4  }
0xc5: {  	s0 =	simm.s32 @!p0 $0x2  }
0xc6: {  	_ =	swait.ge @!p0 [sflag:s0], $0x2800  }
0xc7: {  	[sflag:s0] =	ssyncset.done @!p0 $0x0  }
0xc8: {  	[sflag:s0] =	ssyncadd.s32 @!p0 $0xFFFFD800  }
0xc9: {  	_ =	sfence.sel $0x180000  }
0xca: {  	[bflag:$0x0] =	sbarrier.arrive $0xFFFF  }
0xcb: {  	_ =	strace $0x9000004D  }
0xcc: {  	[bflag:$0x2] =	sbarrier.arrive $0xFFFF  }
0xcd: {  	p0 =	sne.s32 s1, $0x0;
	s0 =	rddreg [dreg:$0x2]  }
0xce: {  	s0 =	sadd.s32 @!p0 $0x100000, s0  }
0xcf: {  	[sflag:s0] =	ssyncadd.tile.s32 @!p0 $0x1;
	_ =	shalt  }
.Lfunc_end2:
_tile_overlayer_lowered:
.L_overlay_start_2:
0xd0: {  	(tag) =	ssettag $0x2  }
0xd1: {  	s0 =	rddreg [dreg:$0x0];
	s2 =	stileid.u32  }
0xd2: {  	s1 =	rddreg [dreg:$0x1];
	p0 =	sne.s32 s2, $0x0  }
0xd3: {  	s3 =	rddreg [dreg:$0x2];
	[bflag:$0x3] =	sbarrier.arrive $0xFFFF;
	s2 =	simm.s32 @!p0 $0x1C02  }
0xd4: {  	[timem:s3], [sflag:s2] =	dma.local @!p0 [hbm:s0], s1  }
0xd5: {  	s0 =	simm.s32 @!p0 $0x2  }
0xd6: {  	_ =	swait.ge @!p0 [sflag:s0], s1  }
0xd7: {  	s1 =	ssub.s32 @!p0 $0x0, s1;
	[sflag:s0] =	ssyncset.done @!p0 $0x0  }
0xd8: {  	[sflag:s0] =	ssyncadd.s32 @!p0 s1  }
0xd9: {  	[bflag:$0x3] =	sbarrier.arrive $0xFFFF  }
0xda: {  	_ =	shalt  }

// kernel: kernel.8.cloned.1.call-start
scs
__scs_entry_jumppad:
0x0: {  	(pc) =	sbr.rel $0x88, $3  }
0x1: {  	(tag) =	ssettag $0x0;
	lr =	simm.s32 $0x1  }
0x2: {  	[smem:$0x3F8B] =	sst lr;
	_ =	strace $0xD0000000  }
0x3: {  	_ = 	snop  }
0x4: {  	_ = 	snop  }
0x5: {  	_ = 	snop  }
0x6: {  	_ = 	snop  }
0x7: {  	_ = 	snop  }
__scs_overlays_trampoline_lowered:
0x8: {  	[smem:$0x3F9A] =	sst s0  }
0x9: {  	[smem:$0x3F9B] =	sst s1  }
0xa: {  	[smem:$0x3F9C] =	sst s2  }
0xb: {  	[smem:$0x3F9D] =	sst s3  }
0xc: {  	[smem:$0x3F9E] =	sst s4  }
0xd: {  	[smem:$0x3F9F] =	sst s5  }
0xe: {  	[smem:$0x3FA0] =	sst s6  }
0xf: {  	[smem:$0x3FA1] =	sst s7  }
0x10: {  	[smem:$0x3FA2] =	sst s8  }
0x11: {  	[smem:$0x3FA3] =	sst s9;
	s0 =	simm.s32 @!p0 $0x0  }
0x12: {  	s1 =	sld [smem:$0x3F89];
	s0 =	simm.s32 @p0 $0x1  }
0x13: {  	[smem:$0x3FA4] =	sst s0;
	s0 =	simm.s32 @!p1 $0x0  }
0x14: {  	s2 =	sld [smem:$0x3F88];
	s0 =	simm.s32 @p1 $0x1  }
0x15: {  	[smem:$0x3FA5] =	sst s0;
	s0 =	simm.s32 @!p2 $0x0  }
0x16: {  	s3 =	sld [smem:$0x3FDB];
	s0 =	simm.s32 @p2 $0x1  }
0x17: {  	s4 =	simm.s32 $0x1BF5;
	[smem:$0x3FA7] =	sst s0  }
0x18: {  	s0 =	sld [smem:$0x3F8A];
	_ =	swait.ge [sflag:s4], $0x0  }
0x19: {  	s7 =	sld [smem:$0x3F8B]  }
0x1a: {  	s8 =	sadd.s32 $0xFFFFE003, lr  }
0x1b: {  	s9 =	sadd.s32 $0xFFFFFEF7, lr;
	s5 =	simm.s32 $0xFFFFFFFF;
	p2 =	slt.u32 s8, $0xFFFFF086  }
0x1c: {  	p1 =	slt.u32 s9, $0xF7A;
	s5 =	simm.s32 @!p2 $0x0  }
0x1d: {  	s5 =	simm.s32 @p1 $0x1;
	p0 =	seq.s32 s7, s2  }
0x1e: {  	s7 =	smul.u32 @!p0 $0xF7A, s2;
	p2 =	seq.s32 @!p0 s5, $0x0  }
0x1f: {  	s9 =	smul.u32 $0xF7A, s1;
	s8 =	simm.s32 @!p0 $0x1BF5;
	p2 =	por !p2, p0  }
0x20: {  	[sflag:s8] =	ssyncset.s32 @!p0 $0xFFFFF086;
	s6 =	sadd.s32 @!p0 s3, s7;
	s7 =	simm.s32 @!p0 $0x108  }
0x21: {  	s3 =	sadd.s32 s3, s9;
	s6 =	sadd.s32 @!p0 $0x88, s6;
	s7 =	simm.s32 @p2 $0x1082  }
0x22: {  	[simem:s7], [sflag:s8] =	dma.local @!p0 [hbm:s6], $0xF7A  }
0x23: {  	s9 =	sor.u32 $0xD0000000, s2;
	s6 =	simm.s32 $0x108;
	_ =	swait.ge @!p0 [sflag:s8], $0x0  }
0x24: {  	s3 =	sadd.s32 $0x88, s3;
	s6 =	simm.s32 @!p1 $0x1082;
	[sflag:s4] =	ssyncset.s32 $0xFFFFF086  }
0x25: {  	[simem:s6], [sflag:s4] =	dma.local [hbm:s3], $0xF7A  }
0x26: {  	[smem:$0x3F8B] =	sst s1;
	(tag) =	ssettag s2;
	_ =	strace s9  }
0x27: {  	s1 =	sld [smem:$0x3F9B]  }
0x28: {  	s2 =	sld [smem:$0x3F9C]  }
0x29: {  	s4 =	sld [smem:$0x3F9E]  }
0x2a: {  	p0 =	seq.s32 s5, $0x0;
	s5 =	sld [smem:$0x3F9F]  }
0x2b: {  	s6 =	sld [smem:$0x3FA0]  }
0x2c: {  	s7 =	sld [smem:$0x3FA1]  }
0x2d: {  	s3 =	simm.s32 $0x108;
	s8 =	sld [smem:$0x3FA2]  }
0x2e: {  	s3 =	simm.s32 @!p0 $0x1082;
	s9 =	sld [smem:$0x3FA3]  }
0x2f: {  	lr =	sadd.s32 s0, s3;
	s0 =	sld [smem:$0x3F9A]  }
0x30: {  	s3 =	sld [smem:$0x3F9D]  }
0x31: {  	[smem:$0x3FA6] =	sst s10  }
0x32: {  	s10 =	sld [smem:$0x3FA4];
	_ =	sdelay $0x3  }
0x33: {  	p0 =	seq.s32 s10, $0x1;
	s10 =	sld [smem:$0x3FA6];
	_ =	sdelay $0x3  }
0x34: {  	[smem:$0x3FA6] =	sst s10  }
0x35: {  	s10 =	sld [smem:$0x3FA5];
	_ =	sdelay $0x3  }
0x36: {  	p1 =	seq.s32 s10, $0x1;
	s10 =	sld [smem:$0x3FA6];
	_ =	sdelay $0x3  }
0x37: {  	[smem:$0x3FA6] =	sst s10  }
0x38: {  	s10 =	sld [smem:$0x3FA7]  }
0x39: {  	_ = 	snop;
	(pc) =	sbr.ind lr, $3  }
0x3a: {  	_ = 	snop  }
0x3b: {  	_ = 	snop  }
0x3c: {  	p2 =	seq.s32 s10, $0x1;
	s10 =	sld [smem:$0x3FA6]  }
0x3d: {  	_ =	shalt  }
0x3e: {  	_ =	shalt  }
0x3f: {  	_ =	shalt  }
0x40: {  	_ =	shalt  }
0x41: {  	_ =	shalt  }
0x42: {  	_ =	shalt  }
0x43: {  	_ =	shalt  }
0x44: {  	_ =	shalt  }
0x45: {  	_ =	shalt  }
0x46: {  	_ =	shalt  }
0x47: {  	_ =	shalt  }
0x48: {  	_ =	shalt  }
0x49: {  	_ =	shalt  }
0x4a: {  	_ =	shalt  }
0x4b: {  	_ =	shalt  }
0x4c: {  	_ =	shalt  }
0x4d: {  	_ =	shalt  }
0x4e: {  	_ =	shalt  }
0x4f: {  	_ =	shalt  }
0x50: {  	_ =	shalt  }
0x51: {  	_ =	shalt  }
0x52: {  	_ =	shalt  }
0x53: {  	_ =	shalt  }
0x54: {  	_ =	shalt  }
0x55: {  	_ =	shalt  }
0x56: {  	_ =	shalt  }
0x57: {  	_ =	shalt  }
0x58: {  	_ =	shalt  }
0x59: {  	_ =	shalt  }
0x5a: {  	_ =	shalt  }
0x5b: {  	_ =	shalt  }
0x5c: {  	_ =	shalt  }
0x5d: {  	_ =	shalt  }
0x5e: {  	_ =	shalt  }
0x5f: {  	_ =	shalt  }
0x60: {  	_ =	shalt  }
0x61: {  	_ =	shalt  }
0x62: {  	_ =	shalt  }
0x63: {  	_ =	shalt  }
0x64: {  	_ =	shalt  }
0x65: {  	_ =	shalt  }
0x66: {  	_ =	shalt  }
0x67: {  	_ =	shalt  }
0x68: {  	_ =	shalt  }
0x69: {  	_ =	shalt  }
0x6a: {  	_ =	shalt  }
0x6b: {  	_ =	shalt  }
0x6c: {  	_ =	shalt  }
0x6d: {  	_ =	shalt  }
0x6e: {  	_ =	shalt  }
0x6f: {  	_ =	shalt  }
0x70: {  	_ =	shalt  }
0x71: {  	_ =	shalt  }
0x72: {  	_ =	shalt  }
0x73: {  	_ =	shalt  }
0x74: {  	_ =	shalt  }
0x75: {  	_ =	shalt  }
0x76: {  	_ =	shalt  }
0x77: {  	_ =	shalt  }
0x78: {  	_ =	shalt  }
0x79: {  	_ =	shalt  }
0x7a: {  	_ =	shalt  }
0x7b: {  	_ =	shalt  }
0x7c: {  	_ =	shalt  }
0x7d: {  	_ =	shalt  }
0x7e: {  	_ =	shalt  }
0x7f: {  	_ =	shalt  }
0x80: {  	_ =	shalt  }
0x81: {  	_ =	shalt  }
0x82: {  	_ =	shalt  }
0x83: {  	_ =	shalt  }
0x84: {  	_ =	shalt  }
0x85: {  	_ =	shalt  }
0x86: {  	_ =	shalt  }
0x87: {  	_ =	shalt  }
.Lfunc_end0:
.L_simem_size_0:
called_computation_lowered:
.L_overlay_start_0:
0x88: {  	s2 =	sld [smem:$0x3FD9]  }
0x89: {  	s3 =	sld [smem:$0x3FFE];
	_ =	sdelay $0x1  }
0x8a: {  	s1 =	srdreg.scid  }
0x8b: {  	s0 =	sand.u32 $0x1, s1  }
0x8c: {  	s17 =	sshll.u32 s0, $0xA;
	s2 =	sadd.s32 s3, s2  }
0x8d: {  	s2 =	sadd.s32 s2, s17  }
0x8e: {  	[smem:$0x3FB2] =	sst s2  }
0x8f: {  	_ = 	snop  }
0x90: {  	s2 =	sld [smem:$0x3FC9];
	(tm) =	ssettm $0x1  }
0x91: {  	s18 =	sld [smem:$0x3FFB];
	_ =	sdelay $0x3  }
0x92: {  	_ =	strace s18  }
0x93: {  	s3 =	sld [smem:$0x3FFC];
	_ =	sdelay $0x3  }
0x94: {  	_ =	strace s3  }
0x95: {  	s3 =	sld [smem:$0x3FFD];
	_ =	sdelay $0x3  }
0x96: {  	_ =	strace s3  }
0x97: {  	_ =	strace $0x8FFFFFFF  }
0x98: {  	s19 =	sld [smem:$0x3FDB];
	_ =	sdelay $0x1  }
0x99: {  	s4 =	simm.s32 $_scs_section_size  }
0x9a: {  	s5 =	simm.s32 $_size__tile_overlayer_lowered;
	s6 =	simm.s32 $_tile_overlayer_lowered  }
0x9b: {  	s22 =	simm.s32 $0x1BFF;
	s21 =	sshll.u32 s6, $0x1;
	s3 =	sadd.s32 s4, s19  }
0x9c: {  	s7 =	simm.s32 $0x0;
	s20 =	sshll.u32 s5, $0x1;
	s5 =	sadd.s32 s21, s3  }
0x9d: {  	[timem:s7], [sflag:s22] =	dma.local [hbm:s5], s20  }
0x9e: {  	_ =	swait.ge [sflag:s22], s20  }
0x9f: {  	s4 =	ssub.s32 $0x0, s20;
	[sflag:s22] =	ssyncset.done $0x0  }
0xa0: {  	[sflag:s22] =	ssyncadd.s32 s4;
	_ =	sdelay $0x1  }
0xa1: {  	s23 =	simm.s32 $0x1B8B  }
0xa2: {  	_ =	swait.ge [sflag:s23], $0x1  }
0xa3: {  	[sflag:s23] =	ssyncset.done $0x0  }
0xa4: {  	s25 =	simm.s32 $0x1B8E;
	s24 =	sld [smem:$0x3FFE];
	[sflag:s23] =	ssyncadd.s32 $0xFFFFFFFF  }
0xa5: {  	s26 =	simm.s32 $execute0_lowered;
	[smem:$0x3FD2] =	sst s25  }
0xa6: {  	s5 =	sshll.u32 s26, $0x1;
	_ =	strace $0x80000046;
	[dreg:$0x1] =	wrdreg $0xFFFFFFFF  }
0xa7: {  	s28 =	simm.s32 $_size_execute0_lowered;
	s3 =	sadd.s32 s3, s5;
	[dreg:$0x0] =	wrdreg $0x0  }
0xa8: {  	s5 =	sshll.u32 s28, $0x1;
	[dreg:$0x2] =	wrdreg s3  }
0xa9: {  	[dreg:$0x3] =	wrdreg s5  }
0xaa: {  	[dreg:$0x4] =	wrdreg $0xC0  }
0xab: {  	_ =	task [dreg:s7], $0x5FFFF  }
0xac: {  	[dreg:$0x1] =	wrdreg $0xFFFFFFFF  }
0xad: {  	[dreg:$0x0] =	wrdreg $0x60  }
0xae: {  	[dreg:$0x2] =	wrdreg s2  }
0xaf: {  	[dreg:$0x3] =	wrdreg s24  }
0xb0: {  	[dreg:$0x4] =	wrdreg $0x92000  }
0xb1: {  	[dreg:$0x5] =	wrdreg $0x9  }
0xb2: {  	_ =	task.clear_ibuf [dreg:s7], $0x6FFFF;
	_ =	strace $0x90000046  }
0xb3: {  	s29 =	simm.s32 $0x9;
	_ =	strace $0x80000048  }
0xb4: {  	_ =	swait.ge [sflag:s29], $0x1  }
0xb5: {  	[sflag:s29] =	ssyncadd.s32 $0xFFFFFFFF  }
0xb6: {  	_ =	strace $0x90000048  }
0xb7: {  	_ =	sfence  }
0xb8: {  	s30 =	sld [smem:$0x0];
	_ =	sdelay $0x2  }
0xb9: {  	s31 =	sshll.u32 s1, $0xD;
	s1 =	sshrl.u32 s1, $0x2  }
0xba: {  	s3 =	sand.u32 $0x4000, s31;
	s1 =	sadd.s32 s1, s30  }
0xbb: {  	s0 =	sor.u32 s3, s0;
	s1 =	sshll.u32 s1, $0x11  }
0xbc: {  	s0 =	sor.u32 s1, s0  }
0xbd: {  	s0 =	sadd.s32 $0x8F2B, s0  }
0xbe: {  	[sflag:s0] =	ssyncadd.remote.s32 $0x1  }
0xbf: {  	_ =	sfence.sel $0xFFFF  }
0xc0: {  	[dreg:$0x0] =	wrdreg $0xFFFFFFFF;
	(pc) =	sbr.abs _section_cstart, $3  }
0xc1: {  	[dreg:$0x1] =	wrdreg $0xFFFFFFFF  }
0xc2: {  	_ =	task.clear_ibuf [dreg:s7], $0x2FFFF;
	_ =	strace $0x9FFFFFFF  }
0xc3: {  	(tm) =	ssettm $0x7FFFFFFF  }
tec
execute0_lowered:
.L_overlay_start_1:
0x0: {  	(tag) =	ssettag $0x1  }
0x1: {  	s1 =	rddreg [dreg:$0x0]  }
0x2: {  	s0 =	rddreg [dreg:$0x1]  }
0x3: {  	s3 =	rddreg [dreg:$0x2];
	s4 =	simm.s32 $0x0;
	s2 =	stileid.u32  }
0x4: {  	s5 =	srdreg.scid;
	s17 =	simm.s32 $0x4000;
	s18 =	simm.s32 $0x4200  }
0x5: {  	s28 =	simm.s32 $0x4100;
	s29 =	simm.s32 $0x4180;
	s30 =	simm.s32 $0x0  }
0x6: {  	[smem:$0x7FF] =	sst s4;
	s7 =	smul.u32 $0x2800, s2;
	s6 =	sshll.u32 s2, $0xB  }
0x7: {  	s8 =	sand.u32 $0x1, s5;
	s13 =	sadd.s32 $0x3AC00, s0;
	s25 =	smul.u32 $0x50000, s2  }
0x8: {  	p2 =	sne.s32 s2, $0xF;
	p0 =	seq.s32 s2, $0xF;
	s15 =	smul.u32 $0x14000, s2  }
0x9: {  	_ =	strace $0x80000047;
	s23 =	sadd.s32 s6, s0;
	s24 =	ssub.s32 $0x2, s8  }
0xa: {  	s10 =	sshll.u32 s8, $0xF;
	p3 =	seq.s32 s8, $0x0;
	p4 =	seq.s32 s8, $0x1  }
0xb: {  	s12 =	smul.u32 $0x138800, s8;
	s8 =	sadd.s32 $0x12C000, s3;
	s11 =	sadd.s32 s7, s0  }
0xc: {  	s9 =	sshrl.u32 s24, $0x1;
	s5 =	sadd.s32 s10, s23;
	p1 =	por !p3, !p2  }
0xd: {  	s6 =	sshrl.u32 s25, $0x2;
	s7 =	sadd.s32 s1, s7;
	p2 =	por !p2, !p4  }
0xe: {  	p3 =	por !p3, !p0;
	p4 =	por !p0, !p4;
	s10 =	sadd.s32 $0x39200, s0  }
0xf: {  	s25 =	simm.s32 $0x4080;
	s14 =	ssub.s32 s24, s9;
	s5 =	sadd.s32 $0x3A00, s5  }
0x10: {  	p1 =	por !p1, !p1;
	s6 =	sadd.s32 s6, s3;
	p2 =	por !p2, !p2  }
0x11: {  	p3 =	por !p3, !p3;
	s9 =	sadd.s32 $0x25800, s1;
	p4 =	por !p4, !p4  }
0x12: {  	s16 =	sshrl.u32 s12, $0x3;
	s15 =	sadd.s32 s15, s12;
	s11 =	sadd.s32 $0x13A00, s11  }
0x13: {  	s24 =	simm.s32 $0x1;
	s26 =	sadd.s32 s13, s16;
	s31 =	sshrl.u32 s15, $0x3  }
0x14: {  	s14 =	smax.u32 s14, $0x1;
	s15 =	simm.s32 $0x2;
	s16 =	simm.s32 $0x50  }
0x15: {  	s0 =	sshll.u32 @p1 s2, $0x6;
	s20 =	sshrl.u32 @p1 s6, $0x3;
	p3 =	por !p3, p2  }
0x16: {  	p4 =	por !p4, p2;
	s12 =	sadd.s32 $0x25800, s26;
	s13 =	sadd.s32 s13, s31  }
0x17: {  	s19 =	sor.u32 @p1 $0x1C02, s0;
	s0 =	sshll.u32 @p2 s2, $0x6;
	s21 =	sshrl.u32 @!p3 s8, $0x3  }
0x18: {  	s22 =	sshrl.u32 @!p4 s8, $0x3;
	s26 =	simm.s32 $0x6A00;
	s23 =	sor.u32 @p2 $0x1C02, s0  }
.LBB2_1:
0x19: {  	[tilespmem:s4], [sflag:$0x2] =	stream.linear.gather [hbm4b:s5+s4], $0x3E80, $0x38;
	[tilespmem:$0x1CA80] =	vst v63  }
0x1a: {  	_ =	swait.ge [sflag:s15], $0x3E80  }
0x1b: {  	[sflag:s15] =	ssyncset.done $0x0  }
0x1c: {  	[sflag:s15] =	ssyncadd.s32 $0xFFFFC180  }
0x1d: {  	v0 =	vld [tilespmem:$0x0];
	_ =	sdelay $0x1  }
0x1e: {  	v1 =	vld [tilespmem:$0x10];
	_ =	sdelay $0x1  }
0x1f: {  	v2 =	vld [tilespmem:$0x20]  }
0x20: {  	v3 =	vand.u32 $0xFFFF, v0  }
0x21: {  	v0 =	vshrl.u32 v0, $0x10;
	[tilespmem:$0x4000] =	vst v3;
	v3 =	vld [tilespmem:$0x30]  }
0x22: {  	[tilespmem:$0x4100] =	vst v0;
	v0 =	vand.u32 $0xFFFF, v1  }
0x23: {  	[tilespmem:$0x4010] =	vst v0;
	v0 =	vshrl.u32 v1, $0x10;
	v1 =	vld [tilespmem:$0x40]  }
0x24: {  	[tilespmem:$0x4110] =	vst v0;
	v0 =	vand.u32 $0xFFFF, v2  }
0x25: {  	[tilespmem:$0x4020] =	vst v0;
	v0 =	vshrl.u32 v2, $0x10  }
0x26: {  	[tilespmem:$0x4120] =	vst v0;
	v0 =	vand.u32 $0xFFFF, v3  }
0x27: {  	[tilespmem:$0x4030] =	vst v0;
	v0 =	vshrl.u32 v3, $0x10  }
0x28: {  	[tilespmem:$0x4130] =	vst v0;
	v0 =	vand.u32 $0xFFFF, v1  }
0x29: {  	[tilespmem:$0x4040] =	vst v0;
	v0 =	vshrl.u32 v1, $0x10  }
0x2a: {  	s0 =	simm.s32 @p1 $0x2;
	[tilespmem:$0x4140] =	vst v0  }
0x2b: {  	[tilespmem:s18], [sflag:$0x1] =	stream.indirect.gather [hbm4b:s1+s16], $0x80, s17, s16, $0xb8;
	[tilespmem:$0x1CA80] =	vst v63  }
0x2c: {  	[spmem:s20], [sflag:s19] =	dma.local @p1 [hbm:s7], $0x2800  }
0x2d: {  	_ =	swait.ge @p1 [sflag:s0], $0x2800  }
0x2e: {  	[sflag:s0] =	ssyncset.done @p1 $0x0  }
0x2f: {  	[sflag:s0] =	ssyncadd.s32 @p1 $0xFFFFD800;
	s0 =	simm.s32 @!p3 $0x1FC2  }
0x30: {  	[spmem:s21], [sflag:s0] =	dma.local @!p3 [hbm:s9], $0x1900  }
0x31: {  	s0 =	simm.s32 @!p3 $0x2  }
0x32: {  	_ =	swait.ge @!p3 [sflag:s0], $0x1900  }
0x33: {  	[sflag:s0] =	ssyncset.done @!p3 $0x0  }
0x34: {  	[sflag:s0] =	ssyncadd.s32 @!p3 $0xFFFFE700;
	s0 =	simm.s32 @!p4 $0x1FC2  }
0x35: {  	[spmem:s22], [sflag:s0] =	dma.local @!p4 [hbm:s10], $0x1900  }
0x36: {  	s0 =	simm.s32 @!p4 $0x2  }
0x37: {  	_ =	swait.ge @!p4 [sflag:s0], $0x1900  }
0x38: {  	[sflag:s0] =	ssyncset.done @!p4 $0x0  }
0x39: {  	[sflag:s0] =	ssyncadd.s32 @!p4 $0xFFFFE700;
	s0 =	sshrl.u32 @p2 s6, $0x3  }
0x3a: {  	[spmem:s0], [sflag:s23] =	dma.local @p2 [hbm:s11], $0x2800  }
0x3b: {  	s0 =	simm.s32 @p2 $0x2  }
0x3c: {  	_ =	swait.ge @p2 [sflag:s0], $0x2800  }
0x3d: {  	[sflag:s0] =	ssyncset.done @p2 $0x0  }
0x3e: {  	[sflag:s0] =	ssyncadd.s32 @p2 $0xFFFFD800  }
0x3f: {  	s0 =	simm.s32 $0x0;
	[bflag:$0x0] =	sbarrier.arrive $0xFFFF  }
0x40: {  	v0 =	vld [tilespmem:s0+$0x80];
	_ =	sdelay $0x4  }
0x41: {  	v1 =	vand.u32 $0xFFFF, v0  }
0x42: {  	v0 =	vshrl.u32 v0, $0x10;
	[tilespmem:$0x4080] =	vst v1  }
0x43: {  	[tilespmem:$0x4180] =	vst v0  }
0x44: {  	v0 =	vld [tilespmem:s0+$0x90];
	_ =	sdelay $0x4  }
0x45: {  	v1 =	vand.u32 $0xFFFF, v0  }
0x46: {  	v0 =	vshrl.u32 v0, $0x10;
	[tilespmem:$0x4090] =	vst v1  }
0x47: {  	[tilespmem:$0x4190] =	vst v0  }
0x48: {  	v0 =	vld [tilespmem:s0+$0xA0];
	_ =	sdelay $0x4  }
0x49: {  	v1 =	vand.u32 $0xFFFF, v0  }
0x4a: {  	v0 =	vshrl.u32 v0, $0x10;
	[tilespmem:$0x40A0] =	vst v1  }
0x4b: {  	[tilespmem:$0x41A0] =	vst v0  }
0x4c: {  	v0 =	vld [tilespmem:s0+$0xB0];
	_ =	sdelay $0x4  }
0x4d: {  	v1 =	vand.u32 $0xFFFF, v0  }
0x4e: {  	v0 =	vshrl.u32 v0, $0x10;
	[tilespmem:$0x40B0] =	vst v1  }
0x4f: {  	[tilespmem:$0x41B0] =	vst v0  }
0x50: {  	v0 =	vld [tilespmem:s0+$0xC0];
	_ =	sdelay $0x4  }
0x51: {  	v1 =	vand.u32 $0xFFFF, v0  }
0x52: {  	v0 =	vshrl.u32 v0, $0x10;
	[tilespmem:$0x40C0] =	vst v1  }
0x53: {  	[tilespmem:$0x41C0] =	vst v0  }
0x54: {  	_ =	swait.ge [sflag:s24], $0x2800  }
0x55: {  	[sflag:s24] =	ssyncset.done $0x0  }
0x56: {  	[sflag:s24] =	ssyncadd.s32 $0xFFFFD800  }
0x57: {  	[tilespmem:s26], [sflag:$0x1] =	stream.indirect.gather [hbm4b:s1+s16], $0x80, s25, s16, $0xb8;
	[tilespmem:$0x1CA80] =	vst v63  }
0x58: {  	_ = 	snop  }
0x59: {  	[spmem:s3] =	stream.indirect.scatter.add.f32 [tilespmem:s18], [sflag:$0x2], $0x80, s28, s16, $0xb8;
	[tilespmem:$0x1CA80] =	vst v63  }
0x5a: {  	_ =	swait.ge [sflag:s15], $0x2800  }
0x5b: {  	[sflag:s15] =	ssyncset.done $0x0  }
0x5c: {  	[sflag:s15] =	ssyncadd.s32 $0xFFFFD800  }
0x5d: {  	v0 =	vld [tilespmem:s0+$0x100];
	_ =	sdelay $0x4  }
0x5e: {  	v1 =	vand.u32 $0xFFFF, v0  }
0x5f: {  	v0 =	vshrl.u32 v0, $0x10;
	[tilespmem:$0x4000] =	vst v1  }
0x60: {  	[tilespmem:$0x4100] =	vst v0  }
0x61: {  	v0 =	vld [tilespmem:s0+$0x110];
	_ =	sdelay $0x4  }
0x62: {  	v1 =	vand.u32 $0xFFFF, v0  }
0x63: {  	v0 =	vshrl.u32 v0, $0x10;
	[tilespmem:$0x4010] =	vst v1  }
0x64: {  	[tilespmem:$0x4110] =	vst v0  }
0x65: {  	v0 =	vld [tilespmem:s0+$0x120];
	_ =	sdelay $0x4  }
0x66: {  	v1 =	vand.u32 $0xFFFF, v0  }
0x67: {  	v0 =	vshrl.u32 v0, $0x10;
	[tilespmem:$0x4020] =	vst v1  }
0x68: {  	[tilespmem:$0x4120] =	vst v0  }
0x69: {  	v0 =	vld [tilespmem:s0+$0x130];
	_ =	sdelay $0x4  }
0x6a: {  	v1 =	vand.u32 $0xFFFF, v0  }
0x6b: {  	v0 =	vshrl.u32 v0, $0x10;
	[tilespmem:$0x4030] =	vst v1  }
0x6c: {  	[tilespmem:$0x4130] =	vst v0  }
0x6d: {  	v0 =	vld [tilespmem:s0+$0x140];
	_ =	sdelay $0x4  }
0x6e: {  	s31 =	simm.s32 $0x400;
	v1 =	vand.u32 $0xFFFF, v0;
	v0 =	vshrl.u32 v0, $0x10  }
.LBB2_2:
0x6f: {  	p5 =	sne.s32 s31, $0xF400;
	[tilespmem:$0x4040] =	vst v1;
	s0 =	smov.u32 s31;
	s31 =	sadd.s32 $0x400, s31  }
0x70: {  	[tilespmem:$0x4140] =	vst v0  }
0x71: {  	_ =	swait.ge [sflag:s24], $0x2800  }
0x72: {  	[sflag:s24] =	ssyncset.done $0x0  }
0x73: {  	[sflag:s24] =	ssyncadd.s32 $0xFFFFD800  }
0x74: {  	[tilespmem:s18], [sflag:$0x1] =	stream.indirect.gather [hbm4b:s1+s16], $0x80, s17, s16, $0xb8;
	[tilespmem:$0x1CA80] =	vst v63  }
0x75: {  	_ = 	snop  }
0x76: {  	[spmem:s3] =	stream.indirect.scatter.add.f32 [tilespmem:s26], [sflag:$0x2], $0x80, s29, s16, $0xb8;
	[tilespmem:$0x1CA80] =	vst v63  }
0x77: {  	_ =	swait.ge [sflag:s15], $0x2800  }
0x78: {  	[sflag:s15] =	ssyncset.done $0x0  }
0x79: {  	s0 =	sshra.s32 s0, $0x2;
	[sflag:s15] =	ssyncadd.s32 $0xFFFFD800  }
0x7a: {  	v0 =	vld [tilespmem:s0+$0x80];
	_ =	sdelay $0x4  }
0x7b: {  	v1 =	vand.u32 $0xFFFF, v0;
	v0 =	vshrl.u32 v0, $0x10  }
0x7c: {  	[tilespmem:$0x4080] =	vst v1  }
0x7d: {  	[tilespmem:$0x4180] =	vst v0  }
0x7e: {  	v0 =	vld [tilespmem:s0+$0x90];
	_ =	sdelay $0x4  }
0x7f: {  	v1 =	vand.u32 $0xFFFF, v0;
	v0 =	vshrl.u32 v0, $0x10  }
0x80: {  	[tilespmem:$0x4090] =	vst v1  }
0x81: {  	[tilespmem:$0x4190] =	vst v0  }
0x82: {  	v0 =	vld [tilespmem:s0+$0xA0];
	_ =	sdelay $0x4  }
0x83: {  	v1 =	vand.u32 $0xFFFF, v0;
	v0 =	vshrl.u32 v0, $0x10  }
0x84: {  	[tilespmem:$0x40A0] =	vst v1  }
0x85: {  	[tilespmem:$0x41A0] =	vst v0  }
0x86: {  	v0 =	vld [tilespmem:s0+$0xB0];
	_ =	sdelay $0x4  }
0x87: {  	v1 =	vand.u32 $0xFFFF, v0;
	v0 =	vshrl.u32 v0, $0x10  }
0x88: {  	[tilespmem:$0x40B0] =	vst v1  }
0x89: {  	[tilespmem:$0x41B0] =	vst v0  }
0x8a: {  	v0 =	vld [tilespmem:s0+$0xC0];
	_ =	sdelay $0x4  }
0x8b: {  	v1 =	vand.u32 $0xFFFF, v0;
	v0 =	vshrl.u32 v0, $0x10  }
0x8c: {  	[tilespmem:$0x40C0] =	vst v1  }
0x8d: {  	[tilespmem:$0x41C0] =	vst v0  }
0x8e: {  	_ =	swait.ge [sflag:s24], $0x2800  }
0x8f: {  	[sflag:s24] =	ssyncset.done $0x0  }
0x90: {  	[sflag:s24] =	ssyncadd.s32 $0xFFFFD800  }
0x91: {  	[tilespmem:s26], [sflag:$0x1] =	stream.indirect.gather [hbm4b:s1+s16], $0x80, s25, s16, $0xb8;
	[tilespmem:$0x1CA80] =	vst v63  }
0x92: {  	_ = 	snop  }
0x93: {  	[spmem:s3] =	stream.indirect.scatter.add.f32 [tilespmem:s18], [sflag:$0x2], $0x80, s28, s16, $0xb8;
	[tilespmem:$0x1CA80] =	vst v63  }
0x94: {  	_ =	swait.ge [sflag:s15], $0x2800  }
0x95: {  	[sflag:s15] =	ssyncset.done $0x0  }
0x96: {  	[sflag:s15] =	ssyncadd.s32 $0xFFFFD800  }
0x97: {  	v0 =	vld [tilespmem:s0+$0x100];
	_ =	sdelay $0x4  }
0x98: {  	v1 =	vand.u32 $0xFFFF, v0;
	v0 =	vshrl.u32 v0, $0x10  }
0x99: {  	[tilespmem:$0x4000] =	vst v1  }
0x9a: {  	[tilespmem:$0x4100] =	vst v0  }
0x9b: {  	v0 =	vld [tilespmem:s0+$0x110];
	_ =	sdelay $0x4  }
0x9c: {  	v1 =	vand.u32 $0xFFFF, v0;
	v0 =	vshrl.u32 v0, $0x10  }
0x9d: {  	[tilespmem:$0x4010] =	vst v1  }
0x9e: {  	[tilespmem:$0x4110] =	vst v0  }
0x9f: {  	v0 =	vld [tilespmem:s0+$0x120];
	_ =	sdelay $0x4  }
0xa0: {  	v1 =	vand.u32 $0xFFFF, v0;
	v0 =	vshrl.u32 v0, $0x10  }
0xa1: {  	[tilespmem:$0x4020] =	vst v1  }
0xa2: {  	[tilespmem:$0x4120] =	vst v0  }
0xa3: {  	v0 =	vld [tilespmem:s0+$0x130];
	_ =	sdelay $0x4  }
0xa4: {  	v1 =	vand.u32 $0xFFFF, v0;
	v0 =	vshrl.u32 v0, $0x10  }
0xa5: {  	[tilespmem:$0x4030] =	vst v1  }
0xa6: {  	[tilespmem:$0x4130] =	vst v0  }
0xa7: {  	v0 =	vld [tilespmem:s0+$0x140]  }
.Ltmp0:
0xa8: {  	(pc) =	sbr.rel @p5 .LBB2_2-.Ltmp0, $2  }
0xa9: {  	_ =	sdelay $0x2  }
0xaa: {  	v1 =	vand.u32 $0xFFFF, v0;
	v0 =	vshrl.u32 v0, $0x10  }
0xab: {  	[tilespmem:$0x4040] =	vst v1  }
0xac: {  	[tilespmem:$0x4140] =	vst v0  }
0xad: {  	_ =	swait.ge [sflag:s24], $0x2800  }
0xae: {  	[sflag:s24] =	ssyncset.done $0x0  }
0xaf: {  	[sflag:s24] =	ssyncadd.s32 $0xFFFFD800  }
0xb0: {  	[tilespmem:s18], [sflag:$0x1] =	stream.indirect.gather [hbm4b:s1+s16], $0x80, s17, s16, $0xb8;
	[tilespmem:$0x1CA80] =	vst v63  }
0xb1: {  	_ = 	snop  }
0xb2: {  	[spmem:s3] =	stream.indirect.scatter.add.f32 [tilespmem:s26], [sflag:$0x2], $0x80, s29, s16, $0xb8;
	[tilespmem:$0x1CA80] =	vst v63  }
0xb3: {  	_ =	swait.ge [sflag:s15], $0x2800  }
0xb4: {  	[sflag:s15] =	ssyncset.done $0x0  }
0xb5: {  	[sflag:s15] =	ssyncadd.s32 $0xFFFFD800  }
0xb6: {  	_ =	swait.ge [sflag:s24], $0x2800  }
0xb7: {  	[sflag:s24] =	ssyncset.done $0x0  }
0xb8: {  	[sflag:s24] =	ssyncadd.s32 $0xFFFFD800  }
0xb9: {  	[spmem:s3] =	stream.indirect.scatter.add.f32 [tilespmem:s18], [sflag:$0x2], $0x80, s28, s16, $0xb8;
	[tilespmem:$0x1CA80] =	vst v63  }
0xba: {  	_ =	swait.ge [sflag:s15], $0x2800  }
0xbb: {  	[sflag:s15] =	ssyncset.done $0x0  }
0xbc: {  	[sflag:s15] =	ssyncadd.s32 $0xFFFFD800  }
0xbd: {  	s0 =	sshrl.u32 @p0 s8, $0x3;
	s31 =	simm.s32 @p0 $0x1FC2;
	[bflag:$0x0] =	sbarrier.arrive $0xFFFF  }
0xbe: {  	[hbm:s12], [sflag:s31] =	dma.local @p0 [spmem:s0], $0x1900  }
0xbf: {  	s0 =	simm.s32 @p0 $0x2  }
0xc0: {  	s30 =	sadd.s32 $0x1, s30;
	_ =	swait.ge @p0 [sflag:s0], $0x1900  }
0xc1: {  	p5 =	sne.s32 s30, s14;
	s31 =	sshll.u32 @!p0 s2, $0x6;
	[sflag:s0] =	ssyncset.done @p0 $0x0  }
0xc2: {  	[sflag:s0] =	ssyncadd.s32 @p0 $0xFFFFE700;
	s0 =	sor.u32 @!p0 $0x1C02, s31;
	s31 =	sshrl.u32 @!p0 s6, $0x3  }
0xc3: {  	[hbm:s13], [sflag:s0] =	dma.local @!p0 [spmem:s31], $0x2800  }
.Ltmp1:
0xc4: {  	_ = 	snop;
	(pc) =	sbr.rel @p5 .LBB2_1-.Ltmp1, $4  }
0xc5: {  	s0 =	simm.s32 @!p0 $0x2  }
0xc6: {  	_ =	swait.ge @!p0 [sflag:s0], $0x2800  }
0xc7: {  	[sflag:s0] =	ssyncset.done @!p0 $0x0  }
0xc8: {  	[sflag:s0] =	ssyncadd.s32 @!p0 $0xFFFFD800  }
0xc9: {  	_ =	sfence.sel $0x180000  }
0xca: {  	[bflag:$0x0] =	sbarrier.arrive $0xFFFF  }
0xcb: {  	_ =	strace $0x90000047  }
0xcc: {  	[bflag:$0x2] =	sbarrier.arrive $0xFFFF  }
0xcd: {  	p0 =	sne.s32 s2, $0x0;
	s0 =	rddreg [dreg:$0x3]  }
0xce: {  	s0 =	sadd.s32 @!p0 $0x100000, s0  }
0xcf: {  	[sflag:s0] =	ssyncadd.tile.s32 @!p0 $0x1;
	_ =	shalt  }
.Lfunc_end2:
_tile_overlayer_lowered:
.L_overlay_start_2:
0xd0: {  	(tag) =	ssettag $0x2  }
0xd1: {  	s0 =	rddreg [dreg:$0x0];
	s2 =	stileid.u32  }
0xd2: {  	s1 =	rddreg [dreg:$0x1];
	p0 =	sne.s32 s2, $0x0  }
0xd3: {  	s3 =	rddreg [dreg:$0x2];
	[bflag:$0x3] =	sbarrier.arrive $0xFFFF;
	s2 =	simm.s32 @!p0 $0x1C02  }
0xd4: {  	[timem:s3], [sflag:s2] =	dma.local @!p0 [hbm:s0], s1  }
0xd5: {  	s0 =	simm.s32 @!p0 $0x2  }
0xd6: {  	_ =	swait.ge @!p0 [sflag:s0], s1  }
0xd7: {  	s1 =	ssub.s32 @!p0 $0x0, s1;
	[sflag:s0] =	ssyncset.done @!p0 $0x0  }
0xd8: {  	[sflag:s0] =	ssyncadd.s32 @!p0 s1  }
0xd9: {  	[bflag:$0x3] =	sbarrier.arrive $0xFFFF  }
0xda: {  	_ =	shalt  }

</sc_bundles>
